<compile_context>
chip_gen: v7x
topology: tpu7x:2x2x1
jax: 0.10.2.dev20260603
libtpu: 0.0.44.dev20260713+nightly
codegen_flags: <defaults>
</compile_context>

<pallas_src>
import functools

import jax
import jax.numpy as jnp
from jax.experimental import pallas as pl
from jax.experimental.pallas import tpu as pltpu

XY = 16
ZD = 8
S = XY * XY * ZD
NEIGH = ((0, 0, 0), (1, 0, 0), (-1, 0, 0), (0, 1, 0), (0, -1, 0), (0, 0, 1), (0, 0, 2))

S_BLK = 256


def _emis_body(oh_ref, em_ref, out_ref, *, num_tok):
    em = em_ref[...]
    m = jnp.max(em, axis=1, keepdims=True)
    lse = jnp.log(jnp.sum(jnp.exp(em - m), axis=1, keepdims=True)) + m
    g = jax.lax.dot_general(
        em.astype(jnp.bfloat16), oh_ref[...],
        dimension_numbers=(((1,), (0,)), ((), ())),
        preferred_element_type=jnp.float32)
    out_ref[...] = (g - num_tok * lse).T


def _rec_body(emlp_ref, trans_ref, pri_ref, out_ref, tt_ref, *, batch, steps):
    trans = trans_ref[...]
    tm = jnp.max(trans, axis=1, keepdims=True)
    tlse = jnp.log(jnp.sum(jnp.exp(trans - tm), axis=1, keepdims=True)) + tm
    logsm = trans - tlse

    for pb in range(S // S_BLK):
        prev = pb * S_BLK + jax.lax.broadcasted_iota(jnp.int32, (S_BLK, S), 0)
        nxt = jax.lax.broadcasted_iota(jnp.int32, (S_BLK, S), 1)
        xp = prev % XY
        yp = (prev // XY) % XY
        zp = prev // (XY * XY)
        xn = nxt % XY
        yn = (nxt // XY) % XY
        zn = nxt // (XY * XY)
        blk = jnp.full((S_BLK, S), -jnp.inf, jnp.float32)
        for k, (ox, oy, oz) in enumerate(NEIGH):
            mk = (xn - xp == ox) & (yn - yp == oy) & (zn - zp == oz)
            wk = logsm[pb * S_BLK:(pb + 1) * S_BLK, k:k + 1]
            blk = jnp.where(mk, wk, blk)
        tt_ref[pl.ds(pb * S_BLK, S_BLK), :] = blk

    pri = pri_ref[...]
    pm = jnp.max(pri, axis=1, keepdims=True)
    plse = jnp.log(jnp.sum(jnp.exp(pri - pm), axis=1, keepdims=True)) + pm
    scores = emlp_ref[0:batch, :] + (pri - plse)
    for t in range(1, steps):
        pre = jnp.zeros((batch, S), jnp.float32)
        for pb in range(S // S_BLK):
            pre = pre + jax.lax.dot_general(
                scores[:, pb * S_BLK:(pb + 1) * S_BLK],
                tt_ref[pl.ds(pb * S_BLK, S_BLK), :],
                dimension_numbers=(((1,), (0,)), ((), ())),
                preferred_element_type=jnp.float32)
        scores = pre * emlp_ref[t * batch:(t + 1) * batch, :]
    out_ref[...] = scores


def kernel(stories_tensor, story_length, length, emission_unnorm,
           transition_unnorm, state_priors_unnorm):
    B, T, L = stories_tensor.shape
    V = emission_unnorm.shape[1]
    C = B * T

    tok = jnp.transpose(stories_tensor, (1, 0, 2)).reshape(-1)
    col = jnp.repeat(jnp.arange(C, dtype=jnp.int32), L)
    onehot = (jnp.zeros((V, C), jnp.float32).at[tok, col].add(1.0)
              ).astype(jnp.bfloat16)

    emlp = pl.pallas_call(
        functools.partial(_emis_body, num_tok=float(L)),
        grid=(S // S_BLK,),
        in_specs=[
            pl.BlockSpec((V, C), lambda i: (0, 0)),
            pl.BlockSpec((S_BLK, V), lambda i: (i, 0)),
        ],
        out_specs=pl.BlockSpec((C, S_BLK), lambda i: (0, i)),
        out_shape=jax.ShapeDtypeStruct((C, S), jnp.float32),
    )(onehot, emission_unnorm)

    scores = pl.pallas_call(
        functools.partial(_rec_body, batch=B, steps=T),
        in_specs=[
            pl.BlockSpec((C, S), lambda: (0, 0)),
            pl.BlockSpec((S, 7), lambda: (0, 0)),
            pl.BlockSpec((1, S), lambda: (0, 0)),
        ],
        out_specs=pl.BlockSpec((B, S), lambda: (0, 0)),
        out_shape=jax.ShapeDtypeStruct((B, S), jnp.float32),
        scratch_shapes=[pltpu.VMEM((S, S), jnp.float32)],
    )(emlp, transition_unnorm, state_priors_unnorm.reshape(1, S))
    return scores

# --- scband reference (transcript-rebuilt; emitter-appended) ---
"""Pipeline reference for scband-scalar3-dhmm-4440996184887 (READ-ONLY COPY).

The authoritative reference and input builder live on the scoring server;
editing this copy changes nothing except your own understanding.
"""

import jax, jax.numpy as jnp
import numpy as np

XY = 16
Z = 8
S = XY * XY * Z  # 2048 states
V = 10000
B = 64
T_LEN = 8
SENT = 16


def _emission_logp(em_mat, sentences):
    # em_mat: [S, V] (softmax-normalized); sentences: int [B, L]
    em = jnp.take(em_mat, sentences, axis=1)      # [S, B, L]
    em = jnp.transpose(em, (1, 0, 2))             # [B, S, L]
    return jnp.log(em).sum(-1)                    # [B, S]


def _transition_logmat(trans_unnorm):
    # Precompute T[next, prev] = log_softmax(trans_unnorm[prev])[neighbor_idx]
    # if coord(next)-coord(prev) is one of the 7 neighbor offsets, else log(0) = -inf
    s = jnp.arange(S)
    z = s // (XY * XY)
    rem = s % (XY * XY)
    y = rem // XY
    x = rem % XY
    coords = jnp.stack([x, y, z], axis=1)                     # [S, 3]
    diffs = coords[:, None, :] - coords[None, :, :]           # [S, S, 3] = next - prev
    neighbors = jnp.array([[0, 0, 0], [1, 0, 0], [-1, 0, 0], [0, 1, 0], [0, -1, 0], [0, 0, 1], [0, 0, 2]], dtype=coords.dtype)
    match = (diffs[:, :, None, :] == neighbors[None, None, :, :]).all(-1)  # [S, S, 7]
    valid = match.any(-1)                                     # [S, S]
    idx = jnp.argmax(match, axis=-1)                          # [S, S]
    logsm = jax.nn.log_softmax(trans_unnorm, axis=-1)         # [S, 7]
    prev_idx = jnp.broadcast_to(jnp.arange(S)[None, :], (S, S))
    Tmat = jnp.where(valid, logsm[prev_idx, idx], -jnp.inf)   # [next, prev]
    return Tmat


def setup_inputs(seed: int = 0):
    key = jax.random.key(seed)
    k1, k2, k3, k4 = jax.random.split(key, 4)
    return {
        "stories_tensor": jax.random.randint(k1, (B, T_LEN, SENT), 0, V, dtype=jnp.int32),
        "story_length": T_LEN,
        "length": SENT,
        "emission_unnorm": jax.random.normal(k2, (S, V), dtype=jnp.float32),
        "transition_unnorm": jax.random.normal(k3, (S, 7), dtype=jnp.float32),
        "state_priors_unnorm": jax.random.normal(k4, (S,), dtype=jnp.float32),
    }


def reference(stories_tensor, story_length, length, emission_unnorm, transition_unnorm, state_priors_unnorm):
    em_mat = jax.nn.softmax(emission_unnorm, axis=1)
    priors = jax.nn.log_softmax(state_priors_unnorm, axis=0)
    scores = _emission_logp(em_mat, stories_tensor[:, 0]) + priors   # [B, S]
    Tmat = _transition_logmat(transition_unnorm)                     # [S, S]

    def _step(i, scores):
        em_i = _emission_logp(em_mat, stories_tensor[:, i])          # [B, S]
        # vectorized form of: scores_next[:, s] = sum_prev T[s, prev] * em_i[:, s] * scores[:, prev]
        return (scores @ Tmat.T) * em_i

    scores = jax.lax.fori_loop(1, story_length, _step, scores)
    return scores

if __name__ == "__main__":
    import jax
    _d = setup_inputs()
    print(jax.jit(kernel)(*tuple(_d.values())))

</pallas_src>

<mosaic_0001>
module attributes {stable_mosaic.version = 14 : i64} {
  func.func @_emis_body(%arg0: i32, %arg1: memref<10000x512xbf16, #tpu.memory_space<vmem>>, %arg2: memref<256x10000xf32, #tpu.memory_space<vmem>>, %arg3: memref<512x256xf32, #tpu.memory_space<vmem>>) attributes {dimension_semantics = [#tpu.dimension_semantics<arbitrary>], iteration_bounds = array<i64: 8>, scalar_prefetch = 0 : i64, scratch_operands = 0 : i64, tpu.core_type = #tpu.core_type<tc>, window_params = [{pipeline_mode = #tpu.pipeline_mode<synchronous>, transform_indices = @transform_0, window_bounds = array<i64: 10000, 512>}, {transform_indices = @transform_1, window_bounds = array<i64: 256, 10000>}, {transform_indices = @transform_2, window_bounds = array<i64: 512, 256>}]} {
    %get3A = arith.constant 0 : index
    %get3A_0 = arith.constant 0 : index
    %get3A_1 = vector.load %arg2[%get3A, %get3A_0] : memref<256x10000xf32, #tpu.memory_space<vmem>>, vector<256x10000xf32>
    %reduce_max3A = arith.constant dense<0xFF800000> : vector<256xf32>
    %reduce_max3A_2 = vector.multi_reduction <maximumf>, %get3A_1, %reduce_max3A [1] : vector<256x10000xf32> to vector<256xf32>
    %broadcast_in_dim3A = vector.shape_cast %reduce_max3A_2 : vector<256xf32> to vector<256x1xf32>
    %sub3A = vector.broadcast %broadcast_in_dim3A : vector<256x1xf32> to vector<256x10000xf32>
    %sub3A_3 = arith.subf %get3A_1, %sub3A : vector<256x10000xf32>
    %exp3A = math.exp %sub3A_3 : vector<256x10000xf32>
    %reduce_sum3A = arith.constant dense<0.000000e+00> : vector<256xf32>
    %reduce_sum3A_4 = vector.multi_reduction <add>, %exp3A, %reduce_sum3A [1] : vector<256x10000xf32> to vector<256xf32>
    %broadcast_in_dim3A_5 = vector.shape_cast %reduce_sum3A_4 : vector<256xf32> to vector<256x1xf32>
    %log3A = math.log %broadcast_in_dim3A_5 : vector<256x1xf32>
    %add3A = arith.addf %log3A, %broadcast_in_dim3A : vector<256x1xf32>
    %convert_element_type3A = arith.truncf %get3A_1 : vector<256x10000xf32> to vector<256x10000xbf16>
    %get3A_6 = arith.constant 0 : index
    %get3A_7 = arith.constant 0 : index
    %get3A_8 = vector.load %arg1[%get3A_6, %get3A_7] : memref<10000x512xbf16, #tpu.memory_space<vmem>>, vector<10000x512xbf16>
    %dot_general3A = arith.constant dense<0.000000e+00> : vector<256x512xf32>
    %dot_general3A_9 = tpu.matmul %convert_element_type3A, %get3A_8, %dot_general3A {dimension_numbers = #tpu.dot_dimension_numbers<[1], [0], [0], [1], [0, 0, 1, 1], [], []>, transpose_lhs_hint = false} : vector<256x10000xbf16>, vector<10000x512xbf16>, vector<256x512xf32> -> vector<256x512xf32>
    %mul3A = arith.constant 1.600000e+01 : f32
    %mul3A_10 = vector.broadcast %mul3A : f32 to vector<256x1xf32>
    %mul3A_11 = arith.mulf %mul3A_10, %add3A : vector<256x1xf32>
    %sub3A_12 = vector.broadcast %mul3A_11 : vector<256x1xf32> to vector<256x512xf32>
    %sub3A_13 = arith.subf %dot_general3A_9, %sub3A_12 : vector<256x512xf32>
    %transpose3A = tpu.transpose %sub3A_13, [1, 0] : vector<256x512xf32> -> vector<512x256xf32>
    %swap3A = arith.constant 0 : index
    %swap3A_14 = arith.constant 0 : index
    %swap3A_15 = vector.load %arg3[%swap3A, %swap3A_14] : memref<512x256xf32, #tpu.memory_space<vmem>>, vector<512x256xf32>
    tpu.vector_store %arg3[%swap3A, %swap3A_14], %transpose3A {strides = array<i32>} : memref<512x256xf32, #tpu.memory_space<vmem>>, vector<512x256xf32>,
    return
  }
  func.func @transform_0(%arg0: i32) -> (i32, i32) {
    %c0_i32 = arith.constant 0 : i32
    %c0_i32_0 = arith.constant 0 : i32
    %c0_i32_1 = arith.constant 0 : i32
    return %c0_i32, %c0_i32_0 : i32, i32
  }
  func.func @transform_1(%arg0: i32) -> (i32, i32) {
    %c0_i32 = arith.constant 0 : i32
    %c0_i32_0 = arith.constant 0 : i32
    return %arg0, %c0_i32 : i32, i32
  }
  func.func @transform_2(%arg0: i32) -> (i32, i32) {
    %c0_i32 = arith.constant 0 : i32
    %c0_i32_0 = arith.constant 0 : i32
    return %c0_i32, %arg0 : i32, i32
  }
}

module attributes {stable_mosaic.version = 14 : i64} {
  func.func @_rec_body(%arg0: memref<512x2048xf32, #tpu.memory_space<vmem>>, %arg1: memref<2048x7xf32, #tpu.memory_space<vmem>>, %arg2: memref<1x2048xf32, #tpu.memory_space<vmem>>, %arg3: memref<64x2048xf32, #tpu.memory_space<vmem>>, %arg4: memref<2048x2048xf32, #tpu.memory_space<vmem>>) attributes {dimension_semantics = [], scalar_prefetch = 0 : i64, scratch_operands = 1 : i64, tpu.core_type = #tpu.core_type<tc>} {
    %get3A = arith.constant 0 : index
    %get3A_0 = arith.constant 0 : index
    %get3A_1 = vector.load %arg1[%get3A, %get3A_0] : memref<2048x7xf32, #tpu.memory_space<vmem>>, vector<2048x7xf32>
    %reduce_max3A = arith.constant dense<0xFF800000> : vector<2048xf32>
    %reduce_max3A_2 = vector.multi_reduction <maximumf>, %get3A_1, %reduce_max3A [1] : vector<2048x7xf32> to vector<2048xf32>
    %broadcast_in_dim3A = vector.shape_cast %reduce_max3A_2 : vector<2048xf32> to vector<2048x1xf32>
    %sub3A = vector.broadcast %broadcast_in_dim3A : vector<2048x1xf32> to vector<2048x7xf32>
    %sub3A_3 = arith.subf %get3A_1, %sub3A : vector<2048x7xf32>
    %exp3A = math.exp %sub3A_3 : vector<2048x7xf32>
    %reduce_sum3A = arith.constant dense<0.000000e+00> : vector<2048xf32>
    %reduce_sum3A_4 = vector.multi_reduction <add>, %exp3A, %reduce_sum3A [1] : vector<2048x7xf32> to vector<2048xf32>
    %broadcast_in_dim3A_5 = vector.shape_cast %reduce_sum3A_4 : vector<2048xf32> to vector<2048x1xf32>
    %log3A = math.log %broadcast_in_dim3A_5 : vector<2048x1xf32>
    %add3A = arith.addf %log3A, %broadcast_in_dim3A : vector<2048x1xf32>
    %sub3A_6 = vector.broadcast %add3A : vector<2048x1xf32> to vector<2048x7xf32>
    %sub3A_7 = arith.subf %get3A_1, %sub3A_6 : vector<2048x7xf32>
    %iota3A = tpu.iota {dimensions = array<i32: 0>} : vector<256x2048xi32>
    %add3A_8 = arith.constant 0 : i32
    %add3A_9 = vector.broadcast %add3A_8 : i32 to vector<256x2048xi32>
    %add3A_10 = arith.addi %add3A_9, %iota3A : vector<256x2048xi32>
    %iota3A_11 = tpu.iota {dimensions = array<i32: 1>} : vector<256x2048xi32>
    %jit3A = arith.constant 16 : i32
    %eq3A = arith.constant 0 : i32
    %eq3A_12 = arith.cmpi eq, %jit3A, %eq3A : i32
    %jit3A_13 = arith.constant 1 : i32
    %select_n3A = arith.select %eq3A_12, %jit3A_13, %jit3A : i32
    %rem3A = vector.broadcast %select_n3A : i32 to vector<256x2048xi32>
    %rem3A_14 = arith.remsi %add3A_10, %rem3A : vector<256x2048xi32>
    %ne3A = arith.constant 0 : i32
    %ne3A_15 = vector.broadcast %ne3A : i32 to vector<256x2048xi32>
    %ne3A_16 = arith.cmpi ne, %rem3A_14, %ne3A_15 : vector<256x2048xi32>
    %lt3A = arith.constant 0 : i32
    %lt3A_17 = vector.broadcast %lt3A : i32 to vector<256x2048xi32>
    %lt3A_18 = arith.cmpi slt, %rem3A_14, %lt3A_17 : vector<256x2048xi32>
    %lt3A_19 = arith.constant 0 : i32
    %lt3A_20 = arith.cmpi slt, %select_n3A, %lt3A_19 : i32
    %ne3A_21 = vector.broadcast %lt3A_20 : i1 to vector<256x2048xi1>
    %ne3A_22 = vector.broadcast %ne3A_21 : vector<256x2048xi1> to vector<256x2048xi1>
    %ne3A_23 = arith.xori %lt3A_18, %ne3A_22 : vector<256x2048xi1>
    %and3A = arith.andi %ne3A_23, %ne3A_16 : vector<256x2048xi1>
    %add3A_24 = vector.broadcast %select_n3A : i32 to vector<256x2048xi32>
    %add3A_25 = arith.addi %rem3A_14, %add3A_24 : vector<256x2048xi32>
    %select_n3A_26 = arith.select %and3A, %add3A_25, %rem3A_14 : vector<256x2048xi1>, vector<256x2048xi32>
    %jit3A_27 = arith.constant 16 : i32
    %div3A = vector.broadcast %jit3A_27 : i32 to vector<256x2048xi32>
    %div3A_28 = arith.divsi %add3A_10, %div3A : vector<256x2048xi32>
    %sign3A = arith.constant 0 : i32
    %sign3A_29 = vector.broadcast %sign3A : i32 to vector<256x2048xi32>
    %sign3A_30 = arith.cmpi sgt, %add3A_10, %sign3A_29 : vector<256x2048xi32>
    %sign3A_31 = arith.extui %sign3A_30 : vector<256x2048xi1> to vector<256x2048xi32>
    %sign3A_32 = arith.constant 0 : i32
    %sign3A_33 = vector.broadcast %sign3A_32 : i32 to vector<256x2048xi32>
    %sign3A_34 = arith.cmpi slt, %add3A_10, %sign3A_33 : vector<256x2048xi32>
    %sign3A_35 = arith.extui %sign3A_34 : vector<256x2048xi1> to vector<256x2048xi32>
    %sign3A_36 = arith.subi %sign3A_31, %sign3A_35 : vector<256x2048xi32>
    %sign3A_37 = arith.constant 0 : i32
    %sign3A_38 = arith.cmpi sgt, %jit3A_27, %sign3A_37 : i32
    %sign3A_39 = arith.extui %sign3A_38 : i1 to i32
    %sign3A_40 = arith.constant 0 : i32
    %sign3A_41 = arith.cmpi slt, %jit3A_27, %sign3A_40 : i32
    %sign3A_42 = arith.extui %sign3A_41 : i1 to i32
    %sign3A_43 = arith.subi %sign3A_39, %sign3A_42 : i32
    %ne3A_44 = vector.broadcast %sign3A_43 : i32 to vector<256x2048xi32>
    %ne3A_45 = arith.cmpi ne, %sign3A_36, %ne3A_44 : vector<256x2048xi32>
    %rem3A_46 = vector.broadcast %jit3A_27 : i32 to vector<256x2048xi32>
    %rem3A_47 = arith.remsi %add3A_10, %rem3A_46 : vector<256x2048xi32>
    %ne3A_48 = arith.constant 0 : i32
    %ne3A_49 = vector.broadcast %ne3A_48 : i32 to vector<256x2048xi32>
    %ne3A_50 = arith.cmpi ne, %rem3A_47, %ne3A_49 : vector<256x2048xi32>
    %and3A_51 = arith.andi %ne3A_45, %ne3A_50 : vector<256x2048xi1>
    %sub3A_52 = arith.constant 1 : i32
    %sub3A_53 = vector.broadcast %sub3A_52 : i32 to vector<256x2048xi32>
    %sub3A_54 = arith.subi %div3A_28, %sub3A_53 : vector<256x2048xi32>
    %select_n3A_55 = arith.select %and3A_51, %sub3A_54, %div3A_28 : vector<256x2048xi1>, vector<256x2048xi32>
    %jit3A_56 = arith.constant 16 : i32
    %eq3A_57 = arith.constant 0 : i32
    %eq3A_58 = arith.cmpi eq, %jit3A_56, %eq3A_57 : i32
    %jit3A_59 = arith.constant 1 : i32
    %select_n3A_60 = arith.select %eq3A_58, %jit3A_59, %jit3A_56 : i32
    %rem3A_61 = vector.broadcast %select_n3A_60 : i32 to vector<256x2048xi32>
    %rem3A_62 = arith.remsi %select_n3A_55, %rem3A_61 : vector<256x2048xi32>
    %ne3A_63 = arith.constant 0 : i32
    %ne3A_64 = vector.broadcast %ne3A_63 : i32 to vector<256x2048xi32>
    %ne3A_65 = arith.cmpi ne, %rem3A_62, %ne3A_64 : vector<256x2048xi32>
    %lt3A_66 = arith.constant 0 : i32
    %lt3A_67 = vector.broadcast %lt3A_66 : i32 to vector<256x2048xi32>
    %lt3A_68 = arith.cmpi slt, %rem3A_62, %lt3A_67 : vector<256x2048xi32>
    %lt3A_69 = arith.constant 0 : i32
    %lt3A_70 = arith.cmpi slt, %select_n3A_60, %lt3A_69 : i32
    %ne3A_71 = vector.broadcast %lt3A_70 : i1 to vector<256x2048xi1>
    %ne3A_72 = vector.broadcast %ne3A_71 : vector<256x2048xi1> to vector<256x2048xi1>
    %ne3A_73 = arith.xori %lt3A_68, %ne3A_72 : vector<256x2048xi1>
    %and3A_74 = arith.andi %ne3A_73, %ne3A_65 : vector<256x2048xi1>
    %add3A_75 = vector.broadcast %select_n3A_60 : i32 to vector<256x2048xi32>
    %add3A_76 = arith.addi %rem3A_62, %add3A_75 : vector<256x2048xi32>
    %select_n3A_77 = arith.select %and3A_74, %add3A_76, %rem3A_62 : vector<256x2048xi1>, vector<256x2048xi32>
    %jit3A_78 = arith.constant 256 : i32
    %div3A_79 = vector.broadcast %jit3A_78 : i32 to vector<256x2048xi32>
    %div3A_80 = arith.divsi %add3A_10, %div3A_79 : vector<256x2048xi32>
    %sign3A_81 = arith.constant 0 : i32
    %sign3A_82 = vector.broadcast %sign3A_81 : i32 to vector<256x2048xi32>
    %sign3A_83 = arith.cmpi sgt, %add3A_10, %sign3A_82 : vector<256x2048xi32>
    %sign3A_84 = arith.extui %sign3A_83 : vector<256x2048xi1> to vector<256x2048xi32>
    %sign3A_85 = arith.constant 0 : i32
    %sign3A_86 = vector.broadcast %sign3A_85 : i32 to vector<256x2048xi32>
    %sign3A_87 = arith.cmpi slt, %add3A_10, %sign3A_86 : vector<256x2048xi32>
    %sign3A_88 = arith.extui %sign3A_87 : vector<256x2048xi1> to vector<256x2048xi32>
    %sign3A_89 = arith.subi %sign3A_84, %sign3A_88 : vector<256x2048xi32>
    %sign3A_90 = arith.constant 0 : i32
    %sign3A_91 = arith.cmpi sgt, %jit3A_78, %sign3A_90 : i32
    %sign3A_92 = arith.extui %sign3A_91 : i1 to i32
    %sign3A_93 = arith.constant 0 : i32
    %sign3A_94 = arith.cmpi slt, %jit3A_78, %sign3A_93 : i32
    %sign3A_95 = arith.extui %sign3A_94 : i1 to i32
    %sign3A_96 = arith.subi %sign3A_92, %sign3A_95 : i32
    %ne3A_97 = vector.broadcast %sign3A_96 : i32 to vector<256x2048xi32>
    %ne3A_98 = arith.cmpi ne, %sign3A_89, %ne3A_97 : vector<256x2048xi32>
    %rem3A_99 = vector.broadcast %jit3A_78 : i32 to vector<256x2048xi32>
    %rem3A_100 = arith.remsi %add3A_10, %rem3A_99 : vector<256x2048xi32>
    %ne3A_101 = arith.constant 0 : i32
    %ne3A_102 = vector.broadcast %ne3A_101 : i32 to vector<256x2048xi32>
    %ne3A_103 = arith.cmpi ne, %rem3A_100, %ne3A_102 : vector<256x2048xi32>
    %and3A_104 = arith.andi %ne3A_98, %ne3A_103 : vector<256x2048xi1>
    %sub3A_105 = arith.constant 1 : i32
    %sub3A_106 = vector.broadcast %sub3A_105 : i32 to vector<256x2048xi32>
    %sub3A_107 = arith.subi %div3A_80, %sub3A_106 : vector<256x2048xi32>
    %select_n3A_108 = arith.select %and3A_104, %sub3A_107, %div3A_80 : vector<256x2048xi1>, vector<256x2048xi32>
    %jit3A_109 = arith.constant 16 : i32
    %eq3A_110 = arith.constant 0 : i32
    %eq3A_111 = arith.cmpi eq, %jit3A_109, %eq3A_110 : i32
    %jit3A_112 = arith.constant 1 : i32
    %select_n3A_113 = arith.select %eq3A_111, %jit3A_112, %jit3A_109 : i32
    %rem3A_114 = vector.broadcast %select_n3A_113 : i32 to vector<256x2048xi32>
    %rem3A_115 = arith.remsi %iota3A_11, %rem3A_114 : vector<256x2048xi32>
    %ne3A_116 = arith.constant 0 : i32
    %ne3A_117 = vector.broadcast %ne3A_116 : i32 to vector<256x2048xi32>
    %ne3A_118 = arith.cmpi ne, %rem3A_115, %ne3A_117 : vector<256x2048xi32>
    %lt3A_119 = arith.constant 0 : i32
    %lt3A_120 = vector.broadcast %lt3A_119 : i32 to vector<256x2048xi32>
    %lt3A_121 = arith.cmpi slt, %rem3A_115, %lt3A_120 : vector<256x2048xi32>
    %lt3A_122 = arith.constant 0 : i32
    %lt3A_123 = arith.cmpi slt, %select_n3A_113, %lt3A_122 : i32
    %ne3A_124 = vector.broadcast %lt3A_123 : i1 to vector<256x2048xi1>
    %ne3A_125 = vector.broadcast %ne3A_124 : vector<256x2048xi1> to vector<256x2048xi1>
    %ne3A_126 = arith.xori %lt3A_121, %ne3A_125 : vector<256x2048xi1>
    %and3A_127 = arith.andi %ne3A_126, %ne3A_118 : vector<256x2048xi1>
    %add3A_128 = vector.broadcast %select_n3A_113 : i32 to vector<256x2048xi32>
    %add3A_129 = arith.addi %rem3A_115, %add3A_128 : vector<256x2048xi32>
    %select_n3A_130 = arith.select %and3A_127, %add3A_129, %rem3A_115 : vector<256x2048xi1>, vector<256x2048xi32>
    %jit3A_131 = arith.constant 16 : i32
    %div3A_132 = vector.broadcast %jit3A_131 : i32 to vector<256x2048xi32>
    %div3A_133 = arith.divsi %iota3A_11, %div3A_132 : vector<256x2048xi32>
    %sign3A_134 = arith.constant 0 : i32
    %sign3A_135 = vector.broadcast %sign3A_134 : i32 to vector<256x2048xi32>
    %sign3A_136 = arith.cmpi sgt, %iota3A_11, %sign3A_135 : vector<256x2048xi32>
    %sign3A_137 = arith.extui %sign3A_136 : vector<256x2048xi1> to vector<256x2048xi32>
    %sign3A_138 = arith.constant 0 : i32
    %sign3A_139 = vector.broadcast %sign3A_138 : i32 to vector<256x2048xi32>
    %sign3A_140 = arith.cmpi slt, %iota3A_11, %sign3A_139 : vector<256x2048xi32>
    %sign3A_141 = arith.extui %sign3A_140 : vector<256x2048xi1> to vector<256x2048xi32>
    %sign3A_142 = arith.subi %sign3A_137, %sign3A_141 : vector<256x2048xi32>
    %sign3A_143 = arith.constant 0 : i32
    %sign3A_144 = arith.cmpi sgt, %jit3A_131, %sign3A_143 : i32
    %sign3A_145 = arith.extui %sign3A_144 : i1 to i32
    %sign3A_146 = arith.constant 0 : i32
    %sign3A_147 = arith.cmpi slt, %jit3A_131, %sign3A_146 : i32
    %sign3A_148 = arith.extui %sign3A_147 : i1 to i32
    %sign3A_149 = arith.subi %sign3A_145, %sign3A_148 : i32
    %ne3A_150 = vector.broadcast %sign3A_149 : i32 to vector<256x2048xi32>
    %ne3A_151 = arith.cmpi ne, %sign3A_142, %ne3A_150 : vector<256x2048xi32>
    %rem3A_152 = vector.broadcast %jit3A_131 : i32 to vector<256x2048xi32>
    %rem3A_153 = arith.remsi %iota3A_11, %rem3A_152 : vector<256x2048xi32>
    %ne3A_154 = arith.constant 0 : i32
    %ne3A_155 = vector.broadcast %ne3A_154 : i32 to vector<256x2048xi32>
    %ne3A_156 = arith.cmpi ne, %rem3A_153, %ne3A_155 : vector<256x2048xi32>
    %and3A_157 = arith.andi %ne3A_151, %ne3A_156 : vector<256x2048xi1>
    %sub3A_158 = arith.constant 1 : i32
    %sub3A_159 = vector.broadcast %sub3A_158 : i32 to vector<256x2048xi32>
    %sub3A_160 = arith.subi %div3A_133, %sub3A_159 : vector<256x2048xi32>
    %select_n3A_161 = arith.select %and3A_157, %sub3A_160, %div3A_133 : vector<256x2048xi1>, vector<256x2048xi32>
    %jit3A_162 = arith.constant 16 : i32
    %eq3A_163 = arith.constant 0 : i32
    %eq3A_164 = arith.cmpi eq, %jit3A_162, %eq3A_163 : i32
    %jit3A_165 = arith.constant 1 : i32
    %select_n3A_166 = arith.select %eq3A_164, %jit3A_165, %jit3A_162 : i32
    %rem3A_167 = vector.broadcast %select_n3A_166 : i32 to vector<256x2048xi32>
    %rem3A_168 = arith.remsi %select_n3A_161, %rem3A_167 : vector<256x2048xi32>
    %ne3A_169 = arith.constant 0 : i32
    %ne3A_170 = vector.broadcast %ne3A_169 : i32 to vector<256x2048xi32>
    %ne3A_171 = arith.cmpi ne, %rem3A_168, %ne3A_170 : vector<256x2048xi32>
    %lt3A_172 = arith.constant 0 : i32
    %lt3A_173 = vector.broadcast %lt3A_172 : i32 to vector<256x2048xi32>
    %lt3A_174 = arith.cmpi slt, %rem3A_168, %lt3A_173 : vector<256x2048xi32>
    %lt3A_175 = arith.constant 0 : i32
    %lt3A_176 = arith.cmpi slt, %select_n3A_166, %lt3A_175 : i32
    %ne3A_177 = vector.broadcast %lt3A_176 : i1 to vector<256x2048xi1>
    %ne3A_178 = vector.broadcast %ne3A_177 : vector<256x2048xi1> to vector<256x2048xi1>
    %ne3A_179 = arith.xori %lt3A_174, %ne3A_178 : vector<256x2048xi1>
    %and3A_180 = arith.andi %ne3A_179, %ne3A_171 : vector<256x2048xi1>
    %add3A_181 = vector.broadcast %select_n3A_166 : i32 to vector<256x2048xi32>
    %add3A_182 = arith.addi %rem3A_168, %add3A_181 : vector<256x2048xi32>
    %select_n3A_183 = arith.select %and3A_180, %add3A_182, %rem3A_168 : vector<256x2048xi1>, vector<256x2048xi32>
    %jit3A_184 = arith.constant 256 : i32
    %div3A_185 = vector.broadcast %jit3A_184 : i32 to vector<256x2048xi32>
    %div3A_186 = arith.divsi %iota3A_11, %div3A_185 : vector<256x2048xi32>
    %sign3A_187 = arith.constant 0 : i32
    %sign3A_188 = vector.broadcast %sign3A_187 : i32 to vector<256x2048xi32>
    %sign3A_189 = arith.cmpi sgt, %iota3A_11, %sign3A_188 : vector<256x2048xi32>
    %sign3A_190 = arith.extui %sign3A_189 : vector<256x2048xi1> to vector<256x2048xi32>
    %sign3A_191 = arith.constant 0 : i32
    %sign3A_192 = vector.broadcast %sign3A_191 : i32 to vector<256x2048xi32>
    %sign3A_193 = arith.cmpi slt, %iota3A_11, %sign3A_192 : vector<256x2048xi32>
    %sign3A_194 = arith.extui %sign3A_193 : vector<256x2048xi1> to vector<256x2048xi32>
    %sign3A_195 = arith.subi %sign3A_190, %sign3A_194 : vector<256x2048xi32>
    %sign3A_196 = arith.constant 0 : i32
    %sign3A_197 = arith.cmpi sgt, %jit3A_184, %sign3A_196 : i32
    %sign3A_198 = arith.extui %sign3A_197 : i1 to i32
    %sign3A_199 = arith.constant 0 : i32
    %sign3A_200 = arith.cmpi slt, %jit3A_184, %sign3A_199 : i32
    %sign3A_201 = arith.extui %sign3A_200 : i1 to i32
    %sign3A_202 = arith.subi %sign3A_198, %sign3A_201 : i32
    %ne3A_203 = vector.broadcast %sign3A_202 : i32 to vector<256x2048xi32>
    %ne3A_204 = arith.cmpi ne, %sign3A_195, %ne3A_203 : vector<256x2048xi32>
    %rem3A_205 = vector.broadcast %jit3A_184 : i32 to vector<256x2048xi32>
    %rem3A_206 = arith.remsi %iota3A_11, %rem3A_205 : vector<256x2048xi32>
    %ne3A_207 = arith.constant 0 : i32
    %ne3A_208 = vector.broadcast %ne3A_207 : i32 to vector<256x2048xi32>
    %ne3A_209 = arith.cmpi ne, %rem3A_206, %ne3A_208 : vector<256x2048xi32>
    %and3A_210 = arith.andi %ne3A_204, %ne3A_209 : vector<256x2048xi1>
    %sub3A_211 = arith.constant 1 : i32
    %sub3A_212 = vector.broadcast %sub3A_211 : i32 to vector<256x2048xi32>
    %sub3A_213 = arith.subi %div3A_186, %sub3A_212 : vector<256x2048xi32>
    %select_n3A_214 = arith.select %and3A_210, %sub3A_213, %div3A_186 : vector<256x2048xi1>, vector<256x2048xi32>
    %broadcast_in_dim3A_215 = arith.constant 0xFF800000 : f32
    %broadcast_in_dim3A_216 = vector.broadcast %broadcast_in_dim3A_215 : f32 to vector<256x2048xf32>
    %sub3A_217 = arith.subi %select_n3A_130, %select_n3A_26 : vector<256x2048xi32>
    %eq3A_218 = arith.constant 0 : i32
    %eq3A_219 = vector.broadcast %eq3A_218 : i32 to vector<256x2048xi32>
    %eq3A_220 = arith.cmpi eq, %sub3A_217, %eq3A_219 : vector<256x2048xi32>
    %sub3A_221 = arith.subi %select_n3A_183, %select_n3A_77 : vector<256x2048xi32>
    %eq3A_222 = arith.constant 0 : i32
    %eq3A_223 = vector.broadcast %eq3A_222 : i32 to vector<256x2048xi32>
    %eq3A_224 = arith.cmpi eq, %sub3A_221, %eq3A_223 : vector<256x2048xi32>
    %and3A_225 = arith.andi %eq3A_220, %eq3A_224 : vector<256x2048xi1>
    %sub3A_226 = arith.subi %select_n3A_214, %select_n3A_108 : vector<256x2048xi32>
    %eq3A_227 = arith.constant 0 : i32
    %eq3A_228 = vector.broadcast %eq3A_227 : i32 to vector<256x2048xi32>
    %eq3A_229 = arith.cmpi eq, %sub3A_226, %eq3A_228 : vector<256x2048xi32>
    %and3A_230 = arith.andi %and3A_225, %eq3A_229 : vector<256x2048xi1>
    %slice3A = vector.extract_strided_slice %sub3A_7 {offsets = [0, 0], sizes = [256, 1], strides = [1, 1]} : vector<2048x7xf32> to vector<256x1xf32>
    %broadcast_in_dim3A_231 = vector.shape_cast %slice3A : vector<256x1xf32> to vector<256x1xf32>
    %broadcast_in_dim3A_232 = vector.broadcast %broadcast_in_dim3A_231 : vector<256x1xf32> to vector<256x2048xf32>
    %select_n3A_233 = arith.select %and3A_230, %broadcast_in_dim3A_232, %broadcast_in_dim3A_216 : vector<256x2048xi1>, vector<256x2048xf32>
    %sub3A_234 = arith.subi %select_n3A_130, %select_n3A_26 : vector<256x2048xi32>
    %eq3A_235 = arith.constant 1 : i32
    %eq3A_236 = vector.broadcast %eq3A_235 : i32 to vector<256x2048xi32>
    %eq3A_237 = arith.cmpi eq, %sub3A_234, %eq3A_236 : vector<256x2048xi32>
    %sub3A_238 = arith.subi %select_n3A_183, %select_n3A_77 : vector<256x2048xi32>
    %eq3A_239 = arith.constant 0 : i32
    %eq3A_240 = vector.broadcast %eq3A_239 : i32 to vector<256x2048xi32>
    %eq3A_241 = arith.cmpi eq, %sub3A_238, %eq3A_240 : vector<256x2048xi32>
    %and3A_242 = arith.andi %eq3A_237, %eq3A_241 : vector<256x2048xi1>
    %sub3A_243 = arith.subi %select_n3A_214, %select_n3A_108 : vector<256x2048xi32>
    %eq3A_244 = arith.constant 0 : i32
    %eq3A_245 = vector.broadcast %eq3A_244 : i32 to vector<256x2048xi32>
    %eq3A_246 = arith.cmpi eq, %sub3A_243, %eq3A_245 : vector<256x2048xi32>
    %and3A_247 = arith.andi %and3A_242, %eq3A_246 : vector<256x2048xi1>
    %slice3A_248 = vector.extract_strided_slice %sub3A_7 {offsets = [0, 1], sizes = [256, 1], strides = [1, 1]} : vector<2048x7xf32> to vector<256x1xf32>
    %broadcast_in_dim3A_249 = vector.shape_cast %slice3A_248 : vector<256x1xf32> to vector<256x1xf32>
    %broadcast_in_dim3A_250 = vector.broadcast %broadcast_in_dim3A_249 : vector<256x1xf32> to vector<256x2048xf32>
    %select_n3A_251 = arith.select %and3A_247, %broadcast_in_dim3A_250, %select_n3A_233 : vector<256x2048xi1>, vector<256x2048xf32>
    %sub3A_252 = arith.subi %select_n3A_130, %select_n3A_26 : vector<256x2048xi32>
    %eq3A_253 = arith.constant -1 : i32
    %eq3A_254 = vector.broadcast %eq3A_253 : i32 to vector<256x2048xi32>
    %eq3A_255 = arith.cmpi eq, %sub3A_252, %eq3A_254 : vector<256x2048xi32>
    %sub3A_256 = arith.subi %select_n3A_183, %select_n3A_77 : vector<256x2048xi32>
    %eq3A_257 = arith.constant 0 : i32
    %eq3A_258 = vector.broadcast %eq3A_257 : i32 to vector<256x2048xi32>
    %eq3A_259 = arith.cmpi eq, %sub3A_256, %eq3A_258 : vector<256x2048xi32>
    %and3A_260 = arith.andi %eq3A_255, %eq3A_259 : vector<256x2048xi1>
    %sub3A_261 = arith.subi %select_n3A_214, %select_n3A_108 : vector<256x2048xi32>
    %eq3A_262 = arith.constant 0 : i32
    %eq3A_263 = vector.broadcast %eq3A_262 : i32 to vector<256x2048xi32>
    %eq3A_264 = arith.cmpi eq, %sub3A_261, %eq3A_263 : vector<256x2048xi32>
    %and3A_265 = arith.andi %and3A_260, %eq3A_264 : vector<256x2048xi1>
    %slice3A_266 = vector.extract_strided_slice %sub3A_7 {offsets = [0, 2], sizes = [256, 1], strides = [1, 1]} : vector<2048x7xf32> to vector<256x1xf32>
    %broadcast_in_dim3A_267 = vector.shape_cast %slice3A_266 : vector<256x1xf32> to vector<256x1xf32>
    %broadcast_in_dim3A_268 = vector.broadcast %broadcast_in_dim3A_267 : vector<256x1xf32> to vector<256x2048xf32>
    %select_n3A_269 = arith.select %and3A_265, %broadcast_in_dim3A_268, %select_n3A_251 : vector<256x2048xi1>, vector<256x2048xf32>
    %sub3A_270 = arith.subi %select_n3A_130, %select_n3A_26 : vector<256x2048xi32>
    %eq3A_271 = arith.constant 0 : i32
    %eq3A_272 = vector.broadcast %eq3A_271 : i32 to vector<256x2048xi32>
    %eq3A_273 = arith.cmpi eq, %sub3A_270, %eq3A_272 : vector<256x2048xi32>
    %sub3A_274 = arith.subi %select_n3A_183, %select_n3A_77 : vector<256x2048xi32>
    %eq3A_275 = arith.constant 1 : i32
    %eq3A_276 = vector.broadcast %eq3A_275 : i32 to vector<256x2048xi32>
    %eq3A_277 = arith.cmpi eq, %sub3A_274, %eq3A_276 : vector<256x2048xi32>
    %and3A_278 = arith.andi %eq3A_273, %eq3A_277 : vector<256x2048xi1>
    %sub3A_279 = arith.subi %select_n3A_214, %select_n3A_108 : vector<256x2048xi32>
    %eq3A_280 = arith.constant 0 : i32
    %eq3A_281 = vector.broadcast %eq3A_280 : i32 to vector<256x2048xi32>
    %eq3A_282 = arith.cmpi eq, %sub3A_279, %eq3A_281 : vector<256x2048xi32>
    %and3A_283 = arith.andi %and3A_278, %eq3A_282 : vector<256x2048xi1>
    %slice3A_284 = vector.extract_strided_slice %sub3A_7 {offsets = [0, 3], sizes = [256, 1], strides = [1, 1]} : vector<2048x7xf32> to vector<256x1xf32>
    %broadcast_in_dim3A_285 = vector.shape_cast %slice3A_284 : vector<256x1xf32> to vector<256x1xf32>
    %broadcast_in_dim3A_286 = vector.broadcast %broadcast_in_dim3A_285 : vector<256x1xf32> to vector<256x2048xf32>
    %select_n3A_287 = arith.select %and3A_283, %broadcast_in_dim3A_286, %select_n3A_269 : vector<256x2048xi1>, vector<256x2048xf32>
    %sub3A_288 = arith.subi %select_n3A_130, %select_n3A_26 : vector<256x2048xi32>
    %eq3A_289 = arith.constant 0 : i32
    %eq3A_290 = vector.broadcast %eq3A_289 : i32 to vector<256x2048xi32>
    %eq3A_291 = arith.cmpi eq, %sub3A_288, %eq3A_290 : vector<256x2048xi32>
    %sub3A_292 = arith.subi %select_n3A_183, %select_n3A_77 : vector<256x2048xi32>
    %eq3A_293 = arith.constant -1 : i32
    %eq3A_294 = vector.broadcast %eq3A_293 : i32 to vector<256x2048xi32>
    %eq3A_295 = arith.cmpi eq, %sub3A_292, %eq3A_294 : vector<256x2048xi32>
    %and3A_296 = arith.andi %eq3A_291, %eq3A_295 : vector<256x2048xi1>
    %sub3A_297 = arith.subi %select_n3A_214, %select_n3A_108 : vector<256x2048xi32>
    %eq3A_298 = arith.constant 0 : i32
    %eq3A_299 = vector.broadcast %eq3A_298 : i32 to vector<256x2048xi32>
    %eq3A_300 = arith.cmpi eq, %sub3A_297, %eq3A_299 : vector<256x2048xi32>
    %and3A_301 = arith.andi %and3A_296, %eq3A_300 : vector<256x2048xi1>
    %slice3A_302 = vector.extract_strided_slice %sub3A_7 {offsets = [0, 4], sizes = [256, 1], strides = [1, 1]} : vector<2048x7xf32> to vector<256x1xf32>
    %broadcast_in_dim3A_303 = vector.shape_cast %slice3A_302 : vector<256x1xf32> to vector<256x1xf32>
    %broadcast_in_dim3A_304 = vector.broadcast %broadcast_in_dim3A_303 : vector<256x1xf32> to vector<256x2048xf32>
    %select_n3A_305 = arith.select %and3A_301, %broadcast_in_dim3A_304, %select_n3A_287 : vector<256x2048xi1>, vector<256x2048xf32>
    %sub3A_306 = arith.subi %select_n3A_130, %select_n3A_26 : vector<256x2048xi32>
    %eq3A_307 = arith.constant 0 : i32
    %eq3A_308 = vector.broadcast %eq3A_307 : i32 to vector<256x2048xi32>
    %eq3A_309 = arith.cmpi eq, %sub3A_306, %eq3A_308 : vector<256x2048xi32>
    %sub3A_310 = arith.subi %select_n3A_183, %select_n3A_77 : vector<256x2048xi32>
    %eq3A_311 = arith.constant 0 : i32
    %eq3A_312 = vector.broadcast %eq3A_311 : i32 to vector<256x2048xi32>
    %eq3A_313 = arith.cmpi eq, %sub3A_310, %eq3A_312 : vector<256x2048xi32>
    %and3A_314 = arith.andi %eq3A_309, %eq3A_313 : vector<256x2048xi1>
    %sub3A_315 = arith.subi %select_n3A_214, %select_n3A_108 : vector<256x2048xi32>
    %eq3A_316 = arith.constant 1 : i32
    %eq3A_317 = vector.broadcast %eq3A_316 : i32 to vector<256x2048xi32>
    %eq3A_318 = arith.cmpi eq, %sub3A_315, %eq3A_317 : vector<256x2048xi32>
    %and3A_319 = arith.andi %and3A_314, %eq3A_318 : vector<256x2048xi1>
    %slice3A_320 = vector.extract_strided_slice %sub3A_7 {offsets = [0, 5], sizes = [256, 1], strides = [1, 1]} : vector<2048x7xf32> to vector<256x1xf32>
    %broadcast_in_dim3A_321 = vector.shape_cast %slice3A_320 : vector<256x1xf32> to vector<256x1xf32>
    %broadcast_in_dim3A_322 = vector.broadcast %broadcast_in_dim3A_321 : vector<256x1xf32> to vector<256x2048xf32>
    %select_n3A_323 = arith.select %and3A_319, %broadcast_in_dim3A_322, %select_n3A_305 : vector<256x2048xi1>, vector<256x2048xf32>
    %sub3A_324 = arith.subi %select_n3A_130, %select_n3A_26 : vector<256x2048xi32>
    %eq3A_325 = arith.constant 0 : i32
    %eq3A_326 = vector.broadcast %eq3A_325 : i32 to vector<256x2048xi32>
    %eq3A_327 = arith.cmpi eq, %sub3A_324, %eq3A_326 : vector<256x2048xi32>
    %sub3A_328 = arith.subi %select_n3A_183, %select_n3A_77 : vector<256x2048xi32>
    %eq3A_329 = arith.constant 0 : i32
    %eq3A_330 = vector.broadcast %eq3A_329 : i32 to vector<256x2048xi32>
    %eq3A_331 = arith.cmpi eq, %sub3A_328, %eq3A_330 : vector<256x2048xi32>
    %and3A_332 = arith.andi %eq3A_327, %eq3A_331 : vector<256x2048xi1>
    %sub3A_333 = arith.subi %select_n3A_214, %select_n3A_108 : vector<256x2048xi32>
    %eq3A_334 = arith.constant 2 : i32
    %eq3A_335 = vector.broadcast %eq3A_334 : i32 to vector<256x2048xi32>
    %eq3A_336 = arith.cmpi eq, %sub3A_333, %eq3A_335 : vector<256x2048xi32>
    %and3A_337 = arith.andi %and3A_332, %eq3A_336 : vector<256x2048xi1>
    %slice3A_338 = vector.extract_strided_slice %sub3A_7 {offsets = [0, 6], sizes = [256, 1], strides = [1, 1]} : vector<2048x7xf32> to vector<256x1xf32>
    %broadcast_in_dim3A_339 = vector.shape_cast %slice3A_338 : vector<256x1xf32> to vector<256x1xf32>
    %broadcast_in_dim3A_340 = vector.broadcast %broadcast_in_dim3A_339 : vector<256x1xf32> to vector<256x2048xf32>
    %select_n3A_341 = arith.select %and3A_337, %broadcast_in_dim3A_340, %select_n3A_323 : vector<256x2048xi1>, vector<256x2048xf32>
    %swap3A = arith.constant 0 : index
    %swap3A_342 = arith.constant 0 : index
    %swap3A_343 = vector.load %arg4[%swap3A, %swap3A_342] : memref<2048x2048xf32, #tpu.memory_space<vmem>>, vector<256x2048xf32>
    tpu.vector_store %arg4[%swap3A, %swap3A_342], %select_n3A_341 {strides = array<i32>} : memref<2048x2048xf32, #tpu.memory_space<vmem>>, vector<256x2048xf32>,
    %iota3A_344 = tpu.iota {dimensions = array<i32: 0>} : vector<256x2048xi32>
    %add3A_345 = arith.constant 256 : i32
    %add3A_346 = vector.broadcast %add3A_345 : i32 to vector<256x2048xi32>
    %add3A_347 = arith.addi %add3A_346, %iota3A_344 : vector<256x2048xi32>
    %iota3A_348 = tpu.iota {dimensions = array<i32: 1>} : vector<256x2048xi32>
    %jit3A_349 = arith.constant 16 : i32
    %eq3A_350 = arith.constant 0 : i32
    %eq3A_351 = arith.cmpi eq, %jit3A_349, %eq3A_350 : i32
    %jit3A_352 = arith.constant 1 : i32
    %select_n3A_353 = arith.select %eq3A_351, %jit3A_352, %jit3A_349 : i32
    %rem3A_354 = vector.broadcast %select_n3A_353 : i32 to vector<256x2048xi32>
    %rem3A_355 = arith.remsi %add3A_347, %rem3A_354 : vector<256x2048xi32>
    %ne3A_356 = arith.constant 0 : i32
    %ne3A_357 = vector.broadcast %ne3A_356 : i32 to vector<256x2048xi32>
    %ne3A_358 = arith.cmpi ne, %rem3A_355, %ne3A_357 : vector<256x2048xi32>
    %lt3A_359 = arith.constant 0 : i32
    %lt3A_360 = vector.broadcast %lt3A_359 : i32 to vector<256x2048xi32>
    %lt3A_361 = arith.cmpi slt, %rem3A_355, %lt3A_360 : vector<256x2048xi32>
    %lt3A_362 = arith.constant 0 : i32
    %lt3A_363 = arith.cmpi slt, %select_n3A_353, %lt3A_362 : i32
    %ne3A_364 = vector.broadcast %lt3A_363 : i1 to vector<256x2048xi1>
    %ne3A_365 = vector.broadcast %ne3A_364 : vector<256x2048xi1> to vector<256x2048xi1>
    %ne3A_366 = arith.xori %lt3A_361, %ne3A_365 : vector<256x2048xi1>
    %and3A_367 = arith.andi %ne3A_366, %ne3A_358 : vector<256x2048xi1>
    %add3A_368 = vector.broadcast %select_n3A_353 : i32 to vector<256x2048xi32>
    %add3A_369 = arith.addi %rem3A_355, %add3A_368 : vector<256x2048xi32>
    %select_n3A_370 = arith.select %and3A_367, %add3A_369, %rem3A_355 : vector<256x2048xi1>, vector<256x2048xi32>
    %jit3A_371 = arith.constant 16 : i32
    %div3A_372 = vector.broadcast %jit3A_371 : i32 to vector<256x2048xi32>
    %div3A_373 = arith.divsi %add3A_347, %div3A_372 : vector<256x2048xi32>
    %sign3A_374 = arith.constant 0 : i32
    %sign3A_375 = vector.broadcast %sign3A_374 : i32 to vector<256x2048xi32>
    %sign3A_376 = arith.cmpi sgt, %add3A_347, %sign3A_375 : vector<256x2048xi32>
    %sign3A_377 = arith.extui %sign3A_376 : vector<256x2048xi1> to vector<256x2048xi32>
    %sign3A_378 = arith.constant 0 : i32
    %sign3A_379 = vector.broadcast %sign3A_378 : i32 to vector<256x2048xi32>
    %sign3A_380 = arith.cmpi slt, %add3A_347, %sign3A_379 : vector<256x2048xi32>
    %sign3A_381 = arith.extui %sign3A_380 : vector<256x2048xi1> to vector<256x2048xi32>
    %sign3A_382 = arith.subi %sign3A_377, %sign3A_381 : vector<256x2048xi32>
    %sign3A_383 = arith.constant 0 : i32
    %sign3A_384 = arith.cmpi sgt, %jit3A_371, %sign3A_383 : i32
    %sign3A_385 = arith.extui %sign3A_384 : i1 to i32
    %sign3A_386 = arith.constant 0 : i32
    %sign3A_387 = arith.cmpi slt, %jit3A_371, %sign3A_386 : i32
    %sign3A_388 = arith.extui %sign3A_387 : i1 to i32
    %sign3A_389 = arith.subi %sign3A_385, %sign3A_388 : i32
    %ne3A_390 = vector.broadcast %sign3A_389 : i32 to vector<256x2048xi32>
    %ne3A_391 = arith.cmpi ne, %sign3A_382, %ne3A_390 : vector<256x2048xi32>
    %rem3A_392 = vector.broadcast %jit3A_371 : i32 to vector<256x2048xi32>
    %rem3A_393 = arith.remsi %add3A_347, %rem3A_392 : vector<256x2048xi32>
    %ne3A_394 = arith.constant 0 : i32
    %ne3A_395 = vector.broadcast %ne3A_394 : i32 to vector<256x2048xi32>
    %ne3A_396 = arith.cmpi ne, %rem3A_393, %ne3A_395 : vector<256x2048xi32>
    %and3A_397 = arith.andi %ne3A_391, %ne3A_396 : vector<256x2048xi1>
    %sub3A_398 = arith.constant 1 : i32
    %sub3A_399 = vector.broadcast %sub3A_398 : i32 to vector<256x2048xi32>
    %sub3A_400 = arith.subi %div3A_373, %sub3A_399 : vector<256x2048xi32>
    %select_n3A_401 = arith.select %and3A_397, %sub3A_400, %div3A_373 : vector<256x2048xi1>, vector<256x2048xi32>
    %jit3A_402 = arith.constant 16 : i32
    %eq3A_403 = arith.constant 0 : i32
    %eq3A_404 = arith.cmpi eq, %jit3A_402, %eq3A_403 : i32
    %jit3A_405 = arith.constant 1 : i32
    %select_n3A_406 = arith.select %eq3A_404, %jit3A_405, %jit3A_402 : i32
    %rem3A_407 = vector.broadcast %select_n3A_406 : i32 to vector<256x2048xi32>
    %rem3A_408 = arith.remsi %select_n3A_401, %rem3A_407 : vector<256x2048xi32>
    %ne3A_409 = arith.constant 0 : i32
    %ne3A_410 = vector.broadcast %ne3A_409 : i32 to vector<256x2048xi32>
    %ne3A_411 = arith.cmpi ne, %rem3A_408, %ne3A_410 : vector<256x2048xi32>
    %lt3A_412 = arith.constant 0 : i32
    %lt3A_413 = vector.broadcast %lt3A_412 : i32 to vector<256x2048xi32>
    %lt3A_414 = arith.cmpi slt, %rem3A_408, %lt3A_413 : vector<256x2048xi32>
    %lt3A_415 = arith.constant 0 : i32
    %lt3A_416 = arith.cmpi slt, %select_n3A_406, %lt3A_415 : i32
    %ne3A_417 = vector.broadcast %lt3A_416 : i1 to vector<256x2048xi1>
    %ne3A_418 = vector.broadcast %ne3A_417 : vector<256x2048xi1> to vector<256x2048xi1>
    %ne3A_419 = arith.xori %lt3A_414, %ne3A_418 : vector<256x2048xi1>
    %and3A_420 = arith.andi %ne3A_419, %ne3A_411 : vector<256x2048xi1>
    %add3A_421 = vector.broadcast %select_n3A_406 : i32 to vector<256x2048xi32>
    %add3A_422 = arith.addi %rem3A_408, %add3A_421 : vector<256x2048xi32>
    %select_n3A_423 = arith.select %and3A_420, %add3A_422, %rem3A_408 : vector<256x2048xi1>, vector<256x2048xi32>
    %jit3A_424 = arith.constant 256 : i32
    %div3A_425 = vector.broadcast %jit3A_424 : i32 to vector<256x2048xi32>
    %div3A_426 = arith.divsi %add3A_347, %div3A_425 : vector<256x2048xi32>
    %sign3A_427 = arith.constant 0 : i32
    %sign3A_428 = vector.broadcast %sign3A_427 : i32 to vector<256x2048xi32>
    %sign3A_429 = arith.cmpi sgt, %add3A_347, %sign3A_428 : vector<256x2048xi32>
    %sign3A_430 = arith.extui %sign3A_429 : vector<256x2048xi1> to vector<256x2048xi32>
    %sign3A_431 = arith.constant 0 : i32
    %sign3A_432 = vector.broadcast %sign3A_431 : i32 to vector<256x2048xi32>
    %sign3A_433 = arith.cmpi slt, %add3A_347, %sign3A_432 : vector<256x2048xi32>
    %sign3A_434 = arith.extui %sign3A_433 : vector<256x2048xi1> to vector<256x2048xi32>
    %sign3A_435 = arith.subi %sign3A_430, %sign3A_434 : vector<256x2048xi32>
    %sign3A_436 = arith.constant 0 : i32
    %sign3A_437 = arith.cmpi sgt, %jit3A_424, %sign3A_436 : i32
    %sign3A_438 = arith.extui %sign3A_437 : i1 to i32
    %sign3A_439 = arith.constant 0 : i32
    %sign3A_440 = arith.cmpi slt, %jit3A_424, %sign3A_439 : i32
    %sign3A_441 = arith.extui %sign3A_440 : i1 to i32
    %sign3A_442 = arith.subi %sign3A_438, %sign3A_441 : i32
    %ne3A_443 = vector.broadcast %sign3A_442 : i32 to vector<256x2048xi32>
    %ne3A_444 = arith.cmpi ne, %sign3A_435, %ne3A_443 : vector<256x2048xi32>
    %rem3A_445 = vector.broadcast %jit3A_424 : i32 to vector<256x2048xi32>
    %rem3A_446 = arith.remsi %add3A_347, %rem3A_445 : vector<256x2048xi32>
    %ne3A_447 = arith.constant 0 : i32
    %ne3A_448 = vector.broadcast %ne3A_447 : i32 to vector<256x2048xi32>
    %ne3A_449 = arith.cmpi ne, %rem3A_446, %ne3A_448 : vector<256x2048xi32>
    %and3A_450 = arith.andi %ne3A_444, %ne3A_449 : vector<256x2048xi1>
    %sub3A_451 = arith.constant 1 : i32
    %sub3A_452 = vector.broadcast %sub3A_451 : i32 to vector<256x2048xi32>
    %sub3A_453 = arith.subi %div3A_426, %sub3A_452 : vector<256x2048xi32>
    %select_n3A_454 = arith.select %and3A_450, %sub3A_453, %div3A_426 : vector<256x2048xi1>, vector<256x2048xi32>
    %jit3A_455 = arith.constant 16 : i32
    %eq3A_456 = arith.constant 0 : i32
    %eq3A_457 = arith.cmpi eq, %jit3A_455, %eq3A_456 : i32
    %jit3A_458 = arith.constant 1 : i32
    %select_n3A_459 = arith.select %eq3A_457, %jit3A_458, %jit3A_455 : i32
    %rem3A_460 = vector.broadcast %select_n3A_459 : i32 to vector<256x2048xi32>
    %rem3A_461 = arith.remsi %iota3A_348, %rem3A_460 : vector<256x2048xi32>
    %ne3A_462 = arith.constant 0 : i32
    %ne3A_463 = vector.broadcast %ne3A_462 : i32 to vector<256x2048xi32>
    %ne3A_464 = arith.cmpi ne, %rem3A_461, %ne3A_463 : vector<256x2048xi32>
    %lt3A_465 = arith.constant 0 : i32
    %lt3A_466 = vector.broadcast %lt3A_465 : i32 to vector<256x2048xi32>
    %lt3A_467 = arith.cmpi slt, %rem3A_461, %lt3A_466 : vector<256x2048xi32>
    %lt3A_468 = arith.constant 0 : i32
    %lt3A_469 = arith.cmpi slt, %select_n3A_459, %lt3A_468 : i32
    %ne3A_470 = vector.broadcast %lt3A_469 : i1 to vector<256x2048xi1>
    %ne3A_471 = vector.broadcast %ne3A_470 : vector<256x2048xi1> to vector<256x2048xi1>
    %ne3A_472 = arith.xori %lt3A_467, %ne3A_471 : vector<256x2048xi1>
    %and3A_473 = arith.andi %ne3A_472, %ne3A_464 : vector<256x2048xi1>
    %add3A_474 = vector.broadcast %select_n3A_459 : i32 to vector<256x2048xi32>
    %add3A_475 = arith.addi %rem3A_461, %add3A_474 : vector<256x2048xi32>
    %select_n3A_476 = arith.select %and3A_473, %add3A_475, %rem3A_461 : vector<256x2048xi1>, vector<256x2048xi32>
    %jit3A_477 = arith.constant 16 : i32
    %div3A_478 = vector.broadcast %jit3A_477 : i32 to vector<256x2048xi32>
    %div3A_479 = arith.divsi %iota3A_348, %div3A_478 : vector<256x2048xi32>
    %sign3A_480 = arith.constant 0 : i32
    %sign3A_481 = vector.broadcast %sign3A_480 : i32 to vector<256x2048xi32>
    %sign3A_482 = arith.cmpi sgt, %iota3A_348, %sign3A_481 : vector<256x2048xi32>
    %sign3A_483 = arith.extui %sign3A_482 : vector<256x2048xi1> to vector<256x2048xi32>
    %sign3A_484 = arith.constant 0 : i32
    %sign3A_485 = vector.broadcast %sign3A_484 : i32 to vector<256x2048xi32>
    %sign3A_486 = arith.cmpi slt, %iota3A_348, %sign3A_485 : vector<256x2048xi32>
    %sign3A_487 = arith.extui %sign3A_486 : vector<256x2048xi1> to vector<256x2048xi32>
    %sign3A_488 = arith.subi %sign3A_483, %sign3A_487 : vector<256x2048xi32>
    %sign3A_489 = arith.constant 0 : i32
    %sign3A_490 = arith.cmpi sgt, %jit3A_477, %sign3A_489 : i32
    %sign3A_491 = arith.extui %sign3A_490 : i1 to i32
    %sign3A_492 = arith.constant 0 : i32
    %sign3A_493 = arith.cmpi slt, %jit3A_477, %sign3A_492 : i32
    %sign3A_494 = arith.extui %sign3A_493 : i1 to i32
    %sign3A_495 = arith.subi %sign3A_491, %sign3A_494 : i32
    %ne3A_496 = vector.broadcast %sign3A_495 : i32 to vector<256x2048xi32>
    %ne3A_497 = arith.cmpi ne, %sign3A_488, %ne3A_496 : vector<256x2048xi32>
    %rem3A_498 = vector.broadcast %jit3A_477 : i32 to vector<256x2048xi32>
    %rem3A_499 = arith.remsi %iota3A_348, %rem3A_498 : vector<256x2048xi32>
    %ne3A_500 = arith.constant 0 : i32
    %ne3A_501 = vector.broadcast %ne3A_500 : i32 to vector<256x2048xi32>
    %ne3A_502 = arith.cmpi ne, %rem3A_499, %ne3A_501 : vector<256x2048xi32>
    %and3A_503 = arith.andi %ne3A_497, %ne3A_502 : vector<256x2048xi1>
    %sub3A_504 = arith.constant 1 : i32
    %sub3A_505 = vector.broadcast %sub3A_504 : i32 to vector<256x2048xi32>
    %sub3A_506 = arith.subi %div3A_479, %sub3A_505 : vector<256x2048xi32>
    %select_n3A_507 = arith.select %and3A_503, %sub3A_506, %div3A_479 : vector<256x2048xi1>, vector<256x2048xi32>
    %jit3A_508 = arith.constant 16 : i32
    %eq3A_509 = arith.constant 0 : i32
    %eq3A_510 = arith.cmpi eq, %jit3A_508, %eq3A_509 : i32
    %jit3A_511 = arith.constant 1 : i32
    %select_n3A_512 = arith.select %eq3A_510, %jit3A_511, %jit3A_508 : i32
    %rem3A_513 = vector.broadcast %select_n3A_512 : i32 to vector<256x2048xi32>
    %rem3A_514 = arith.remsi %select_n3A_507, %rem3A_513 : vector<256x2048xi32>
    %ne3A_515 = arith.constant 0 : i32
    %ne3A_516 = vector.broadcast %ne3A_515 : i32 to vector<256x2048xi32>
    %ne3A_517 = arith.cmpi ne, %rem3A_514, %ne3A_516 : vector<256x2048xi32>
    %lt3A_518 = arith.constant 0 : i32
    %lt3A_519 = vector.broadcast %lt3A_518 : i32 to vector<256x2048xi32>
    %lt3A_520 = arith.cmpi slt, %rem3A_514, %lt3A_519 : vector<256x2048xi32>
    %lt3A_521 = arith.constant 0 : i32
    %lt3A_522 = arith.cmpi slt, %select_n3A_512, %lt3A_521 : i32
    %ne3A_523 = vector.broadcast %lt3A_522 : i1 to vector<256x2048xi1>
    %ne3A_524 = vector.broadcast %ne3A_523 : vector<256x2048xi1> to vector<256x2048xi1>
    %ne3A_525 = arith.xori %lt3A_520, %ne3A_524 : vector<256x2048xi1>
    %and3A_526 = arith.andi %ne3A_525, %ne3A_517 : vector<256x2048xi1>
    %add3A_527 = vector.broadcast %select_n3A_512 : i32 to vector<256x2048xi32>
    %add3A_528 = arith.addi %rem3A_514, %add3A_527 : vector<256x2048xi32>
    %select_n3A_529 = arith.select %and3A_526, %add3A_528, %rem3A_514 : vector<256x2048xi1>, vector<256x2048xi32>
    %jit3A_530 = arith.constant 256 : i32
    %div3A_531 = vector.broadcast %jit3A_530 : i32 to vector<256x2048xi32>
    %div3A_532 = arith.divsi %iota3A_348, %div3A_531 : vector<256x2048xi32>
    %sign3A_533 = arith.constant 0 : i32
    %sign3A_534 = vector.broadcast %sign3A_533 : i32 to vector<256x2048xi32>
    %sign3A_535 = arith.cmpi sgt, %iota3A_348, %sign3A_534 : vector<256x2048xi32>
    %sign3A_536 = arith.extui %sign3A_535 : vector<256x2048xi1> to vector<256x2048xi32>
    %sign3A_537 = arith.constant 0 : i32
    %sign3A_538 = vector.broadcast %sign3A_537 : i32 to vector<256x2048xi32>
    %sign3A_539 = arith.cmpi slt, %iota3A_348, %sign3A_538 : vector<256x2048xi32>
    %sign3A_540 = arith.extui %sign3A_539 : vector<256x2048xi1> to vector<256x2048xi32>
    %sign3A_541 = arith.subi %sign3A_536, %sign3A_540 : vector<256x2048xi32>
    %sign3A_542 = arith.constant 0 : i32
    %sign3A_543 = arith.cmpi sgt, %jit3A_530, %sign3A_542 : i32
    %sign3A_544 = arith.extui %sign3A_543 : i1 to i32
    %sign3A_545 = arith.constant 0 : i32
    %sign3A_546 = arith.cmpi slt, %jit3A_530, %sign3A_545 : i32
    %sign3A_547 = arith.extui %sign3A_546 : i1 to i32
    %sign3A_548 = arith.subi %sign3A_544, %sign3A_547 : i32
    %ne3A_549 = vector.broadcast %sign3A_548 : i32 to vector<256x2048xi32>
    %ne3A_550 = arith.cmpi ne, %sign3A_541, %ne3A_549 : vector<256x2048xi32>
    %rem3A_551 = vector.broadcast %jit3A_530 : i32 to vector<256x2048xi32>
    %rem3A_552 = arith.remsi %iota3A_348, %rem3A_551 : vector<256x2048xi32>
    %ne3A_553 = arith.constant 0 : i32
    %ne3A_554 = vector.broadcast %ne3A_553 : i32 to vector<256x2048xi32>
    %ne3A_555 = arith.cmpi ne, %rem3A_552, %ne3A_554 : vector<256x2048xi32>
    %and3A_556 = arith.andi %ne3A_550, %ne3A_555 : vector<256x2048xi1>
    %sub3A_557 = arith.constant 1 : i32
    %sub3A_558 = vector.broadcast %sub3A_557 : i32 to vector<256x2048xi32>
    %sub3A_559 = arith.subi %div3A_532, %sub3A_558 : vector<256x2048xi32>
    %select_n3A_560 = arith.select %and3A_556, %sub3A_559, %div3A_532 : vector<256x2048xi1>, vector<256x2048xi32>
    %broadcast_in_dim3A_561 = arith.constant 0xFF800000 : f32
    %broadcast_in_dim3A_562 = vector.broadcast %broadcast_in_dim3A_561 : f32 to vector<256x2048xf32>
    %sub3A_563 = arith.subi %select_n3A_476, %select_n3A_370 : vector<256x2048xi32>
    %eq3A_564 = arith.constant 0 : i32
    %eq3A_565 = vector.broadcast %eq3A_564 : i32 to vector<256x2048xi32>
    %eq3A_566 = arith.cmpi eq, %sub3A_563, %eq3A_565 : vector<256x2048xi32>
    %sub3A_567 = arith.subi %select_n3A_529, %select_n3A_423 : vector<256x2048xi32>
    %eq3A_568 = arith.constant 0 : i32
    %eq3A_569 = vector.broadcast %eq3A_568 : i32 to vector<256x2048xi32>
    %eq3A_570 = arith.cmpi eq, %sub3A_567, %eq3A_569 : vector<256x2048xi32>
    %and3A_571 = arith.andi %eq3A_566, %eq3A_570 : vector<256x2048xi1>
    %sub3A_572 = arith.subi %select_n3A_560, %select_n3A_454 : vector<256x2048xi32>
    %eq3A_573 = arith.constant 0 : i32
    %eq3A_574 = vector.broadcast %eq3A_573 : i32 to vector<256x2048xi32>
    %eq3A_575 = arith.cmpi eq, %sub3A_572, %eq3A_574 : vector<256x2048xi32>
    %and3A_576 = arith.andi %and3A_571, %eq3A_575 : vector<256x2048xi1>
    %slice3A_577 = vector.extract_strided_slice %sub3A_7 {offsets = [256, 0], sizes = [256, 1], strides = [1, 1]} : vector<2048x7xf32> to vector<256x1xf32>
    %broadcast_in_dim3A_578 = vector.shape_cast %slice3A_577 : vector<256x1xf32> to vector<256x1xf32>
    %broadcast_in_dim3A_579 = vector.broadcast %broadcast_in_dim3A_578 : vector<256x1xf32> to vector<256x2048xf32>
    %select_n3A_580 = arith.select %and3A_576, %broadcast_in_dim3A_579, %broadcast_in_dim3A_562 : vector<256x2048xi1>, vector<256x2048xf32>
    %sub3A_581 = arith.subi %select_n3A_476, %select_n3A_370 : vector<256x2048xi32>
    %eq3A_582 = arith.constant 1 : i32
    %eq3A_583 = vector.broadcast %eq3A_582 : i32 to vector<256x2048xi32>
    %eq3A_584 = arith.cmpi eq, %sub3A_581, %eq3A_583 : vector<256x2048xi32>
    %sub3A_585 = arith.subi %select_n3A_529, %select_n3A_423 : vector<256x2048xi32>
    %eq3A_586 = arith.constant 0 : i32
    %eq3A_587 = vector.broadcast %eq3A_586 : i32 to vector<256x2048xi32>
    %eq3A_588 = arith.cmpi eq, %sub3A_585, %eq3A_587 : vector<256x2048xi32>
    %and3A_589 = arith.andi %eq3A_584, %eq3A_588 : vector<256x2048xi1>
    %sub3A_590 = arith.subi %select_n3A_560, %select_n3A_454 : vector<256x2048xi32>
    %eq3A_591 = arith.constant 0 : i32
    %eq3A_592 = vector.broadcast %eq3A_591 : i32 to vector<256x2048xi32>
    %eq3A_593 = arith.cmpi eq, %sub3A_590, %eq3A_592 : vector<256x2048xi32>
    %and3A_594 = arith.andi %and3A_589, %eq3A_593 : vector<256x2048xi1>
    %slice3A_595 = vector.extract_strided_slice %sub3A_7 {offsets = [256, 1], sizes = [256, 1], strides = [1, 1]} : vector<2048x7xf32> to vector<256x1xf32>
    %broadcast_in_dim3A_596 = vector.shape_cast %slice3A_595 : vector<256x1xf32> to vector<256x1xf32>
    %broadcast_in_dim3A_597 = vector.broadcast %broadcast_in_dim3A_596 : vector<256x1xf32> to vector<256x2048xf32>
    %select_n3A_598 = arith.select %and3A_594, %broadcast_in_dim3A_597, %select_n3A_580 : vector<256x2048xi1>, vector<256x2048xf32>
    %sub3A_599 = arith.subi %select_n3A_476, %select_n3A_370 : vector<256x2048xi32>
    %eq3A_600 = arith.constant -1 : i32
    %eq3A_601 = vector.broadcast %eq3A_600 : i32 to vector<256x2048xi32>
    %eq3A_602 = arith.cmpi eq, %sub3A_599, %eq3A_601 : vector<256x2048xi32>
    %sub3A_603 = arith.subi %select_n3A_529, %select_n3A_423 : vector<256x2048xi32>
    %eq3A_604 = arith.constant 0 : i32
    %eq3A_605 = vector.broadcast %eq3A_604 : i32 to vector<256x2048xi32>
    %eq3A_606 = arith.cmpi eq, %sub3A_603, %eq3A_605 : vector<256x2048xi32>
    %and3A_607 = arith.andi %eq3A_602, %eq3A_606 : vector<256x2048xi1>
    %sub3A_608 = arith.subi %select_n3A_560, %select_n3A_454 : vector<256x2048xi32>
    %eq3A_609 = arith.constant 0 : i32
    %eq3A_610 = vector.broadcast %eq3A_609 : i32 to vector<256x2048xi32>
    %eq3A_611 = arith.cmpi eq, %sub3A_608, %eq3A_610 : vector<256x2048xi32>
    %and3A_612 = arith.andi %and3A_607, %eq3A_611 : vector<256x2048xi1>
    %slice3A_613 = vector.extract_strided_slice %sub3A_7 {offsets = [256, 2], sizes = [256, 1], strides = [1, 1]} : vector<2048x7xf32> to vector<256x1xf32>
    %broadcast_in_dim3A_614 = vector.shape_cast %slice3A_613 : vector<256x1xf32> to vector<256x1xf32>
    %broadcast_in_dim3A_615 = vector.broadcast %broadcast_in_dim3A_614 : vector<256x1xf32> to vector<256x2048xf32>
    %select_n3A_616 = arith.select %and3A_612, %broadcast_in_dim3A_615, %select_n3A_598 : vector<256x2048xi1>, vector<256x2048xf32>
    %sub3A_617 = arith.subi %select_n3A_476, %select_n3A_370 : vector<256x2048xi32>
    %eq3A_618 = arith.constant 0 : i32
    %eq3A_619 = vector.broadcast %eq3A_618 : i32 to vector<256x2048xi32>
    %eq3A_620 = arith.cmpi eq, %sub3A_617, %eq3A_619 : vector<256x2048xi32>
    %sub3A_621 = arith.subi %select_n3A_529, %select_n3A_423 : vector<256x2048xi32>
    %eq3A_622 = arith.constant 1 : i32
    %eq3A_623 = vector.broadcast %eq3A_622 : i32 to vector<256x2048xi32>
    %eq3A_624 = arith.cmpi eq, %sub3A_621, %eq3A_623 : vector<256x2048xi32>
    %and3A_625 = arith.andi %eq3A_620, %eq3A_624 : vector<256x2048xi1>
    %sub3A_626 = arith.subi %select_n3A_560, %select_n3A_454 : vector<256x2048xi32>
    %eq3A_627 = arith.constant 0 : i32
    %eq3A_628 = vector.broadcast %eq3A_627 : i32 to vector<256x2048xi32>
    %eq3A_629 = arith.cmpi eq, %sub3A_626, %eq3A_628 : vector<256x2048xi32>
    %and3A_630 = arith.andi %and3A_625, %eq3A_629 : vector<256x2048xi1>
    %slice3A_631 = vector.extract_strided_slice %sub3A_7 {offsets = [256, 3], sizes = [256, 1], strides = [1, 1]} : vector<2048x7xf32> to vector<256x1xf32>
    %broadcast_in_dim3A_632 = vector.shape_cast %slice3A_631 : vector<256x1xf32> to vector<256x1xf32>
    %broadcast_in_dim3A_633 = vector.broadcast %broadcast_in_dim3A_632 : vector<256x1xf32> to vector<256x2048xf32>
    %select_n3A_634 = arith.select %and3A_630, %broadcast_in_dim3A_633, %select_n3A_616 : vector<256x2048xi1>, vector<256x2048xf32>
    %sub3A_635 = arith.subi %select_n3A_476, %select_n3A_370 : vector<256x2048xi32>
    %eq3A_636 = arith.constant 0 : i32
    %eq3A_637 = vector.broadcast %eq3A_636 : i32 to vector<256x2048xi32>
    %eq3A_638 = arith.cmpi eq, %sub3A_635, %eq3A_637 : vector<256x2048xi32>
    %sub3A_639 = arith.subi %select_n3A_529, %select_n3A_423 : vector<256x2048xi32>
    %eq3A_640 = arith.constant -1 : i32
    %eq3A_641 = vector.broadcast %eq3A_640 : i32 to vector<256x2048xi32>
    %eq3A_642 = arith.cmpi eq, %sub3A_639, %eq3A_641 : vector<256x2048xi32>
    %and3A_643 = arith.andi %eq3A_638, %eq3A_642 : vector<256x2048xi1>
    %sub3A_644 = arith.subi %select_n3A_560, %select_n3A_454 : vector<256x2048xi32>
    %eq3A_645 = arith.constant 0 : i32
    %eq3A_646 = vector.broadcast %eq3A_645 : i32 to vector<256x2048xi32>
    %eq3A_647 = arith.cmpi eq, %sub3A_644, %eq3A_646 : vector<256x2048xi32>
    %and3A_648 = arith.andi %and3A_643, %eq3A_647 : vector<256x2048xi1>
    %slice3A_649 = vector.extract_strided_slice %sub3A_7 {offsets = [256, 4], sizes = [256, 1], strides = [1, 1]} : vector<2048x7xf32> to vector<256x1xf32>
    %broadcast_in_dim3A_650 = vector.shape_cast %slice3A_649 : vector<256x1xf32> to vector<256x1xf32>
    %broadcast_in_dim3A_651 = vector.broadcast %broadcast_in_dim3A_650 : vector<256x1xf32> to vector<256x2048xf32>
    %select_n3A_652 = arith.select %and3A_648, %broadcast_in_dim3A_651, %select_n3A_634 : vector<256x2048xi1>, vector<256x2048xf32>
    %sub3A_653 = arith.subi %select_n3A_476, %select_n3A_370 : vector<256x2048xi32>
    %eq3A_654 = arith.constant 0 : i32
    %eq3A_655 = vector.broadcast %eq3A_654 : i32 to vector<256x2048xi32>
    %eq3A_656 = arith.cmpi eq, %sub3A_653, %eq3A_655 : vector<256x2048xi32>
    %sub3A_657 = arith.subi %select_n3A_529, %select_n3A_423 : vector<256x2048xi32>
    %eq3A_658 = arith.constant 0 : i32
    %eq3A_659 = vector.broadcast %eq3A_658 : i32 to vector<256x2048xi32>
    %eq3A_660 = arith.cmpi eq, %sub3A_657, %eq3A_659 : vector<256x2048xi32>
    %and3A_661 = arith.andi %eq3A_656, %eq3A_660 : vector<256x2048xi1>
    %sub3A_662 = arith.subi %select_n3A_560, %select_n3A_454 : vector<256x2048xi32>
    %eq3A_663 = arith.constant 1 : i32
    %eq3A_664 = vector.broadcast %eq3A_663 : i32 to vector<256x2048xi32>
    %eq3A_665 = arith.cmpi eq, %sub3A_662, %eq3A_664 : vector<256x2048xi32>
    %and3A_666 = arith.andi %and3A_661, %eq3A_665 : vector<256x2048xi1>
    %slice3A_667 = vector.extract_strided_slice %sub3A_7 {offsets = [256, 5], sizes = [256, 1], strides = [1, 1]} : vector<2048x7xf32> to vector<256x1xf32>
    %broadcast_in_dim3A_668 = vector.shape_cast %slice3A_667 : vector<256x1xf32> to vector<256x1xf32>
    %broadcast_in_dim3A_669 = vector.broadcast %broadcast_in_dim3A_668 : vector<256x1xf32> to vector<256x2048xf32>
    %select_n3A_670 = arith.select %and3A_666, %broadcast_in_dim3A_669, %select_n3A_652 : vector<256x2048xi1>, vector<256x2048xf32>
    %sub3A_671 = arith.subi %select_n3A_476, %select_n3A_370 : vector<256x2048xi32>
    %eq3A_672 = arith.constant 0 : i32
    %eq3A_673 = vector.broadcast %eq3A_672 : i32 to vector<256x2048xi32>
    %eq3A_674 = arith.cmpi eq, %sub3A_671, %eq3A_673 : vector<256x2048xi32>
    %sub3A_675 = arith.subi %select_n3A_529, %select_n3A_423 : vector<256x2048xi32>
    %eq3A_676 = arith.constant 0 : i32
    %eq3A_677 = vector.broadcast %eq3A_676 : i32 to vector<256x2048xi32>
    %eq3A_678 = arith.cmpi eq, %sub3A_675, %eq3A_677 : vector<256x2048xi32>
    %and3A_679 = arith.andi %eq3A_674, %eq3A_678 : vector<256x2048xi1>
    %sub3A_680 = arith.subi %select_n3A_560, %select_n3A_454 : vector<256x2048xi32>
    %eq3A_681 = arith.constant 2 : i32
    %eq3A_682 = vector.broadcast %eq3A_681 : i32 to vector<256x2048xi32>
    %eq3A_683 = arith.cmpi eq, %sub3A_680, %eq3A_682 : vector<256x2048xi32>
    %and3A_684 = arith.andi %and3A_679, %eq3A_683 : vector<256x2048xi1>
    %slice3A_685 = vector.extract_strided_slice %sub3A_7 {offsets = [256, 6], sizes = [256, 1], strides = [1, 1]} : vector<2048x7xf32> to vector<256x1xf32>
    %broadcast_in_dim3A_686 = vector.shape_cast %slice3A_685 : vector<256x1xf32> to vector<256x1xf32>
    %broadcast_in_dim3A_687 = vector.broadcast %broadcast_in_dim3A_686 : vector<256x1xf32> to vector<256x2048xf32>
    %select_n3A_688 = arith.select %and3A_684, %broadcast_in_dim3A_687, %select_n3A_670 : vector<256x2048xi1>, vector<256x2048xf32>
    %swap3A_689 = arith.constant 256 : index
    %swap3A_690 = arith.constant 0 : index
    %swap3A_691 = vector.load %arg4[%swap3A_689, %swap3A_690] : memref<2048x2048xf32, #tpu.memory_space<vmem>>, vector<256x2048xf32>
    tpu.vector_store %arg4[%swap3A_689, %swap3A_690], %select_n3A_688 {strides = array<i32>} : memref<2048x2048xf32, #tpu.memory_space<vmem>>, vector<256x2048xf32>,
    %iota3A_692 = tpu.iota {dimensions = array<i32: 0>} : vector<256x2048xi32>
    %add3A_693 = arith.constant 512 : i32
    %add3A_694 = vector.broadcast %add3A_693 : i32 to vector<256x2048xi32>
    %add3A_695 = arith.addi %add3A_694, %iota3A_692 : vector<256x2048xi32>
    %iota3A_696 = tpu.iota {dimensions = array<i32: 1>} : vector<256x2048xi32>
    %jit3A_697 = arith.constant 16 : i32
    %eq3A_698 = arith.constant 0 : i32
    %eq3A_699 = arith.cmpi eq, %jit3A_697, %eq3A_698 : i32
    %jit3A_700 = arith.constant 1 : i32
    %select_n3A_701 = arith.select %eq3A_699, %jit3A_700, %jit3A_697 : i32
    %rem3A_702 = vector.broadcast %select_n3A_701 : i32 to vector<256x2048xi32>
    %rem3A_703 = arith.remsi %add3A_695, %rem3A_702 : vector<256x2048xi32>
    %ne3A_704 = arith.constant 0 : i32
    %ne3A_705 = vector.broadcast %ne3A_704 : i32 to vector<256x2048xi32>
    %ne3A_706 = arith.cmpi ne, %rem3A_703, %ne3A_705 : vector<256x2048xi32>
    %lt3A_707 = arith.constant 0 : i32
    %lt3A_708 = vector.broadcast %lt3A_707 : i32 to vector<256x2048xi32>
    %lt3A_709 = arith.cmpi slt, %rem3A_703, %lt3A_708 : vector<256x2048xi32>
    %lt3A_710 = arith.constant 0 : i32
    %lt3A_711 = arith.cmpi slt, %select_n3A_701, %lt3A_710 : i32
    %ne3A_712 = vector.broadcast %lt3A_711 : i1 to vector<256x2048xi1>
    %ne3A_713 = vector.broadcast %ne3A_712 : vector<256x2048xi1> to vector<256x2048xi1>
    %ne3A_714 = arith.xori %lt3A_709, %ne3A_713 : vector<256x2048xi1>
    %and3A_715 = arith.andi %ne3A_714, %ne3A_706 : vector<256x2048xi1>
    %add3A_716 = vector.broadcast %select_n3A_701 : i32 to vector<256x2048xi32>
    %add3A_717 = arith.addi %rem3A_703, %add3A_716 : vector<256x2048xi32>
    %select_n3A_718 = arith.select %and3A_715, %add3A_717, %rem3A_703 : vector<256x2048xi1>, vector<256x2048xi32>
    %jit3A_719 = arith.constant 16 : i32
    %div3A_720 = vector.broadcast %jit3A_719 : i32 to vector<256x2048xi32>
    %div3A_721 = arith.divsi %add3A_695, %div3A_720 : vector<256x2048xi32>
    %sign3A_722 = arith.constant 0 : i32
    %sign3A_723 = vector.broadcast %sign3A_722 : i32 to vector<256x2048xi32>
    %sign3A_724 = arith.cmpi sgt, %add3A_695, %sign3A_723 : vector<256x2048xi32>
    %sign3A_725 = arith.extui %sign3A_724 : vector<256x2048xi1> to vector<256x2048xi32>
    %sign3A_726 = arith.constant 0 : i32
    %sign3A_727 = vector.broadcast %sign3A_726 : i32 to vector<256x2048xi32>
    %sign3A_728 = arith.cmpi slt, %add3A_695, %sign3A_727 : vector<256x2048xi32>
    %sign3A_729 = arith.extui %sign3A_728 : vector<256x2048xi1> to vector<256x2048xi32>
    %sign3A_730 = arith.subi %sign3A_725, %sign3A_729 : vector<256x2048xi32>
    %sign3A_731 = arith.constant 0 : i32
    %sign3A_732 = arith.cmpi sgt, %jit3A_719, %sign3A_731 : i32
    %sign3A_733 = arith.extui %sign3A_732 : i1 to i32
    %sign3A_734 = arith.constant 0 : i32
    %sign3A_735 = arith.cmpi slt, %jit3A_719, %sign3A_734 : i32
    %sign3A_736 = arith.extui %sign3A_735 : i1 to i32
    %sign3A_737 = arith.subi %sign3A_733, %sign3A_736 : i32
    %ne3A_738 = vector.broadcast %sign3A_737 : i32 to vector<256x2048xi32>
    %ne3A_739 = arith.cmpi ne, %sign3A_730, %ne3A_738 : vector<256x2048xi32>
    %rem3A_740 = vector.broadcast %jit3A_719 : i32 to vector<256x2048xi32>
    %rem3A_741 = arith.remsi %add3A_695, %rem3A_740 : vector<256x2048xi32>
    %ne3A_742 = arith.constant 0 : i32
    %ne3A_743 = vector.broadcast %ne3A_742 : i32 to vector<256x2048xi32>
    %ne3A_744 = arith.cmpi ne, %rem3A_741, %ne3A_743 : vector<256x2048xi32>
    %and3A_745 = arith.andi %ne3A_739, %ne3A_744 : vector<256x2048xi1>
    %sub3A_746 = arith.constant 1 : i32
    %sub3A_747 = vector.broadcast %sub3A_746 : i32 to vector<256x2048xi32>
    %sub3A_748 = arith.subi %div3A_721, %sub3A_747 : vector<256x2048xi32>
    %select_n3A_749 = arith.select %and3A_745, %sub3A_748, %div3A_721 : vector<256x2048xi1>, vector<256x2048xi32>
    %jit3A_750 = arith.constant 16 : i32
    %eq3A_751 = arith.constant 0 : i32
    %eq3A_752 = arith.cmpi eq, %jit3A_750, %eq3A_751 : i32
    %jit3A_753 = arith.constant 1 : i32
    %select_n3A_754 = arith.select %eq3A_752, %jit3A_753, %jit3A_750 : i32
    %rem3A_755 = vector.broadcast %select_n3A_754 : i32 to vector<256x2048xi32>
    %rem3A_756 = arith.remsi %select_n3A_749, %rem3A_755 : vector<256x2048xi32>
    %ne3A_757 = arith.constant 0 : i32
    %ne3A_758 = vector.broadcast %ne3A_757 : i32 to vector<256x2048xi32>
    %ne3A_759 = arith.cmpi ne, %rem3A_756, %ne3A_758 : vector<256x2048xi32>
    %lt3A_760 = arith.constant 0 : i32
    %lt3A_761 = vector.broadcast %lt3A_760 : i32 to vector<256x2048xi32>
    %lt3A_762 = arith.cmpi slt, %rem3A_756, %lt3A_761 : vector<256x2048xi32>
    %lt3A_763 = arith.constant 0 : i32
    %lt3A_764 = arith.cmpi slt, %select_n3A_754, %lt3A_763 : i32
    %ne3A_765 = vector.broadcast %lt3A_764 : i1 to vector<256x2048xi1>
    %ne3A_766 = vector.broadcast %ne3A_765 : vector<256x2048xi1> to vector<256x2048xi1>
    %ne3A_767 = arith.xori %lt3A_762, %ne3A_766 : vector<256x2048xi1>
    %and3A_768 = arith.andi %ne3A_767, %ne3A_759 : vector<256x2048xi1>
    %add3A_769 = vector.broadcast %select_n3A_754 : i32 to vector<256x2048xi32>
    %add3A_770 = arith.addi %rem3A_756, %add3A_769 : vector<256x2048xi32>
    %select_n3A_771 = arith.select %and3A_768, %add3A_770, %rem3A_756 : vector<256x2048xi1>, vector<256x2048xi32>
    %jit3A_772 = arith.constant 256 : i32
    %div3A_773 = vector.broadcast %jit3A_772 : i32 to vector<256x2048xi32>
    %div3A_774 = arith.divsi %add3A_695, %div3A_773 : vector<256x2048xi32>
    %sign3A_775 = arith.constant 0 : i32
    %sign3A_776 = vector.broadcast %sign3A_775 : i32 to vector<256x2048xi32>
    %sign3A_777 = arith.cmpi sgt, %add3A_695, %sign3A_776 : vector<256x2048xi32>
    %sign3A_778 = arith.extui %sign3A_777 : vector<256x2048xi1> to vector<256x2048xi32>
    %sign3A_779 = arith.constant 0 : i32
    %sign3A_780 = vector.broadcast %sign3A_779 : i32 to vector<256x2048xi32>
    %sign3A_781 = arith.cmpi slt, %add3A_695, %sign3A_780 : vector<256x2048xi32>
    %sign3A_782 = arith.extui %sign3A_781 : vector<256x2048xi1> to vector<256x2048xi32>
    %sign3A_783 = arith.subi %sign3A_778, %sign3A_782 : vector<256x2048xi32>
    %sign3A_784 = arith.constant 0 : i32
    %sign3A_785 = arith.cmpi sgt, %jit3A_772, %sign3A_784 : i32
    %sign3A_786 = arith.extui %sign3A_785 : i1 to i32
    %sign3A_787 = arith.constant 0 : i32
    %sign3A_788 = arith.cmpi slt, %jit3A_772, %sign3A_787 : i32
    %sign3A_789 = arith.extui %sign3A_788 : i1 to i32
    %sign3A_790 = arith.subi %sign3A_786, %sign3A_789 : i32
    %ne3A_791 = vector.broadcast %sign3A_790 : i32 to vector<256x2048xi32>
    %ne3A_792 = arith.cmpi ne, %sign3A_783, %ne3A_791 : vector<256x2048xi32>
    %rem3A_793 = vector.broadcast %jit3A_772 : i32 to vector<256x2048xi32>
    %rem3A_794 = arith.remsi %add3A_695, %rem3A_793 : vector<256x2048xi32>
    %ne3A_795 = arith.constant 0 : i32
    %ne3A_796 = vector.broadcast %ne3A_795 : i32 to vector<256x2048xi32>
    %ne3A_797 = arith.cmpi ne, %rem3A_794, %ne3A_796 : vector<256x2048xi32>
    %and3A_798 = arith.andi %ne3A_792, %ne3A_797 : vector<256x2048xi1>
    %sub3A_799 = arith.constant 1 : i32
    %sub3A_800 = vector.broadcast %sub3A_799 : i32 to vector<256x2048xi32>
    %sub3A_801 = arith.subi %div3A_774, %sub3A_800 : vector<256x2048xi32>
    %select_n3A_802 = arith.select %and3A_798, %sub3A_801, %div3A_774 : vector<256x2048xi1>, vector<256x2048xi32>
    %jit3A_803 = arith.constant 16 : i32
    %eq3A_804 = arith.constant 0 : i32
    %eq3A_805 = arith.cmpi eq, %jit3A_803, %eq3A_804 : i32
    %jit3A_806 = arith.constant 1 : i32
    %select_n3A_807 = arith.select %eq3A_805, %jit3A_806, %jit3A_803 : i32
    %rem3A_808 = vector.broadcast %select_n3A_807 : i32 to vector<256x2048xi32>
    %rem3A_809 = arith.remsi %iota3A_696, %rem3A_808 : vector<256x2048xi32>
    %ne3A_810 = arith.constant 0 : i32
    %ne3A_811 = vector.broadcast %ne3A_810 : i32 to vector<256x2048xi32>
    %ne3A_812 = arith.cmpi ne, %rem3A_809, %ne3A_811 : vector<256x2048xi32>
    %lt3A_813 = arith.constant 0 : i32
    %lt3A_814 = vector.broadcast %lt3A_813 : i32 to vector<256x2048xi32>
    %lt3A_815 = arith.cmpi slt, %rem3A_809, %lt3A_814 : vector<256x2048xi32>
    %lt3A_816 = arith.constant 0 : i32
    %lt3A_817 = arith.cmpi slt, %select_n3A_807, %lt3A_816 : i32
    %ne3A_818 = vector.broadcast %lt3A_817 : i1 to vector<256x2048xi1>
    %ne3A_819 = vector.broadcast %ne3A_818 : vector<256x2048xi1> to vector<256x2048xi1>
    %ne3A_820 = arith.xori %lt3A_815, %ne3A_819 : vector<256x2048xi1>
    %and3A_821 = arith.andi %ne3A_820, %ne3A_812 : vector<256x2048xi1>
    %add3A_822 = vector.broadcast %select_n3A_807 : i32 to vector<256x2048xi32>
    %add3A_823 = arith.addi %rem3A_809, %add3A_822 : vector<256x2048xi32>
    %select_n3A_824 = arith.select %and3A_821, %add3A_823, %rem3A_809 : vector<256x2048xi1>, vector<256x2048xi32>
    %jit3A_825 = arith.constant 16 : i32
    %div3A_826 = vector.broadcast %jit3A_825 : i32 to vector<256x2048xi32>
    %div3A_827 = arith.divsi %iota3A_696, %div3A_826 : vector<256x2048xi32>
    %sign3A_828 = arith.constant 0 : i32
    %sign3A_829 = vector.broadcast %sign3A_828 : i32 to vector<256x2048xi32>
    %sign3A_830 = arith.cmpi sgt, %iota3A_696, %sign3A_829 : vector<256x2048xi32>
    %sign3A_831 = arith.extui %sign3A_830 : vector<256x2048xi1> to vector<256x2048xi32>
    %sign3A_832 = arith.constant 0 : i32
    %sign3A_833 = vector.broadcast %sign3A_832 : i32 to vector<256x2048xi32>
    %sign3A_834 = arith.cmpi slt, %iota3A_696, %sign3A_833 : vector<256x2048xi32>
    %sign3A_835 = arith.extui %sign3A_834 : vector<256x2048xi1> to vector<256x2048xi32>
    %sign3A_836 = arith.subi %sign3A_831, %sign3A_835 : vector<256x2048xi32>
    %sign3A_837 = arith.constant 0 : i32
    %sign3A_838 = arith.cmpi sgt, %jit3A_825, %sign3A_837 : i32
    %sign3A_839 = arith.extui %sign3A_838 : i1 to i32
    %sign3A_840 = arith.constant 0 : i32
    %sign3A_841 = arith.cmpi slt, %jit3A_825, %sign3A_840 : i32
    %sign3A_842 = arith.extui %sign3A_841 : i1 to i32
    %sign3A_843 = arith.subi %sign3A_839, %sign3A_842 : i32
    %ne3A_844 = vector.broadcast %sign3A_843 : i32 to vector<256x2048xi32>
    %ne3A_845 = arith.cmpi ne, %sign3A_836, %ne3A_844 : vector<256x2048xi32>
    %rem3A_846 = vector.broadcast %jit3A_825 : i32 to vector<256x2048xi32>
    %rem3A_847 = arith.remsi %iota3A_696, %rem3A_846 : vector<256x2048xi32>
    %ne3A_848 = arith.constant 0 : i32
    %ne3A_849 = vector.broadcast %ne3A_848 : i32 to vector<256x2048xi32>
    %ne3A_850 = arith.cmpi ne, %rem3A_847, %ne3A_849 : vector<256x2048xi32>
    %and3A_851 = arith.andi %ne3A_845, %ne3A_850 : vector<256x2048xi1>
    %sub3A_852 = arith.constant 1 : i32
    %sub3A_853 = vector.broadcast %sub3A_852 : i32 to vector<256x2048xi32>
    %sub3A_854 = arith.subi %div3A_827, %sub3A_853 : vector<256x2048xi32>
    %select_n3A_855 = arith.select %and3A_851, %sub3A_854, %div3A_827 : vector<256x2048xi1>, vector<256x2048xi32>
    %jit3A_856 = arith.constant 16 : i32
    %eq3A_857 = arith.constant 0 : i32
    %eq3A_858 = arith.cmpi eq, %jit3A_856, %eq3A_857 : i32
    %jit3A_859 = arith.constant 1 : i32
    %select_n3A_860 = arith.select %eq3A_858, %jit3A_859, %jit3A_856 : i32
    %rem3A_861 = vector.broadcast %select_n3A_860 : i32 to vector<256x2048xi32>
    %rem3A_862 = arith.remsi %select_n3A_855, %rem3A_861 : vector<256x2048xi32>
    %ne3A_863 = arith.constant 0 : i32
    %ne3A_864 = vector.broadcast %ne3A_863 : i32 to vector<256x2048xi32>
    %ne3A_865 = arith.cmpi ne, %rem3A_862, %ne3A_864 : vector<256x2048xi32>
    %lt3A_866 = arith.constant 0 : i32
    %lt3A_867 = vector.broadcast %lt3A_866 : i32 to vector<256x2048xi32>
    %lt3A_868 = arith.cmpi slt, %rem3A_862, %lt3A_867 : vector<256x2048xi32>
    %lt3A_869 = arith.constant 0 : i32
    %lt3A_870 = arith.cmpi slt, %select_n3A_860, %lt3A_869 : i32
    %ne3A_871 = vector.broadcast %lt3A_870 : i1 to vector<256x2048xi1>
    %ne3A_872 = vector.broadcast %ne3A_871 : vector<256x2048xi1> to vector<256x2048xi1>
    %ne3A_873 = arith.xori %lt3A_868, %ne3A_872 : vector<256x2048xi1>
    %and3A_874 = arith.andi %ne3A_873, %ne3A_865 : vector<256x2048xi1>
    %add3A_875 = vector.broadcast %select_n3A_860 : i32 to vector<256x2048xi32>
    %add3A_876 = arith.addi %rem3A_862, %add3A_875 : vector<256x2048xi32>
    %select_n3A_877 = arith.select %and3A_874, %add3A_876, %rem3A_862 : vector<256x2048xi1>, vector<256x2048xi32>
    %jit3A_878 = arith.constant 256 : i32
    %div3A_879 = vector.broadcast %jit3A_878 : i32 to vector<256x2048xi32>
    %div3A_880 = arith.divsi %iota3A_696, %div3A_879 : vector<256x2048xi32>
    %sign3A_881 = arith.constant 0 : i32
    %sign3A_882 = vector.broadcast %sign3A_881 : i32 to vector<256x2048xi32>
    %sign3A_883 = arith.cmpi sgt, %iota3A_696, %sign3A_882 : vector<256x2048xi32>
    %sign3A_884 = arith.extui %sign3A_883 : vector<256x2048xi1> to vector<256x2048xi32>
    %sign3A_885 = arith.constant 0 : i32
    %sign3A_886 = vector.broadcast %sign3A_885 : i32 to vector<256x2048xi32>
    %sign3A_887 = arith.cmpi slt, %iota3A_696, %sign3A_886 : vector<256x2048xi32>
    %sign3A_888 = arith.extui %sign3A_887 : vector<256x2048xi1> to vector<256x2048xi32>
    %sign3A_889 = arith.subi %sign3A_884, %sign3A_888 : vector<256x2048xi32>
    %sign3A_890 = arith.constant 0 : i32
    %sign3A_891 = arith.cmpi sgt, %jit3A_878, %sign3A_890 : i32
    %sign3A_892 = arith.extui %sign3A_891 : i1 to i32
    %sign3A_893 = arith.constant 0 : i32
    %sign3A_894 = arith.cmpi slt, %jit3A_878, %sign3A_893 : i32
    %sign3A_895 = arith.extui %sign3A_894 : i1 to i32
    %sign3A_896 = arith.subi %sign3A_892, %sign3A_895 : i32
    %ne3A_897 = vector.broadcast %sign3A_896 : i32 to vector<256x2048xi32>
    %ne3A_898 = arith.cmpi ne, %sign3A_889, %ne3A_897 : vector<256x2048xi32>
    %rem3A_899 = vector.broadcast %jit3A_878 : i32 to vector<256x2048xi32>
    %rem3A_900 = arith.remsi %iota3A_696, %rem3A_899 : vector<256x2048xi32>
    %ne3A_901 = arith.constant 0 : i32
    %ne3A_902 = vector.broadcast %ne3A_901 : i32 to vector<256x2048xi32>
    %ne3A_903 = arith.cmpi ne, %rem3A_900, %ne3A_902 : vector<256x2048xi32>
    %and3A_904 = arith.andi %ne3A_898, %ne3A_903 : vector<256x2048xi1>
    %sub3A_905 = arith.constant 1 : i32
    %sub3A_906 = vector.broadcast %sub3A_905 : i32 to vector<256x2048xi32>
    %sub3A_907 = arith.subi %div3A_880, %sub3A_906 : vector<256x2048xi32>
    %select_n3A_908 = arith.select %and3A_904, %sub3A_907, %div3A_880 : vector<256x2048xi1>, vector<256x2048xi32>
    %broadcast_in_dim3A_909 = arith.constant 0xFF800000 : f32
    %broadcast_in_dim3A_910 = vector.broadcast %broadcast_in_dim3A_909 : f32 to vector<256x2048xf32>
    %sub3A_911 = arith.subi %select_n3A_824, %select_n3A_718 : vector<256x2048xi32>
    %eq3A_912 = arith.constant 0 : i32
    %eq3A_913 = vector.broadcast %eq3A_912 : i32 to vector<256x2048xi32>
    %eq3A_914 = arith.cmpi eq, %sub3A_911, %eq3A_913 : vector<256x2048xi32>
    %sub3A_915 = arith.subi %select_n3A_877, %select_n3A_771 : vector<256x2048xi32>
    %eq3A_916 = arith.constant 0 : i32
    %eq3A_917 = vector.broadcast %eq3A_916 : i32 to vector<256x2048xi32>
    %eq3A_918 = arith.cmpi eq, %sub3A_915, %eq3A_917 : vector<256x2048xi32>
    %and3A_919 = arith.andi %eq3A_914, %eq3A_918 : vector<256x2048xi1>
    %sub3A_920 = arith.subi %select_n3A_908, %select_n3A_802 : vector<256x2048xi32>
    %eq3A_921 = arith.constant 0 : i32
    %eq3A_922 = vector.broadcast %eq3A_921 : i32 to vector<256x2048xi32>
    %eq3A_923 = arith.cmpi eq, %sub3A_920, %eq3A_922 : vector<256x2048xi32>
    %and3A_924 = arith.andi %and3A_919, %eq3A_923 : vector<256x2048xi1>
    %slice3A_925 = vector.extract_strided_slice %sub3A_7 {offsets = [512, 0], sizes = [256, 1], strides = [1, 1]} : vector<2048x7xf32> to vector<256x1xf32>
    %broadcast_in_dim3A_926 = vector.shape_cast %slice3A_925 : vector<256x1xf32> to vector<256x1xf32>
    %broadcast_in_dim3A_927 = vector.broadcast %broadcast_in_dim3A_926 : vector<256x1xf32> to vector<256x2048xf32>
    %select_n3A_928 = arith.select %and3A_924, %broadcast_in_dim3A_927, %broadcast_in_dim3A_910 : vector<256x2048xi1>, vector<256x2048xf32>
    %sub3A_929 = arith.subi %select_n3A_824, %select_n3A_718 : vector<256x2048xi32>
    %eq3A_930 = arith.constant 1 : i32
    %eq3A_931 = vector.broadcast %eq3A_930 : i32 to vector<256x2048xi32>
    %eq3A_932 = arith.cmpi eq, %sub3A_929, %eq3A_931 : vector<256x2048xi32>
    %sub3A_933 = arith.subi %select_n3A_877, %select_n3A_771 : vector<256x2048xi32>
    %eq3A_934 = arith.constant 0 : i32
    %eq3A_935 = vector.broadcast %eq3A_934 : i32 to vector<256x2048xi32>
    %eq3A_936 = arith.cmpi eq, %sub3A_933, %eq3A_935 : vector<256x2048xi32>
    %and3A_937 = arith.andi %eq3A_932, %eq3A_936 : vector<256x2048xi1>
    %sub3A_938 = arith.subi %select_n3A_908, %select_n3A_802 : vector<256x2048xi32>
    %eq3A_939 = arith.constant 0 : i32
    %eq3A_940 = vector.broadcast %eq3A_939 : i32 to vector<256x2048xi32>
    %eq3A_941 = arith.cmpi eq, %sub3A_938, %eq3A_940 : vector<256x2048xi32>
    %and3A_942 = arith.andi %and3A_937, %eq3A_941 : vector<256x2048xi1>
    %slice3A_943 = vector.extract_strided_slice %sub3A_7 {offsets = [512, 1], sizes = [256, 1], strides = [1, 1]} : vector<2048x7xf32> to vector<256x1xf32>
    %broadcast_in_dim3A_944 = vector.shape_cast %slice3A_943 : vector<256x1xf32> to vector<256x1xf32>
    %broadcast_in_dim3A_945 = vector.broadcast %broadcast_in_dim3A_944 : vector<256x1xf32> to vector<256x2048xf32>
    %select_n3A_946 = arith.select %and3A_942, %broadcast_in_dim3A_945, %select_n3A_928 : vector<256x2048xi1>, vector<256x2048xf32>
    %sub3A_947 = arith.subi %select_n3A_824, %select_n3A_718 : vector<256x2048xi32>
    %eq3A_948 = arith.constant -1 : i32
    %eq3A_949 = vector.broadcast %eq3A_948 : i32 to vector<256x2048xi32>
    %eq3A_950 = arith.cmpi eq, %sub3A_947, %eq3A_949 : vector<256x2048xi32>
    %sub3A_951 = arith.subi %select_n3A_877, %select_n3A_771 : vector<256x2048xi32>
    %eq3A_952 = arith.constant 0 : i32
    %eq3A_953 = vector.broadcast %eq3A_952 : i32 to vector<256x2048xi32>
    %eq3A_954 = arith.cmpi eq, %sub3A_951, %eq3A_953 : vector<256x2048xi32>
    %and3A_955 = arith.andi %eq3A_950, %eq3A_954 : vector<256x2048xi1>
    %sub3A_956 = arith.subi %select_n3A_908, %select_n3A_802 : vector<256x2048xi32>
    %eq3A_957 = arith.constant 0 : i32
    %eq3A_958 = vector.broadcast %eq3A_957 : i32 to vector<256x2048xi32>
    %eq3A_959 = arith.cmpi eq, %sub3A_956, %eq3A_958 : vector<256x2048xi32>
    %and3A_960 = arith.andi %and3A_955, %eq3A_959 : vector<256x2048xi1>
    %slice3A_961 = vector.extract_strided_slice %sub3A_7 {offsets = [512, 2], sizes = [256, 1], strides = [1, 1]} : vector<2048x7xf32> to vector<256x1xf32>
    %broadcast_in_dim3A_962 = vector.shape_cast %slice3A_961 : vector<256x1xf32> to vector<256x1xf32>
    %broadcast_in_dim3A_963 = vector.broadcast %broadcast_in_dim3A_962 : vector<256x1xf32> to vector<256x2048xf32>
    %select_n3A_964 = arith.select %and3A_960, %broadcast_in_dim3A_963, %select_n3A_946 : vector<256x2048xi1>, vector<256x2048xf32>
    %sub3A_965 = arith.subi %select_n3A_824, %select_n3A_718 : vector<256x2048xi32>
    %eq3A_966 = arith.constant 0 : i32
    %eq3A_967 = vector.broadcast %eq3A_966 : i32 to vector<256x2048xi32>
    %eq3A_968 = arith.cmpi eq, %sub3A_965, %eq3A_967 : vector<256x2048xi32>
    %sub3A_969 = arith.subi %select_n3A_877, %select_n3A_771 : vector<256x2048xi32>
    %eq3A_970 = arith.constant 1 : i32
    %eq3A_971 = vector.broadcast %eq3A_970 : i32 to vector<256x2048xi32>
    %eq3A_972 = arith.cmpi eq, %sub3A_969, %eq3A_971 : vector<256x2048xi32>
    %and3A_973 = arith.andi %eq3A_968, %eq3A_972 : vector<256x2048xi1>
    %sub3A_974 = arith.subi %select_n3A_908, %select_n3A_802 : vector<256x2048xi32>
    %eq3A_975 = arith.constant 0 : i32
    %eq3A_976 = vector.broadcast %eq3A_975 : i32 to vector<256x2048xi32>
    %eq3A_977 = arith.cmpi eq, %sub3A_974, %eq3A_976 : vector<256x2048xi32>
    %and3A_978 = arith.andi %and3A_973, %eq3A_977 : vector<256x2048xi1>
    %slice3A_979 = vector.extract_strided_slice %sub3A_7 {offsets = [512, 3], sizes = [256, 1], strides = [1, 1]} : vector<2048x7xf32> to vector<256x1xf32>
    %broadcast_in_dim3A_980 = vector.shape_cast %slice3A_979 : vector<256x1xf32> to vector<256x1xf32>
    %broadcast_in_dim3A_981 = vector.broadcast %broadcast_in_dim3A_980 : vector<256x1xf32> to vector<256x2048xf32>
    %select_n3A_982 = arith.select %and3A_978, %broadcast_in_dim3A_981, %select_n3A_964 : vector<256x2048xi1>, vector<256x2048xf32>
    %sub3A_983 = arith.subi %select_n3A_824, %select_n3A_718 : vector<256x2048xi32>
    %eq3A_984 = arith.constant 0 : i32
    %eq3A_985 = vector.broadcast %eq3A_984 : i32 to vector<256x2048xi32>
    %eq3A_986 = arith.cmpi eq, %sub3A_983, %eq3A_985 : vector<256x2048xi32>
    %sub3A_987 = arith.subi %select_n3A_877, %select_n3A_771 : vector<256x2048xi32>
    %eq3A_988 = arith.constant -1 : i32
    %eq3A_989 = vector.broadcast %eq3A_988 : i32 to vector<256x2048xi32>
    %eq3A_990 = arith.cmpi eq, %sub3A_987, %eq3A_989 : vector<256x2048xi32>
    %and3A_991 = arith.andi %eq3A_986, %eq3A_990 : vector<256x2048xi1>
    %sub3A_992 = arith.subi %select_n3A_908, %select_n3A_802 : vector<256x2048xi32>
    %eq3A_993 = arith.constant 0 : i32
    %eq3A_994 = vector.broadcast %eq3A_993 : i32 to vector<256x2048xi32>
    %eq3A_995 = arith.cmpi eq, %sub3A_992, %eq3A_994 : vector<256x2048xi32>
    %and3A_996 = arith.andi %and3A_991, %eq3A_995 : vector<256x2048xi1>
    %slice3A_997 = vector.extract_strided_slice %sub3A_7 {offsets = [512, 4], sizes = [256, 1], strides = [1, 1]} : vector<2048x7xf32> to vector<256x1xf32>
    %broadcast_in_dim3A_998 = vector.shape_cast %slice3A_997 : vector<256x1xf32> to vector<256x1xf32>
    %broadcast_in_dim3A_999 = vector.broadcast %broadcast_in_dim3A_998 : vector<256x1xf32> to vector<256x2048xf32>
    %select_n3A_1000 = arith.select %and3A_996, %broadcast_in_dim3A_999, %select_n3A_982 : vector<256x2048xi1>, vector<256x2048xf32>
    %sub3A_1001 = arith.subi %select_n3A_824, %select_n3A_718 : vector<256x2048xi32>
    %eq3A_1002 = arith.constant 0 : i32
    %eq3A_1003 = vector.broadcast %eq3A_1002 : i32 to vector<256x2048xi32>
    %eq3A_1004 = arith.cmpi eq, %sub3A_1001, %eq3A_1003 : vector<256x2048xi32>
    %sub3A_1005 = arith.subi %select_n3A_877, %select_n3A_771 : vector<256x2048xi32>
    %eq3A_1006 = arith.constant 0 : i32
    %eq3A_1007 = vector.broadcast %eq3A_1006 : i32 to vector<256x2048xi32>
    %eq3A_1008 = arith.cmpi eq, %sub3A_1005, %eq3A_1007 : vector<256x2048xi32>
    %and3A_1009 = arith.andi %eq3A_1004, %eq3A_1008 : vector<256x2048xi1>
    %sub3A_1010 = arith.subi %select_n3A_908, %select_n3A_802 : vector<256x2048xi32>
    %eq3A_1011 = arith.constant 1 : i32
    %eq3A_1012 = vector.broadcast %eq3A_1011 : i32 to vector<256x2048xi32>
    %eq3A_1013 = arith.cmpi eq, %sub3A_1010, %eq3A_1012 : vector<256x2048xi32>
    %and3A_1014 = arith.andi %and3A_1009, %eq3A_1013 : vector<256x2048xi1>
    %slice3A_1015 = vector.extract_strided_slice %sub3A_7 {offsets = [512, 5], sizes = [256, 1], strides = [1, 1]} : vector<2048x7xf32> to vector<256x1xf32>
    %broadcast_in_dim3A_1016 = vector.shape_cast %slice3A_1015 : vector<256x1xf32> to vector<256x1xf32>
    %broadcast_in_dim3A_1017 = vector.broadcast %broadcast_in_dim3A_1016 : vector<256x1xf32> to vector<256x2048xf32>
    %select_n3A_1018 = arith.select %and3A_1014, %broadcast_in_dim3A_1017, %select_n3A_1000 : vector<256x2048xi1>, vector<256x2048xf32>
    %sub3A_1019 = arith.subi %select_n3A_824, %select_n3A_718 : vector<256x2048xi32>
    %eq3A_1020 = arith.constant 0 : i32
    %eq3A_1021 = vector.broadcast %eq3A_1020 : i32 to vector<256x2048xi32>
    %eq3A_1022 = arith.cmpi eq, %sub3A_1019, %eq3A_1021 : vector<256x2048xi32>
    %sub3A_1023 = arith.subi %select_n3A_877, %select_n3A_771 : vector<256x2048xi32>
    %eq3A_1024 = arith.constant 0 : i32
    %eq3A_1025 = vector.broadcast %eq3A_1024 : i32 to vector<256x2048xi32>
    %eq3A_1026 = arith.cmpi eq, %sub3A_1023, %eq3A_1025 : vector<256x2048xi32>
    %and3A_1027 = arith.andi %eq3A_1022, %eq3A_1026 : vector<256x2048xi1>
    %sub3A_1028 = arith.subi %select_n3A_908, %select_n3A_802 : vector<256x2048xi32>
    %eq3A_1029 = arith.constant 2 : i32
    %eq3A_1030 = vector.broadcast %eq3A_1029 : i32 to vector<256x2048xi32>
    %eq3A_1031 = arith.cmpi eq, %sub3A_1028, %eq3A_1030 : vector<256x2048xi32>
    %and3A_1032 = arith.andi %and3A_1027, %eq3A_1031 : vector<256x2048xi1>
    %slice3A_1033 = vector.extract_strided_slice %sub3A_7 {offsets = [512, 6], sizes = [256, 1], strides = [1, 1]} : vector<2048x7xf32> to vector<256x1xf32>
    %broadcast_in_dim3A_1034 = vector.shape_cast %slice3A_1033 : vector<256x1xf32> to vector<256x1xf32>
    %broadcast_in_dim3A_1035 = vector.broadcast %broadcast_in_dim3A_1034 : vector<256x1xf32> to vector<256x2048xf32>
    %select_n3A_1036 = arith.select %and3A_1032, %broadcast_in_dim3A_1035, %select_n3A_1018 : vector<256x2048xi1>, vector<256x2048xf32>
    %swap3A_1037 = arith.constant 512 : index
    %swap3A_1038 = arith.constant 0 : index
    %swap3A_1039 = vector.load %arg4[%swap3A_1037, %swap3A_1038] : memref<2048x2048xf32, #tpu.memory_space<vmem>>, vector<256x2048xf32>
    tpu.vector_store %arg4[%swap3A_1037, %swap3A_1038], %select_n3A_1036 {strides = array<i32>} : memref<2048x2048xf32, #tpu.memory_space<vmem>>, vector<256x2048xf32>,
    %iota3A_1040 = tpu.iota {dimensions = array<i32: 0>} : vector<256x2048xi32>
    %add3A_1041 = arith.constant 768 : i32
    %add3A_1042 = vector.broadcast %add3A_1041 : i32 to vector<256x2048xi32>
    %add3A_1043 = arith.addi %add3A_1042, %iota3A_1040 : vector<256x2048xi32>
    %iota3A_1044 = tpu.iota {dimensions = array<i32: 1>} : vector<256x2048xi32>
    %jit3A_1045 = arith.constant 16 : i32
    %eq3A_1046 = arith.constant 0 : i32
    %eq3A_1047 = arith.cmpi eq, %jit3A_1045, %eq3A_1046 : i32
    %jit3A_1048 = arith.constant 1 : i32
    %select_n3A_1049 = arith.select %eq3A_1047, %jit3A_1048, %jit3A_1045 : i32
    %rem3A_1050 = vector.broadcast %select_n3A_1049 : i32 to vector<256x2048xi32>
    %rem3A_1051 = arith.remsi %add3A_1043, %rem3A_1050 : vector<256x2048xi32>
    %ne3A_1052 = arith.constant 0 : i32
    %ne3A_1053 = vector.broadcast %ne3A_1052 : i32 to vector<256x2048xi32>
    %ne3A_1054 = arith.cmpi ne, %rem3A_1051, %ne3A_1053 : vector<256x2048xi32>
    %lt3A_1055 = arith.constant 0 : i32
    %lt3A_1056 = vector.broadcast %lt3A_1055 : i32 to vector<256x2048xi32>
    %lt3A_1057 = arith.cmpi slt, %rem3A_1051, %lt3A_1056 : vector<256x2048xi32>
    %lt3A_1058 = arith.constant 0 : i32
    %lt3A_1059 = arith.cmpi slt, %select_n3A_1049, %lt3A_1058 : i32
    %ne3A_1060 = vector.broadcast %lt3A_1059 : i1 to vector<256x2048xi1>
    %ne3A_1061 = vector.broadcast %ne3A_1060 : vector<256x2048xi1> to vector<256x2048xi1>
    %ne3A_1062 = arith.xori %lt3A_1057, %ne3A_1061 : vector<256x2048xi1>
    %and3A_1063 = arith.andi %ne3A_1062, %ne3A_1054 : vector<256x2048xi1>
    %add3A_1064 = vector.broadcast %select_n3A_1049 : i32 to vector<256x2048xi32>
    %add3A_1065 = arith.addi %rem3A_1051, %add3A_1064 : vector<256x2048xi32>
    %select_n3A_1066 = arith.select %and3A_1063, %add3A_1065, %rem3A_1051 : vector<256x2048xi1>, vector<256x2048xi32>
    %jit3A_1067 = arith.constant 16 : i32
    %div3A_1068 = vector.broadcast %jit3A_1067 : i32 to vector<256x2048xi32>
    %div3A_1069 = arith.divsi %add3A_1043, %div3A_1068 : vector<256x2048xi32>
    %sign3A_1070 = arith.constant 0 : i32
    %sign3A_1071 = vector.broadcast %sign3A_1070 : i32 to vector<256x2048xi32>
    %sign3A_1072 = arith.cmpi sgt, %add3A_1043, %sign3A_1071 : vector<256x2048xi32>
    %sign3A_1073 = arith.extui %sign3A_1072 : vector<256x2048xi1> to vector<256x2048xi32>
    %sign3A_1074 = arith.constant 0 : i32
    %sign3A_1075 = vector.broadcast %sign3A_1074 : i32 to vector<256x2048xi32>
    %sign3A_1076 = arith.cmpi slt, %add3A_1043, %sign3A_1075 : vector<256x2048xi32>
    %sign3A_1077 = arith.extui %sign3A_1076 : vector<256x2048xi1> to vector<256x2048xi32>
    %sign3A_1078 = arith.subi %sign3A_1073, %sign3A_1077 : vector<256x2048xi32>
    %sign3A_1079 = arith.constant 0 : i32
    %sign3A_1080 = arith.cmpi sgt, %jit3A_1067, %sign3A_1079 : i32
    %sign3A_1081 = arith.extui %sign3A_1080 : i1 to i32
    %sign3A_1082 = arith.constant 0 : i32
    %sign3A_1083 = arith.cmpi slt, %jit3A_1067, %sign3A_1082 : i32
    %sign3A_1084 = arith.extui %sign3A_1083 : i1 to i32
    %sign3A_1085 = arith.subi %sign3A_1081, %sign3A_1084 : i32
    %ne3A_1086 = vector.broadcast %sign3A_1085 : i32 to vector<256x2048xi32>
    %ne3A_1087 = arith.cmpi ne, %sign3A_1078, %ne3A_1086 : vector<256x2048xi32>
    %rem3A_1088 = vector.broadcast %jit3A_1067 : i32 to vector<256x2048xi32>
    %rem3A_1089 = arith.remsi %add3A_1043, %rem3A_1088 : vector<256x2048xi32>
    %ne3A_1090 = arith.constant 0 : i32
    %ne3A_1091 = vector.broadcast %ne3A_1090 : i32 to vector<256x2048xi32>
    %ne3A_1092 = arith.cmpi ne, %rem3A_1089, %ne3A_1091 : vector<256x2048xi32>
    %and3A_1093 = arith.andi %ne3A_1087, %ne3A_1092 : vector<256x2048xi1>
    %sub3A_1094 = arith.constant 1 : i32
    %sub3A_1095 = vector.broadcast %sub3A_1094 : i32 to vector<256x2048xi32>
    %sub3A_1096 = arith.subi %div3A_1069, %sub3A_1095 : vector<256x2048xi32>
    %select_n3A_1097 = arith.select %and3A_1093, %sub3A_1096, %div3A_1069 : vector<256x2048xi1>, vector<256x2048xi32>
    %jit3A_1098 = arith.constant 16 : i32
    %eq3A_1099 = arith.constant 0 : i32
    %eq3A_1100 = arith.cmpi eq, %jit3A_1098, %eq3A_1099 : i32
    %jit3A_1101 = arith.constant 1 : i32
    %select_n3A_1102 = arith.select %eq3A_1100, %jit3A_1101, %jit3A_1098 : i32
    %rem3A_1103 = vector.broadcast %select_n3A_1102 : i32 to vector<256x2048xi32>
    %rem3A_1104 = arith.remsi %select_n3A_1097, %rem3A_1103 : vector<256x2048xi32>
    %ne3A_1105 = arith.constant 0 : i32
    %ne3A_1106 = vector.broadcast %ne3A_1105 : i32 to vector<256x2048xi32>
    %ne3A_1107 = arith.cmpi ne, %rem3A_1104, %ne3A_1106 : vector<256x2048xi32>
    %lt3A_1108 = arith.constant 0 : i32
    %lt3A_1109 = vector.broadcast %lt3A_1108 : i32 to vector<256x2048xi32>
    %lt3A_1110 = arith.cmpi slt, %rem3A_1104, %lt3A_1109 : vector<256x2048xi32>
    %lt3A_1111 = arith.constant 0 : i32
    %lt3A_1112 = arith.cmpi slt, %select_n3A_1102, %lt3A_1111 : i32
    %ne3A_1113 = vector.broadcast %lt3A_1112 : i1 to vector<256x2048xi1>
    %ne3A_1114 = vector.broadcast %ne3A_1113 : vector<256x2048xi1> to vector<256x2048xi1>
    %ne3A_1115 = arith.xori %lt3A_1110, %ne3A_1114 : vector<256x2048xi1>
    %and3A_1116 = arith.andi %ne3A_1115, %ne3A_1107 : vector<256x2048xi1>
    %add3A_1117 = vector.broadcast %select_n3A_1102 : i32 to vector<256x2048xi32>
    %add3A_1118 = arith.addi %rem3A_1104, %add3A_1117 : vector<256x2048xi32>
    %select_n3A_1119 = arith.select %and3A_1116, %add3A_1118, %rem3A_1104 : vector<256x2048xi1>, vector<256x2048xi32>
    %jit3A_1120 = arith.constant 256 : i32
    %div3A_1121 = vector.broadcast %jit3A_1120 : i32 to vector<256x2048xi32>
    %div3A_1122 = arith.divsi %add3A_1043, %div3A_1121 : vector<256x2048xi32>
    %sign3A_1123 = arith.constant 0 : i32
    %sign3A_1124 = vector.broadcast %sign3A_1123 : i32 to vector<256x2048xi32>
    %sign3A_1125 = arith.cmpi sgt, %add3A_1043, %sign3A_1124 : vector<256x2048xi32>
    %sign3A_1126 = arith.extui %sign3A_1125 : vector<256x2048xi1> to vector<256x2048xi32>
    %sign3A_1127 = arith.constant 0 : i32
    %sign3A_1128 = vector.broadcast %sign3A_1127 : i32 to vector<256x2048xi32>
    %sign3A_1129 = arith.cmpi slt, %add3A_1043, %sign3A_1128 : vector<256x2048xi32>
    %sign3A_1130 = arith.extui %sign3A_1129 : vector<256x2048xi1> to vector<256x2048xi32>
    %sign3A_1131 = arith.subi %sign3A_1126, %sign3A_1130 : vector<256x2048xi32>
    %sign3A_1132 = arith.constant 0 : i32
    %sign3A_1133 = arith.cmpi sgt, %jit3A_1120, %sign3A_1132 : i32
    %sign3A_1134 = arith.extui %sign3A_1133 : i1 to i32
    %sign3A_1135 = arith.constant 0 : i32
    %sign3A_1136 = arith.cmpi slt, %jit3A_1120, %sign3A_1135 : i32
    %sign3A_1137 = arith.extui %sign3A_1136 : i1 to i32
    %sign3A_1138 = arith.subi %sign3A_1134, %sign3A_1137 : i32
    %ne3A_1139 = vector.broadcast %sign3A_1138 : i32 to vector<256x2048xi32>
    %ne3A_1140 = arith.cmpi ne, %sign3A_1131, %ne3A_1139 : vector<256x2048xi32>
    %rem3A_1141 = vector.broadcast %jit3A_1120 : i32 to vector<256x2048xi32>
    %rem3A_1142 = arith.remsi %add3A_1043, %rem3A_1141 : vector<256x2048xi32>
    %ne3A_1143 = arith.constant 0 : i32
    %ne3A_1144 = vector.broadcast %ne3A_1143 : i32 to vector<256x2048xi32>
    %ne3A_1145 = arith.cmpi ne, %rem3A_1142, %ne3A_1144 : vector<256x2048xi32>
    %and3A_1146 = arith.andi %ne3A_1140, %ne3A_1145 : vector<256x2048xi1>
    %sub3A_1147 = arith.constant 1 : i32
    %sub3A_1148 = vector.broadcast %sub3A_1147 : i32 to vector<256x2048xi32>
    %sub3A_1149 = arith.subi %div3A_1122, %sub3A_1148 : vector<256x2048xi32>
    %select_n3A_1150 = arith.select %and3A_1146, %sub3A_1149, %div3A_1122 : vector<256x2048xi1>, vector<256x2048xi32>
    %jit3A_1151 = arith.constant 16 : i32
    %eq3A_1152 = arith.constant 0 : i32
    %eq3A_1153 = arith.cmpi eq, %jit3A_1151, %eq3A_1152 : i32
    %jit3A_1154 = arith.constant 1 : i32
    %select_n3A_1155 = arith.select %eq3A_1153, %jit3A_1154, %jit3A_1151 : i32
    %rem3A_1156 = vector.broadcast %select_n3A_1155 : i32 to vector<256x2048xi32>
    %rem3A_1157 = arith.remsi %iota3A_1044, %rem3A_1156 : vector<256x2048xi32>
    %ne3A_1158 = arith.constant 0 : i32
    %ne3A_1159 = vector.broadcast %ne3A_1158 : i32 to vector<256x2048xi32>
    %ne3A_1160 = arith.cmpi ne, %rem3A_1157, %ne3A_1159 : vector<256x2048xi32>
    %lt3A_1161 = arith.constant 0 : i32
    %lt3A_1162 = vector.broadcast %lt3A_1161 : i32 to vector<256x2048xi32>
    %lt3A_1163 = arith.cmpi slt, %rem3A_1157, %lt3A_1162 : vector<256x2048xi32>
    %lt3A_1164 = arith.constant 0 : i32
    %lt3A_1165 = arith.cmpi slt, %select_n3A_1155, %lt3A_1164 : i32
    %ne3A_1166 = vector.broadcast %lt3A_1165 : i1 to vector<256x2048xi1>
    %ne3A_1167 = vector.broadcast %ne3A_1166 : vector<256x2048xi1> to vector<256x2048xi1>
    %ne3A_1168 = arith.xori %lt3A_1163, %ne3A_1167 : vector<256x2048xi1>
    %and3A_1169 = arith.andi %ne3A_1168, %ne3A_1160 : vector<256x2048xi1>
    %add3A_1170 = vector.broadcast %select_n3A_1155 : i32 to vector<256x2048xi32>
    %add3A_1171 = arith.addi %rem3A_1157, %add3A_1170 : vector<256x2048xi32>
    %select_n3A_1172 = arith.select %and3A_1169, %add3A_1171, %rem3A_1157 : vector<256x2048xi1>, vector<256x2048xi32>
    %jit3A_1173 = arith.constant 16 : i32
    %div3A_1174 = vector.broadcast %jit3A_1173 : i32 to vector<256x2048xi32>
    %div3A_1175 = arith.divsi %iota3A_1044, %div3A_1174 : vector<256x2048xi32>
    %sign3A_1176 = arith.constant 0 : i32
    %sign3A_1177 = vector.broadcast %sign3A_1176 : i32 to vector<256x2048xi32>
    %sign3A_1178 = arith.cmpi sgt, %iota3A_1044, %sign3A_1177 : vector<256x2048xi32>
    %sign3A_1179 = arith.extui %sign3A_1178 : vector<256x2048xi1> to vector<256x2048xi32>
    %sign3A_1180 = arith.constant 0 : i32
    %sign3A_1181 = vector.broadcast %sign3A_1180 : i32 to vector<256x2048xi32>
    %sign3A_1182 = arith.cmpi slt, %iota3A_1044, %sign3A_1181 : vector<256x2048xi32>
    %sign3A_1183 = arith.extui %sign3A_1182 : vector<256x2048xi1> to vector<256x2048xi32>
    %sign3A_1184 = arith.subi %sign3A_1179, %sign3A_1183 : vector<256x2048xi32>
    %sign3A_1185 = arith.constant 0 : i32
    %sign3A_1186 = arith.cmpi sgt, %jit3A_1173, %sign3A_1185 : i32
    %sign3A_1187 = arith.extui %sign3A_1186 : i1 to i32
    %sign3A_1188 = arith.constant 0 : i32
    %sign3A_1189 = arith.cmpi slt, %jit3A_1173, %sign3A_1188 : i32
    %sign3A_1190 = arith.extui %sign3A_1189 : i1 to i32
    %sign3A_1191 = arith.subi %sign3A_1187, %sign3A_1190 : i32
    %ne3A_1192 = vector.broadcast %sign3A_1191 : i32 to vector<256x2048xi32>
    %ne3A_1193 = arith.cmpi ne, %sign3A_1184, %ne3A_1192 : vector<256x2048xi32>
    %rem3A_1194 = vector.broadcast %jit3A_1173 : i32 to vector<256x2048xi32>
    %rem3A_1195 = arith.remsi %iota3A_1044, %rem3A_1194 : vector<256x2048xi32>
    %ne3A_1196 = arith.constant 0 : i32
    %ne3A_1197 = vector.broadcast %ne3A_1196 : i32 to vector<256x2048xi32>
    %ne3A_1198 = arith.cmpi ne, %rem3A_1195, %ne3A_1197 : vector<256x2048xi32>
    %and3A_1199 = arith.andi %ne3A_1193, %ne3A_1198 : vector<256x2048xi1>
    %sub3A_1200 = arith.constant 1 : i32
    %sub3A_1201 = vector.broadcast %sub3A_1200 : i32 to vector<256x2048xi32>
    %sub3A_1202 = arith.subi %div3A_1175, %sub3A_1201 : vector<256x2048xi32>
    %select_n3A_1203 = arith.select %and3A_1199, %sub3A_1202, %div3A_1175 : vector<256x2048xi1>, vector<256x2048xi32>
    %jit3A_1204 = arith.constant 16 : i32
    %eq3A_1205 = arith.constant 0 : i32
    %eq3A_1206 = arith.cmpi eq, %jit3A_1204, %eq3A_1205 : i32
    %jit3A_1207 = arith.constant 1 : i32
    %select_n3A_1208 = arith.select %eq3A_1206, %jit3A_1207, %jit3A_1204 : i32
    %rem3A_1209 = vector.broadcast %select_n3A_1208 : i32 to vector<256x2048xi32>
    %rem3A_1210 = arith.remsi %select_n3A_1203, %rem3A_1209 : vector<256x2048xi32>
    %ne3A_1211 = arith.constant 0 : i32
    %ne3A_1212 = vector.broadcast %ne3A_1211 : i32 to vector<256x2048xi32>
    %ne3A_1213 = arith.cmpi ne, %rem3A_1210, %ne3A_1212 : vector<256x2048xi32>
    %lt3A_1214 = arith.constant 0 : i32
    %lt3A_1215 = vector.broadcast %lt3A_1214 : i32 to vector<256x2048xi32>
    %lt3A_1216 = arith.cmpi slt, %rem3A_1210, %lt3A_1215 : vector<256x2048xi32>
    %lt3A_1217 = arith.constant 0 : i32
    %lt3A_1218 = arith.cmpi slt, %select_n3A_1208, %lt3A_1217 : i32
    %ne3A_1219 = vector.broadcast %lt3A_1218 : i1 to vector<256x2048xi1>
    %ne3A_1220 = vector.broadcast %ne3A_1219 : vector<256x2048xi1> to vector<256x2048xi1>
    %ne3A_1221 = arith.xori %lt3A_1216, %ne3A_1220 : vector<256x2048xi1>
    %and3A_1222 = arith.andi %ne3A_1221, %ne3A_1213 : vector<256x2048xi1>
    %add3A_1223 = vector.broadcast %select_n3A_1208 : i32 to vector<256x2048xi32>
    %add3A_1224 = arith.addi %rem3A_1210, %add3A_1223 : vector<256x2048xi32>
    %select_n3A_1225 = arith.select %and3A_1222, %add3A_1224, %rem3A_1210 : vector<256x2048xi1>, vector<256x2048xi32>
    %jit3A_1226 = arith.constant 256 : i32
    %div3A_1227 = vector.broadcast %jit3A_1226 : i32 to vector<256x2048xi32>
    %div3A_1228 = arith.divsi %iota3A_1044, %div3A_1227 : vector<256x2048xi32>
    %sign3A_1229 = arith.constant 0 : i32
    %sign3A_1230 = vector.broadcast %sign3A_1229 : i32 to vector<256x2048xi32>
    %sign3A_1231 = arith.cmpi sgt, %iota3A_1044, %sign3A_1230 : vector<256x2048xi32>
    %sign3A_1232 = arith.extui %sign3A_1231 : vector<256x2048xi1> to vector<256x2048xi32>
    %sign3A_1233 = arith.constant 0 : i32
    %sign3A_1234 = vector.broadcast %sign3A_1233 : i32 to vector<256x2048xi32>
    %sign3A_1235 = arith.cmpi slt, %iota3A_1044, %sign3A_1234 : vector<256x2048xi32>
    %sign3A_1236 = arith.extui %sign3A_1235 : vector<256x2048xi1> to vector<256x2048xi32>
    %sign3A_1237 = arith.subi %sign3A_1232, %sign3A_1236 : vector<256x2048xi32>
    %sign3A_1238 = arith.constant 0 : i32
    %sign3A_1239 = arith.cmpi sgt, %jit3A_1226, %sign3A_1238 : i32
    %sign3A_1240 = arith.extui %sign3A_1239 : i1 to i32
    %sign3A_1241 = arith.constant 0 : i32
    %sign3A_1242 = arith.cmpi slt, %jit3A_1226, %sign3A_1241 : i32
    %sign3A_1243 = arith.extui %sign3A_1242 : i1 to i32
    %sign3A_1244 = arith.subi %sign3A_1240, %sign3A_1243 : i32
    %ne3A_1245 = vector.broadcast %sign3A_1244 : i32 to vector<256x2048xi32>
    %ne3A_1246 = arith.cmpi ne, %sign3A_1237, %ne3A_1245 : vector<256x2048xi32>
    %rem3A_1247 = vector.broadcast %jit3A_1226 : i32 to vector<256x2048xi32>
    %rem3A_1248 = arith.remsi %iota3A_1044, %rem3A_1247 : vector<256x2048xi32>
    %ne3A_1249 = arith.constant 0 : i32
    %ne3A_1250 = vector.broadcast %ne3A_1249 : i32 to vector<256x2048xi32>
    %ne3A_1251 = arith.cmpi ne, %rem3A_1248, %ne3A_1250 : vector<256x2048xi32>
    %and3A_1252 = arith.andi %ne3A_1246, %ne3A_1251 : vector<256x2048xi1>
    %sub3A_1253 = arith.constant 1 : i32
    %sub3A_1254 = vector.broadcast %sub3A_1253 : i32 to vector<256x2048xi32>
    %sub3A_1255 = arith.subi %div3A_1228, %sub3A_1254 : vector<256x2048xi32>
    %select_n3A_1256 = arith.select %and3A_1252, %sub3A_1255, %div3A_1228 : vector<256x2048xi1>, vector<256x2048xi32>
    %broadcast_in_dim3A_1257 = arith.constant 0xFF800000 : f32
    %broadcast_in_dim3A_1258 = vector.broadcast %broadcast_in_dim3A_1257 : f32 to vector<256x2048xf32>
    %sub3A_1259 = arith.subi %select_n3A_1172, %select_n3A_1066 : vector<256x2048xi32>
    %eq3A_1260 = arith.constant 0 : i32
    %eq3A_1261 = vector.broadcast %eq3A_1260 : i32 to vector<256x2048xi32>
    %eq3A_1262 = arith.cmpi eq, %sub3A_1259, %eq3A_1261 : vector<256x2048xi32>
    %sub3A_1263 = arith.subi %select_n3A_1225, %select_n3A_1119 : vector<256x2048xi32>
    %eq3A_1264 = arith.constant 0 : i32
    %eq3A_1265 = vector.broadcast %eq3A_1264 : i32 to vector<256x2048xi32>
    %eq3A_1266 = arith.cmpi eq, %sub3A_1263, %eq3A_1265 : vector<256x2048xi32>
    %and3A_1267 = arith.andi %eq3A_1262, %eq3A_1266 : vector<256x2048xi1>
    %sub3A_1268 = arith.subi %select_n3A_1256, %select_n3A_1150 : vector<256x2048xi32>
    %eq3A_1269 = arith.constant 0 : i32
    %eq3A_1270 = vector.broadcast %eq3A_1269 : i32 to vector<256x2048xi32>
    %eq3A_1271 = arith.cmpi eq, %sub3A_1268, %eq3A_1270 : vector<256x2048xi32>
    %and3A_1272 = arith.andi %and3A_1267, %eq3A_1271 : vector<256x2048xi1>
    %slice3A_1273 = vector.extract_strided_slice %sub3A_7 {offsets = [768, 0], sizes = [256, 1], strides = [1, 1]} : vector<2048x7xf32> to vector<256x1xf32>
    %broadcast_in_dim3A_1274 = vector.shape_cast %slice3A_1273 : vector<256x1xf32> to vector<256x1xf32>
    %broadcast_in_dim3A_1275 = vector.broadcast %broadcast_in_dim3A_1274 : vector<256x1xf32> to vector<256x2048xf32>
    %select_n3A_1276 = arith.select %and3A_1272, %broadcast_in_dim3A_1275, %broadcast_in_dim3A_1258 : vector<256x2048xi1>, vector<256x2048xf32>
    %sub3A_1277 = arith.subi %select_n3A_1172, %select_n3A_1066 : vector<256x2048xi32>
    %eq3A_1278 = arith.constant 1 : i32
    %eq3A_1279 = vector.broadcast %eq3A_1278 : i32 to vector<256x2048xi32>
    %eq3A_1280 = arith.cmpi eq, %sub3A_1277, %eq3A_1279 : vector<256x2048xi32>
    %sub3A_1281 = arith.subi %select_n3A_1225, %select_n3A_1119 : vector<256x2048xi32>
    %eq3A_1282 = arith.constant 0 : i32
    %eq3A_1283 = vector.broadcast %eq3A_1282 : i32 to vector<256x2048xi32>
    %eq3A_1284 = arith.cmpi eq, %sub3A_1281, %eq3A_1283 : vector<256x2048xi32>
    %and3A_1285 = arith.andi %eq3A_1280, %eq3A_1284 : vector<256x2048xi1>
    %sub3A_1286 = arith.subi %select_n3A_1256, %select_n3A_1150 : vector<256x2048xi32>
    %eq3A_1287 = arith.constant 0 : i32
    %eq3A_1288 = vector.broadcast %eq3A_1287 : i32 to vector<256x2048xi32>
    %eq3A_1289 = arith.cmpi eq, %sub3A_1286, %eq3A_1288 : vector<256x2048xi32>
    %and3A_1290 = arith.andi %and3A_1285, %eq3A_1289 : vector<256x2048xi1>
    %slice3A_1291 = vector.extract_strided_slice %sub3A_7 {offsets = [768, 1], sizes = [256, 1], strides = [1, 1]} : vector<2048x7xf32> to vector<256x1xf32>
    %broadcast_in_dim3A_1292 = vector.shape_cast %slice3A_1291 : vector<256x1xf32> to vector<256x1xf32>
    %broadcast_in_dim3A_1293 = vector.broadcast %broadcast_in_dim3A_1292 : vector<256x1xf32> to vector<256x2048xf32>
    %select_n3A_1294 = arith.select %and3A_1290, %broadcast_in_dim3A_1293, %select_n3A_1276 : vector<256x2048xi1>, vector<256x2048xf32>
    %sub3A_1295 = arith.subi %select_n3A_1172, %select_n3A_1066 : vector<256x2048xi32>
    %eq3A_1296 = arith.constant -1 : i32
    %eq3A_1297 = vector.broadcast %eq3A_1296 : i32 to vector<256x2048xi32>
    %eq3A_1298 = arith.cmpi eq, %sub3A_1295, %eq3A_1297 : vector<256x2048xi32>
    %sub3A_1299 = arith.subi %select_n3A_1225, %select_n3A_1119 : vector<256x2048xi32>
    %eq3A_1300 = arith.constant 0 : i32
    %eq3A_1301 = vector.broadcast %eq3A_1300 : i32 to vector<256x2048xi32>
    %eq3A_1302 = arith.cmpi eq, %sub3A_1299, %eq3A_1301 : vector<256x2048xi32>
    %and3A_1303 = arith.andi %eq3A_1298, %eq3A_1302 : vector<256x2048xi1>
    %sub3A_1304 = arith.subi %select_n3A_1256, %select_n3A_1150 : vector<256x2048xi32>
    %eq3A_1305 = arith.constant 0 : i32
    %eq3A_1306 = vector.broadcast %eq3A_1305 : i32 to vector<256x2048xi32>
    %eq3A_1307 = arith.cmpi eq, %sub3A_1304, %eq3A_1306 : vector<256x2048xi32>
    %and3A_1308 = arith.andi %and3A_1303, %eq3A_1307 : vector<256x2048xi1>
    %slice3A_1309 = vector.extract_strided_slice %sub3A_7 {offsets = [768, 2], sizes = [256, 1], strides = [1, 1]} : vector<2048x7xf32> to vector<256x1xf32>
    %broadcast_in_dim3A_1310 = vector.shape_cast %slice3A_1309 : vector<256x1xf32> to vector<256x1xf32>
    %broadcast_in_dim3A_1311 = vector.broadcast %broadcast_in_dim3A_1310 : vector<256x1xf32> to vector<256x2048xf32>
    %select_n3A_1312 = arith.select %and3A_1308, %broadcast_in_dim3A_1311, %select_n3A_1294 : vector<256x2048xi1>, vector<256x2048xf32>
    %sub3A_1313 = arith.subi %select_n3A_1172, %select_n3A_1066 : vector<256x2048xi32>
    %eq3A_1314 = arith.constant 0 : i32
    %eq3A_1315 = vector.broadcast %eq3A_1314 : i32 to vector<256x2048xi32>
    %eq3A_1316 = arith.cmpi eq, %sub3A_1313, %eq3A_1315 : vector<256x2048xi32>
    %sub3A_1317 = arith.subi %select_n3A_1225, %select_n3A_1119 : vector<256x2048xi32>
    %eq3A_1318 = arith.constant 1 : i32
    %eq3A_1319 = vector.broadcast %eq3A_1318 : i32 to vector<256x2048xi32>
    %eq3A_1320 = arith.cmpi eq, %sub3A_1317, %eq3A_1319 : vector<256x2048xi32>
    %and3A_1321 = arith.andi %eq3A_1316, %eq3A_1320 : vector<256x2048xi1>
    %sub3A_1322 = arith.subi %select_n3A_1256, %select_n3A_1150 : vector<256x2048xi32>
    %eq3A_1323 = arith.constant 0 : i32
    %eq3A_1324 = vector.broadcast %eq3A_1323 : i32 to vector<256x2048xi32>
    %eq3A_1325 = arith.cmpi eq, %sub3A_1322, %eq3A_1324 : vector<256x2048xi32>
    %and3A_1326 = arith.andi %and3A_1321, %eq3A_1325 : vector<256x2048xi1>
    %slice3A_1327 = vector.extract_strided_slice %sub3A_7 {offsets = [768, 3], sizes = [256, 1], strides = [1, 1]} : vector<2048x7xf32> to vector<256x1xf32>
    %broadcast_in_dim3A_1328 = vector.shape_cast %slice3A_1327 : vector<256x1xf32> to vector<256x1xf32>
    %broadcast_in_dim3A_1329 = vector.broadcast %broadcast_in_dim3A_1328 : vector<256x1xf32> to vector<256x2048xf32>
    %select_n3A_1330 = arith.select %and3A_1326, %broadcast_in_dim3A_1329, %select_n3A_1312 : vector<256x2048xi1>, vector<256x2048xf32>
    %sub3A_1331 = arith.subi %select_n3A_1172, %select_n3A_1066 : vector<256x2048xi32>
    %eq3A_1332 = arith.constant 0 : i32
    %eq3A_1333 = vector.broadcast %eq3A_1332 : i32 to vector<256x2048xi32>
    %eq3A_1334 = arith.cmpi eq, %sub3A_1331, %eq3A_1333 : vector<256x2048xi32>
    %sub3A_1335 = arith.subi %select_n3A_1225, %select_n3A_1119 : vector<256x2048xi32>
    %eq3A_1336 = arith.constant -1 : i32
    %eq3A_1337 = vector.broadcast %eq3A_1336 : i32 to vector<256x2048xi32>
    %eq3A_1338 = arith.cmpi eq, %sub3A_1335, %eq3A_1337 : vector<256x2048xi32>
    %and3A_1339 = arith.andi %eq3A_1334, %eq3A_1338 : vector<256x2048xi1>
    %sub3A_1340 = arith.subi %select_n3A_1256, %select_n3A_1150 : vector<256x2048xi32>
    %eq3A_1341 = arith.constant 0 : i32
    %eq3A_1342 = vector.broadcast %eq3A_1341 : i32 to vector<256x2048xi32>
    %eq3A_1343 = arith.cmpi eq, %sub3A_1340, %eq3A_1342 : vector<256x2048xi32>
    %and3A_1344 = arith.andi %and3A_1339, %eq3A_1343 : vector<256x2048xi1>
    %slice3A_1345 = vector.extract_strided_slice %sub3A_7 {offsets = [768, 4], sizes = [256, 1], strides = [1, 1]} : vector<2048x7xf32> to vector<256x1xf32>
    %broadcast_in_dim3A_1346 = vector.shape_cast %slice3A_1345 : vector<256x1xf32> to vector<256x1xf32>
    %broadcast_in_dim3A_1347 = vector.broadcast %broadcast_in_dim3A_1346 : vector<256x1xf32> to vector<256x2048xf32>
    %select_n3A_1348 = arith.select %and3A_1344, %broadcast_in_dim3A_1347, %select_n3A_1330 : vector<256x2048xi1>, vector<256x2048xf32>
    %sub3A_1349 = arith.subi %select_n3A_1172, %select_n3A_1066 : vector<256x2048xi32>
    %eq3A_1350 = arith.constant 0 : i32
    %eq3A_1351 = vector.broadcast %eq3A_1350 : i32 to vector<256x2048xi32>
    %eq3A_1352 = arith.cmpi eq, %sub3A_1349, %eq3A_1351 : vector<256x2048xi32>
    %sub3A_1353 = arith.subi %select_n3A_1225, %select_n3A_1119 : vector<256x2048xi32>
    %eq3A_1354 = arith.constant 0 : i32
    %eq3A_1355 = vector.broadcast %eq3A_1354 : i32 to vector<256x2048xi32>
    %eq3A_1356 = arith.cmpi eq, %sub3A_1353, %eq3A_1355 : vector<256x2048xi32>
    %and3A_1357 = arith.andi %eq3A_1352, %eq3A_1356 : vector<256x2048xi1>
    %sub3A_1358 = arith.subi %select_n3A_1256, %select_n3A_1150 : vector<256x2048xi32>
    %eq3A_1359 = arith.constant 1 : i32
    %eq3A_1360 = vector.broadcast %eq3A_1359 : i32 to vector<256x2048xi32>
    %eq3A_1361 = arith.cmpi eq, %sub3A_1358, %eq3A_1360 : vector<256x2048xi32>
    %and3A_1362 = arith.andi %and3A_1357, %eq3A_1361 : vector<256x2048xi1>
    %slice3A_1363 = vector.extract_strided_slice %sub3A_7 {offsets = [768, 5], sizes = [256, 1], strides = [1, 1]} : vector<2048x7xf32> to vector<256x1xf32>
    %broadcast_in_dim3A_1364 = vector.shape_cast %slice3A_1363 : vector<256x1xf32> to vector<256x1xf32>
    %broadcast_in_dim3A_1365 = vector.broadcast %broadcast_in_dim3A_1364 : vector<256x1xf32> to vector<256x2048xf32>
    %select_n3A_1366 = arith.select %and3A_1362, %broadcast_in_dim3A_1365, %select_n3A_1348 : vector<256x2048xi1>, vector<256x2048xf32>
    %sub3A_1367 = arith.subi %select_n3A_1172, %select_n3A_1066 : vector<256x2048xi32>
    %eq3A_1368 = arith.constant 0 : i32
    %eq3A_1369 = vector.broadcast %eq3A_1368 : i32 to vector<256x2048xi32>
    %eq3A_1370 = arith.cmpi eq, %sub3A_1367, %eq3A_1369 : vector<256x2048xi32>
    %sub3A_1371 = arith.subi %select_n3A_1225, %select_n3A_1119 : vector<256x2048xi32>
    %eq3A_1372 = arith.constant 0 : i32
    %eq3A_1373 = vector.broadcast %eq3A_1372 : i32 to vector<256x2048xi32>
    %eq3A_1374 = arith.cmpi eq, %sub3A_1371, %eq3A_1373 : vector<256x2048xi32>
    %and3A_1375 = arith.andi %eq3A_1370, %eq3A_1374 : vector<256x2048xi1>
    %sub3A_1376 = arith.subi %select_n3A_1256, %select_n3A_1150 : vector<256x2048xi32>
    %eq3A_1377 = arith.constant 2 : i32
    %eq3A_1378 = vector.broadcast %eq3A_1377 : i32 to vector<256x2048xi32>
    %eq3A_1379 = arith.cmpi eq, %sub3A_1376, %eq3A_1378 : vector<256x2048xi32>
    %and3A_1380 = arith.andi %and3A_1375, %eq3A_1379 : vector<256x2048xi1>
    %slice3A_1381 = vector.extract_strided_slice %sub3A_7 {offsets = [768, 6], sizes = [256, 1], strides = [1, 1]} : vector<2048x7xf32> to vector<256x1xf32>
    %broadcast_in_dim3A_1382 = vector.shape_cast %slice3A_1381 : vector<256x1xf32> to vector<256x1xf32>
    %broadcast_in_dim3A_1383 = vector.broadcast %broadcast_in_dim3A_1382 : vector<256x1xf32> to vector<256x2048xf32>
    %select_n3A_1384 = arith.select %and3A_1380, %broadcast_in_dim3A_1383, %select_n3A_1366 : vector<256x2048xi1>, vector<256x2048xf32>
    %swap3A_1385 = arith.constant 768 : index
    %swap3A_1386 = arith.constant 0 : index
    %swap3A_1387 = vector.load %arg4[%swap3A_1385, %swap3A_1386] : memref<2048x2048xf32, #tpu.memory_space<vmem>>, vector<256x2048xf32>
    tpu.vector_store %arg4[%swap3A_1385, %swap3A_1386], %select_n3A_1384 {strides = array<i32>} : memref<2048x2048xf32, #tpu.memory_space<vmem>>, vector<256x2048xf32>,
    %iota3A_1388 = tpu.iota {dimensions = array<i32: 0>} : vector<256x2048xi32>
    %add3A_1389 = arith.constant 1024 : i32
    %add3A_1390 = vector.broadcast %add3A_1389 : i32 to vector<256x2048xi32>
    %add3A_1391 = arith.addi %add3A_1390, %iota3A_1388 : vector<256x2048xi32>
    %iota3A_1392 = tpu.iota {dimensions = array<i32: 1>} : vector<256x2048xi32>
    %jit3A_1393 = arith.constant 16 : i32
    %eq3A_1394 = arith.constant 0 : i32
    %eq3A_1395 = arith.cmpi eq, %jit3A_1393, %eq3A_1394 : i32
    %jit3A_1396 = arith.constant 1 : i32
    %select_n3A_1397 = arith.select %eq3A_1395, %jit3A_1396, %jit3A_1393 : i32
    %rem3A_1398 = vector.broadcast %select_n3A_1397 : i32 to vector<256x2048xi32>
    %rem3A_1399 = arith.remsi %add3A_1391, %rem3A_1398 : vector<256x2048xi32>
    %ne3A_1400 = arith.constant 0 : i32
    %ne3A_1401 = vector.broadcast %ne3A_1400 : i32 to vector<256x2048xi32>
    %ne3A_1402 = arith.cmpi ne, %rem3A_1399, %ne3A_1401 : vector<256x2048xi32>
    %lt3A_1403 = arith.constant 0 : i32
    %lt3A_1404 = vector.broadcast %lt3A_1403 : i32 to vector<256x2048xi32>
    %lt3A_1405 = arith.cmpi slt, %rem3A_1399, %lt3A_1404 : vector<256x2048xi32>
    %lt3A_1406 = arith.constant 0 : i32
    %lt3A_1407 = arith.cmpi slt, %select_n3A_1397, %lt3A_1406 : i32
    %ne3A_1408 = vector.broadcast %lt3A_1407 : i1 to vector<256x2048xi1>
    %ne3A_1409 = vector.broadcast %ne3A_1408 : vector<256x2048xi1> to vector<256x2048xi1>
    %ne3A_1410 = arith.xori %lt3A_1405, %ne3A_1409 : vector<256x2048xi1>
    %and3A_1411 = arith.andi %ne3A_1410, %ne3A_1402 : vector<256x2048xi1>
    %add3A_1412 = vector.broadcast %select_n3A_1397 : i32 to vector<256x2048xi32>
    %add3A_1413 = arith.addi %rem3A_1399, %add3A_1412 : vector<256x2048xi32>
    %select_n3A_1414 = arith.select %and3A_1411, %add3A_1413, %rem3A_1399 : vector<256x2048xi1>, vector<256x2048xi32>
    %jit3A_1415 = arith.constant 16 : i32
    %div3A_1416 = vector.broadcast %jit3A_1415 : i32 to vector<256x2048xi32>
    %div3A_1417 = arith.divsi %add3A_1391, %div3A_1416 : vector<256x2048xi32>
    %sign3A_1418 = arith.constant 0 : i32
    %sign3A_1419 = vector.broadcast %sign3A_1418 : i32 to vector<256x2048xi32>
    %sign3A_1420 = arith.cmpi sgt, %add3A_1391, %sign3A_1419 : vector<256x2048xi32>
    %sign3A_1421 = arith.extui %sign3A_1420 : vector<256x2048xi1> to vector<256x2048xi32>
    %sign3A_1422 = arith.constant 0 : i32
    %sign3A_1423 = vector.broadcast %sign3A_1422 : i32 to vector<256x2048xi32>
    %sign3A_1424 = arith.cmpi slt, %add3A_1391, %sign3A_1423 : vector<256x2048xi32>
    %sign3A_1425 = arith.extui %sign3A_1424 : vector<256x2048xi1> to vector<256x2048xi32>
    %sign3A_1426 = arith.subi %sign3A_1421, %sign3A_1425 : vector<256x2048xi32>
    %sign3A_1427 = arith.constant 0 : i32
    %sign3A_1428 = arith.cmpi sgt, %jit3A_1415, %sign3A_1427 : i32
    %sign3A_1429 = arith.extui %sign3A_1428 : i1 to i32
    %sign3A_1430 = arith.constant 0 : i32
    %sign3A_1431 = arith.cmpi slt, %jit3A_1415, %sign3A_1430 : i32
    %sign3A_1432 = arith.extui %sign3A_1431 : i1 to i32
    %sign3A_1433 = arith.subi %sign3A_1429, %sign3A_1432 : i32
    %ne3A_1434 = vector.broadcast %sign3A_1433 : i32 to vector<256x2048xi32>
    %ne3A_1435 = arith.cmpi ne, %sign3A_1426, %ne3A_1434 : vector<256x2048xi32>
    %rem3A_1436 = vector.broadcast %jit3A_1415 : i32 to vector<256x2048xi32>
    %rem3A_1437 = arith.remsi %add3A_1391, %rem3A_1436 : vector<256x2048xi32>
    %ne3A_1438 = arith.constant 0 : i32
    %ne3A_1439 = vector.broadcast %ne3A_1438 : i32 to vector<256x2048xi32>
    %ne3A_1440 = arith.cmpi ne, %rem3A_1437, %ne3A_1439 : vector<256x2048xi32>
    %and3A_1441 = arith.andi %ne3A_1435, %ne3A_1440 : vector<256x2048xi1>
    %sub3A_1442 = arith.constant 1 : i32
    %sub3A_1443 = vector.broadcast %sub3A_1442 : i32 to vector<256x2048xi32>
    %sub3A_1444 = arith.subi %div3A_1417, %sub3A_1443 : vector<256x2048xi32>
    %select_n3A_1445 = arith.select %and3A_1441, %sub3A_1444, %div3A_1417 : vector<256x2048xi1>, vector<256x2048xi32>
    %jit3A_1446 = arith.constant 16 : i32
    %eq3A_1447 = arith.constant 0 : i32
    %eq3A_1448 = arith.cmpi eq, %jit3A_1446, %eq3A_1447 : i32
    %jit3A_1449 = arith.constant 1 : i32
    %select_n3A_1450 = arith.select %eq3A_1448, %jit3A_1449, %jit3A_1446 : i32
    %rem3A_1451 = vector.broadcast %select_n3A_1450 : i32 to vector<256x2048xi32>
    %rem3A_1452 = arith.remsi %select_n3A_1445, %rem3A_1451 : vector<256x2048xi32>
    %ne3A_1453 = arith.constant 0 : i32
    %ne3A_1454 = vector.broadcast %ne3A_1453 : i32 to vector<256x2048xi32>
    %ne3A_1455 = arith.cmpi ne, %rem3A_1452, %ne3A_1454 : vector<256x2048xi32>
    %lt3A_1456 = arith.constant 0 : i32
    %lt3A_1457 = vector.broadcast %lt3A_1456 : i32 to vector<256x2048xi32>
    %lt3A_1458 = arith.cmpi slt, %rem3A_1452, %lt3A_1457 : vector<256x2048xi32>
    %lt3A_1459 = arith.constant 0 : i32
    %lt3A_1460 = arith.cmpi slt, %select_n3A_1450, %lt3A_1459 : i32
    %ne3A_1461 = vector.broadcast %lt3A_1460 : i1 to vector<256x2048xi1>
    %ne3A_1462 = vector.broadcast %ne3A_1461 : vector<256x2048xi1> to vector<256x2048xi1>
    %ne3A_1463 = arith.xori %lt3A_1458, %ne3A_1462 : vector<256x2048xi1>
    %and3A_1464 = arith.andi %ne3A_1463, %ne3A_1455 : vector<256x2048xi1>
    %add3A_1465 = vector.broadcast %select_n3A_1450 : i32 to vector<256x2048xi32>
    %add3A_1466 = arith.addi %rem3A_1452, %add3A_1465 : vector<256x2048xi32>
    %select_n3A_1467 = arith.select %and3A_1464, %add3A_1466, %rem3A_1452 : vector<256x2048xi1>, vector<256x2048xi32>
    %jit3A_1468 = arith.constant 256 : i32
    %div3A_1469 = vector.broadcast %jit3A_1468 : i32 to vector<256x2048xi32>
    %div3A_1470 = arith.divsi %add3A_1391, %div3A_1469 : vector<256x2048xi32>
    %sign3A_1471 = arith.constant 0 : i32
    %sign3A_1472 = vector.broadcast %sign3A_1471 : i32 to vector<256x2048xi32>
    %sign3A_1473 = arith.cmpi sgt, %add3A_1391, %sign3A_1472 : vector<256x2048xi32>
    %sign3A_1474 = arith.extui %sign3A_1473 : vector<256x2048xi1> to vector<256x2048xi32>
    %sign3A_1475 = arith.constant 0 : i32
    %sign3A_1476 = vector.broadcast %sign3A_1475 : i32 to vector<256x2048xi32>
    %sign3A_1477 = arith.cmpi slt, %add3A_1391, %sign3A_1476 : vector<256x2048xi32>
    %sign3A_1478 = arith.extui %sign3A_1477 : vector<256x2048xi1> to vector<256x2048xi32>
    %sign3A_1479 = arith.subi %sign3A_1474, %sign3A_1478 : vector<256x2048xi32>
    %sign3A_1480 = arith.constant 0 : i32
    %sign3A_1481 = arith.cmpi sgt, %jit3A_1468, %sign3A_1480 : i32
    %sign3A_1482 = arith.extui %sign3A_1481 : i1 to i32
    %sign3A_1483 = arith.constant 0 : i32
    %sign3A_1484 = arith.cmpi slt, %jit3A_1468, %sign3A_1483 : i32
    %sign3A_1485 = arith.extui %sign3A_1484 : i1 to i32
    %sign3A_1486 = arith.subi %sign3A_1482, %sign3A_1485 : i32
    %ne3A_1487 = vector.broadcast %sign3A_1486 : i32 to vector<256x2048xi32>
    %ne3A_1488 = arith.cmpi ne, %sign3A_1479, %ne3A_1487 : vector<256x2048xi32>
    %rem3A_1489 = vector.broadcast %jit3A_1468 : i32 to vector<256x2048xi32>
    %rem3A_1490 = arith.remsi %add3A_1391, %rem3A_1489 : vector<256x2048xi32>
    %ne3A_1491 = arith.constant 0 : i32
    %ne3A_1492 = vector.broadcast %ne3A_1491 : i32 to vector<256x2048xi32>
    %ne3A_1493 = arith.cmpi ne, %rem3A_1490, %ne3A_1492 : vector<256x2048xi32>
    %and3A_1494 = arith.andi %ne3A_1488, %ne3A_1493 : vector<256x2048xi1>
    %sub3A_1495 = arith.constant 1 : i32
    %sub3A_1496 = vector.broadcast %sub3A_1495 : i32 to vector<256x2048xi32>
    %sub3A_1497 = arith.subi %div3A_1470, %sub3A_1496 : vector<256x2048xi32>
    %select_n3A_1498 = arith.select %and3A_1494, %sub3A_1497, %div3A_1470 : vector<256x2048xi1>, vector<256x2048xi32>
    %jit3A_1499 = arith.constant 16 : i32
    %eq3A_1500 = arith.constant 0 : i32
    %eq3A_1501 = arith.cmpi eq, %jit3A_1499, %eq3A_1500 : i32
    %jit3A_1502 = arith.constant 1 : i32
    %select_n3A_1503 = arith.select %eq3A_1501, %jit3A_1502, %jit3A_1499 : i32
    %rem3A_1504 = vector.broadcast %select_n3A_1503 : i32 to vector<256x2048xi32>
    %rem3A_1505 = arith.remsi %iota3A_1392, %rem3A_1504 : vector<256x2048xi32>
    %ne3A_1506 = arith.constant 0 : i32
    %ne3A_1507 = vector.broadcast %ne3A_1506 : i32 to vector<256x2048xi32>
    %ne3A_1508 = arith.cmpi ne, %rem3A_1505, %ne3A_1507 : vector<256x2048xi32>
    %lt3A_1509 = arith.constant 0 : i32
    %lt3A_1510 = vector.broadcast %lt3A_1509 : i32 to vector<256x2048xi32>
    %lt3A_1511 = arith.cmpi slt, %rem3A_1505, %lt3A_1510 : vector<256x2048xi32>
    %lt3A_1512 = arith.constant 0 : i32
    %lt3A_1513 = arith.cmpi slt, %select_n3A_1503, %lt3A_1512 : i32
    %ne3A_1514 = vector.broadcast %lt3A_1513 : i1 to vector<256x2048xi1>
    %ne3A_1515 = vector.broadcast %ne3A_1514 : vector<256x2048xi1> to vector<256x2048xi1>
    %ne3A_1516 = arith.xori %lt3A_1511, %ne3A_1515 : vector<256x2048xi1>
    %and3A_1517 = arith.andi %ne3A_1516, %ne3A_1508 : vector<256x2048xi1>
    %add3A_1518 = vector.broadcast %select_n3A_1503 : i32 to vector<256x2048xi32>
    %add3A_1519 = arith.addi %rem3A_1505, %add3A_1518 : vector<256x2048xi32>
    %select_n3A_1520 = arith.select %and3A_1517, %add3A_1519, %rem3A_1505 : vector<256x2048xi1>, vector<256x2048xi32>
    %jit3A_1521 = arith.constant 16 : i32
    %div3A_1522 = vector.broadcast %jit3A_1521 : i32 to vector<256x2048xi32>
    %div3A_1523 = arith.divsi %iota3A_1392, %div3A_1522 : vector<256x2048xi32>
    %sign3A_1524 = arith.constant 0 : i32
    %sign3A_1525 = vector.broadcast %sign3A_1524 : i32 to vector<256x2048xi32>
    %sign3A_1526 = arith.cmpi sgt, %iota3A_1392, %sign3A_1525 : vector<256x2048xi32>
    %sign3A_1527 = arith.extui %sign3A_1526 : vector<256x2048xi1> to vector<256x2048xi32>
    %sign3A_1528 = arith.constant 0 : i32
    %sign3A_1529 = vector.broadcast %sign3A_1528 : i32 to vector<256x2048xi32>
    %sign3A_1530 = arith.cmpi slt, %iota3A_1392, %sign3A_1529 : vector<256x2048xi32>
    %sign3A_1531 = arith.extui %sign3A_1530 : vector<256x2048xi1> to vector<256x2048xi32>
    %sign3A_1532 = arith.subi %sign3A_1527, %sign3A_1531 : vector<256x2048xi32>
    %sign3A_1533 = arith.constant 0 : i32
    %sign3A_1534 = arith.cmpi sgt, %jit3A_1521, %sign3A_1533 : i32
    %sign3A_1535 = arith.extui %sign3A_1534 : i1 to i32
    %sign3A_1536 = arith.constant 0 : i32
    %sign3A_1537 = arith.cmpi slt, %jit3A_1521, %sign3A_1536 : i32
    %sign3A_1538 = arith.extui %sign3A_1537 : i1 to i32
    %sign3A_1539 = arith.subi %sign3A_1535, %sign3A_1538 : i32
    %ne3A_1540 = vector.broadcast %sign3A_1539 : i32 to vector<256x2048xi32>
    %ne3A_1541 = arith.cmpi ne, %sign3A_1532, %ne3A_1540 : vector<256x2048xi32>
    %rem3A_1542 = vector.broadcast %jit3A_1521 : i32 to vector<256x2048xi32>
    %rem3A_1543 = arith.remsi %iota3A_1392, %rem3A_1542 : vector<256x2048xi32>
    %ne3A_1544 = arith.constant 0 : i32
    %ne3A_1545 = vector.broadcast %ne3A_1544 : i32 to vector<256x2048xi32>
    %ne3A_1546 = arith.cmpi ne, %rem3A_1543, %ne3A_1545 : vector<256x2048xi32>
    %and3A_1547 = arith.andi %ne3A_1541, %ne3A_1546 : vector<256x2048xi1>
    %sub3A_1548 = arith.constant 1 : i32
    %sub3A_1549 = vector.broadcast %sub3A_1548 : i32 to vector<256x2048xi32>
    %sub3A_1550 = arith.subi %div3A_1523, %sub3A_1549 : vector<256x2048xi32>
    %select_n3A_1551 = arith.select %and3A_1547, %sub3A_1550, %div3A_1523 : vector<256x2048xi1>, vector<256x2048xi32>
    %jit3A_1552 = arith.constant 16 : i32
    %eq3A_1553 = arith.constant 0 : i32
    %eq3A_1554 = arith.cmpi eq, %jit3A_1552, %eq3A_1553 : i32
    %jit3A_1555 = arith.constant 1 : i32
    %select_n3A_1556 = arith.select %eq3A_1554, %jit3A_1555, %jit3A_1552 : i32
    %rem3A_1557 = vector.broadcast %select_n3A_1556 : i32 to vector<256x2048xi32>
    %rem3A_1558 = arith.remsi %select_n3A_1551, %rem3A_1557 : vector<256x2048xi32>
    %ne3A_1559 = arith.constant 0 : i32
    %ne3A_1560 = vector.broadcast %ne3A_1559 : i32 to vector<256x2048xi32>
    %ne3A_1561 = arith.cmpi ne, %rem3A_1558, %ne3A_1560 : vector<256x2048xi32>
    %lt3A_1562 = arith.constant 0 : i32
    %lt3A_1563 = vector.broadcast %lt3A_1562 : i32 to vector<256x2048xi32>
    %lt3A_1564 = arith.cmpi slt, %rem3A_1558, %lt3A_1563 : vector<256x2048xi32>
    %lt3A_1565 = arith.constant 0 : i32
    %lt3A_1566 = arith.cmpi slt, %select_n3A_1556, %lt3A_1565 : i32
    %ne3A_1567 = vector.broadcast %lt3A_1566 : i1 to vector<256x2048xi1>
    %ne3A_1568 = vector.broadcast %ne3A_1567 : vector<256x2048xi1> to vector<256x2048xi1>
    %ne3A_1569 = arith.xori %lt3A_1564, %ne3A_1568 : vector<256x2048xi1>
    %and3A_1570 = arith.andi %ne3A_1569, %ne3A_1561 : vector<256x2048xi1>
    %add3A_1571 = vector.broadcast %select_n3A_1556 : i32 to vector<256x2048xi32>
    %add3A_1572 = arith.addi %rem3A_1558, %add3A_1571 : vector<256x2048xi32>
    %select_n3A_1573 = arith.select %and3A_1570, %add3A_1572, %rem3A_1558 : vector<256x2048xi1>, vector<256x2048xi32>
    %jit3A_1574 = arith.constant 256 : i32
    %div3A_1575 = vector.broadcast %jit3A_1574 : i32 to vector<256x2048xi32>
    %div3A_1576 = arith.divsi %iota3A_1392, %div3A_1575 : vector<256x2048xi32>
    %sign3A_1577 = arith.constant 0 : i32
    %sign3A_1578 = vector.broadcast %sign3A_1577 : i32 to vector<256x2048xi32>
    %sign3A_1579 = arith.cmpi sgt, %iota3A_1392, %sign3A_1578 : vector<256x2048xi32>
    %sign3A_1580 = arith.extui %sign3A_1579 : vector<256x2048xi1> to vector<256x2048xi32>
    %sign3A_1581 = arith.constant 0 : i32
    %sign3A_1582 = vector.broadcast %sign3A_1581 : i32 to vector<256x2048xi32>
    %sign3A_1583 = arith.cmpi slt, %iota3A_1392, %sign3A_1582 : vector<256x2048xi32>
    %sign3A_1584 = arith.extui %sign3A_1583 : vector<256x2048xi1> to vector<256x2048xi32>
    %sign3A_1585 = arith.subi %sign3A_1580, %sign3A_1584 : vector<256x2048xi32>
    %sign3A_1586 = arith.constant 0 : i32
    %sign3A_1587 = arith.cmpi sgt, %jit3A_1574, %sign3A_1586 : i32
    %sign3A_1588 = arith.extui %sign3A_1587 : i1 to i32
    %sign3A_1589 = arith.constant 0 : i32
    %sign3A_1590 = arith.cmpi slt, %jit3A_1574, %sign3A_1589 : i32
    %sign3A_1591 = arith.extui %sign3A_1590 : i1 to i32
    %sign3A_1592 = arith.subi %sign3A_1588, %sign3A_1591 : i32
    %ne3A_1593 = vector.broadcast %sign3A_1592 : i32 to vector<256x2048xi32>
    %ne3A_1594 = arith.cmpi ne, %sign3A_1585, %ne3A_1593 : vector<256x2048xi32>
    %rem3A_1595 = vector.broadcast %jit3A_1574 : i32 to vector<256x2048xi32>
    %rem3A_1596 = arith.remsi %iota3A_1392, %rem3A_1595 : vector<256x2048xi32>
    %ne3A_1597 = arith.constant 0 : i32
    %ne3A_1598 = vector.broadcast %ne3A_1597 : i32 to vector<256x2048xi32>
    %ne3A_1599 = arith.cmpi ne, %rem3A_1596, %ne3A_1598 : vector<256x2048xi32>
    %and3A_1600 = arith.andi %ne3A_1594, %ne3A_1599 : vector<256x2048xi1>
    %sub3A_1601 = arith.constant 1 : i32
    %sub3A_1602 = vector.broadcast %sub3A_1601 : i32 to vector<256x2048xi32>
    %sub3A_1603 = arith.subi %div3A_1576, %sub3A_1602 : vector<256x2048xi32>
    %select_n3A_1604 = arith.select %and3A_1600, %sub3A_1603, %div3A_1576 : vector<256x2048xi1>, vector<256x2048xi32>
    %broadcast_in_dim3A_1605 = arith.constant 0xFF800000 : f32
    %broadcast_in_dim3A_1606 = vector.broadcast %broadcast_in_dim3A_1605 : f32 to vector<256x2048xf32>
    %sub3A_1607 = arith.subi %select_n3A_1520, %select_n3A_1414 : vector<256x2048xi32>
    %eq3A_1608 = arith.constant 0 : i32
    %eq3A_1609 = vector.broadcast %eq3A_1608 : i32 to vector<256x2048xi32>
    %eq3A_1610 = arith.cmpi eq, %sub3A_1607, %eq3A_1609 : vector<256x2048xi32>
    %sub3A_1611 = arith.subi %select_n3A_1573, %select_n3A_1467 : vector<256x2048xi32>
    %eq3A_1612 = arith.constant 0 : i32
    %eq3A_1613 = vector.broadcast %eq3A_1612 : i32 to vector<256x2048xi32>
    %eq3A_1614 = arith.cmpi eq, %sub3A_1611, %eq3A_1613 : vector<256x2048xi32>
    %and3A_1615 = arith.andi %eq3A_1610, %eq3A_1614 : vector<256x2048xi1>
    %sub3A_1616 = arith.subi %select_n3A_1604, %select_n3A_1498 : vector<256x2048xi32>
    %eq3A_1617 = arith.constant 0 : i32
    %eq3A_1618 = vector.broadcast %eq3A_1617 : i32 to vector<256x2048xi32>
    %eq3A_1619 = arith.cmpi eq, %sub3A_1616, %eq3A_1618 : vector<256x2048xi32>
    %and3A_1620 = arith.andi %and3A_1615, %eq3A_1619 : vector<256x2048xi1>
    %slice3A_1621 = vector.extract_strided_slice %sub3A_7 {offsets = [1024, 0], sizes = [256, 1], strides = [1, 1]} : vector<2048x7xf32> to vector<256x1xf32>
    %broadcast_in_dim3A_1622 = vector.shape_cast %slice3A_1621 : vector<256x1xf32> to vector<256x1xf32>
    %broadcast_in_dim3A_1623 = vector.broadcast %broadcast_in_dim3A_1622 : vector<256x1xf32> to vector<256x2048xf32>
    %select_n3A_1624 = arith.select %and3A_1620, %broadcast_in_dim3A_1623, %broadcast_in_dim3A_1606 : vector<256x2048xi1>, vector<256x2048xf32>
    %sub3A_1625 = arith.subi %select_n3A_1520, %select_n3A_1414 : vector<256x2048xi32>
    %eq3A_1626 = arith.constant 1 : i32
    %eq3A_1627 = vector.broadcast %eq3A_1626 : i32 to vector<256x2048xi32>
    %eq3A_1628 = arith.cmpi eq, %sub3A_1625, %eq3A_1627 : vector<256x2048xi32>
    %sub3A_1629 = arith.subi %select_n3A_1573, %select_n3A_1467 : vector<256x2048xi32>
    %eq3A_1630 = arith.constant 0 : i32
    %eq3A_1631 = vector.broadcast %eq3A_1630 : i32 to vector<256x2048xi32>
    %eq3A_1632 = arith.cmpi eq, %sub3A_1629, %eq3A_1631 : vector<256x2048xi32>
    %and3A_1633 = arith.andi %eq3A_1628, %eq3A_1632 : vector<256x2048xi1>
    %sub3A_1634 = arith.subi %select_n3A_1604, %select_n3A_1498 : vector<256x2048xi32>
    %eq3A_1635 = arith.constant 0 : i32
    %eq3A_1636 = vector.broadcast %eq3A_1635 : i32 to vector<256x2048xi32>
    %eq3A_1637 = arith.cmpi eq, %sub3A_1634, %eq3A_1636 : vector<256x2048xi32>
    %and3A_1638 = arith.andi %and3A_1633, %eq3A_1637 : vector<256x2048xi1>
    %slice3A_1639 = vector.extract_strided_slice %sub3A_7 {offsets = [1024, 1], sizes = [256, 1], strides = [1, 1]} : vector<2048x7xf32> to vector<256x1xf32>
    %broadcast_in_dim3A_1640 = vector.shape_cast %slice3A_1639 : vector<256x1xf32> to vector<256x1xf32>
    %broadcast_in_dim3A_1641 = vector.broadcast %broadcast_in_dim3A_1640 : vector<256x1xf32> to vector<256x2048xf32>
    %select_n3A_1642 = arith.select %and3A_1638, %broadcast_in_dim3A_1641, %select_n3A_1624 : vector<256x2048xi1>, vector<256x2048xf32>
    %sub3A_1643 = arith.subi %select_n3A_1520, %select_n3A_1414 : vector<256x2048xi32>
    %eq3A_1644 = arith.constant -1 : i32
    %eq3A_1645 = vector.broadcast %eq3A_1644 : i32 to vector<256x2048xi32>
    %eq3A_1646 = arith.cmpi eq, %sub3A_1643, %eq3A_1645 : vector<256x2048xi32>
    %sub3A_1647 = arith.subi %select_n3A_1573, %select_n3A_1467 : vector<256x2048xi32>
    %eq3A_1648 = arith.constant 0 : i32
    %eq3A_1649 = vector.broadcast %eq3A_1648 : i32 to vector<256x2048xi32>
    %eq3A_1650 = arith.cmpi eq, %sub3A_1647, %eq3A_1649 : vector<256x2048xi32>
    %and3A_1651 = arith.andi %eq3A_1646, %eq3A_1650 : vector<256x2048xi1>
    %sub3A_1652 = arith.subi %select_n3A_1604, %select_n3A_1498 : vector<256x2048xi32>
    %eq3A_1653 = arith.constant 0 : i32
    %eq3A_1654 = vector.broadcast %eq3A_1653 : i32 to vector<256x2048xi32>
    %eq3A_1655 = arith.cmpi eq, %sub3A_1652, %eq3A_1654 : vector<256x2048xi32>
    %and3A_1656 = arith.andi %and3A_1651, %eq3A_1655 : vector<256x2048xi1>
    %slice3A_1657 = vector.extract_strided_slice %sub3A_7 {offsets = [1024, 2], sizes = [256, 1], strides = [1, 1]} : vector<2048x7xf32> to vector<256x1xf32>
    %broadcast_in_dim3A_1658 = vector.shape_cast %slice3A_1657 : vector<256x1xf32> to vector<256x1xf32>
    %broadcast_in_dim3A_1659 = vector.broadcast %broadcast_in_dim3A_1658 : vector<256x1xf32> to vector<256x2048xf32>
    %select_n3A_1660 = arith.select %and3A_1656, %broadcast_in_dim3A_1659, %select_n3A_1642 : vector<256x2048xi1>, vector<256x2048xf32>
    %sub3A_1661 = arith.subi %select_n3A_1520, %select_n3A_1414 : vector<256x2048xi32>
    %eq3A_1662 = arith.constant 0 : i32
    %eq3A_1663 = vector.broadcast %eq3A_1662 : i32 to vector<256x2048xi32>
    %eq3A_1664 = arith.cmpi eq, %sub3A_1661, %eq3A_1663 : vector<256x2048xi32>
    %sub3A_1665 = arith.subi %select_n3A_1573, %select_n3A_1467 : vector<256x2048xi32>
    %eq3A_1666 = arith.constant 1 : i32
    %eq3A_1667 = vector.broadcast %eq3A_1666 : i32 to vector<256x2048xi32>
    %eq3A_1668 = arith.cmpi eq, %sub3A_1665, %eq3A_1667 : vector<256x2048xi32>
    %and3A_1669 = arith.andi %eq3A_1664, %eq3A_1668 : vector<256x2048xi1>
    %sub3A_1670 = arith.subi %select_n3A_1604, %select_n3A_1498 : vector<256x2048xi32>
    %eq3A_1671 = arith.constant 0 : i32
    %eq3A_1672 = vector.broadcast %eq3A_1671 : i32 to vector<256x2048xi32>
    %eq3A_1673 = arith.cmpi eq, %sub3A_1670, %eq3A_1672 : vector<256x2048xi32>
    %and3A_1674 = arith.andi %and3A_1669, %eq3A_1673 : vector<256x2048xi1>
    %slice3A_1675 = vector.extract_strided_slice %sub3A_7 {offsets = [1024, 3], sizes = [256, 1], strides = [1, 1]} : vector<2048x7xf32> to vector<256x1xf32>
    %broadcast_in_dim3A_1676 = vector.shape_cast %slice3A_1675 : vector<256x1xf32> to vector<256x1xf32>
    %broadcast_in_dim3A_1677 = vector.broadcast %broadcast_in_dim3A_1676 : vector<256x1xf32> to vector<256x2048xf32>
    %select_n3A_1678 = arith.select %and3A_1674, %broadcast_in_dim3A_1677, %select_n3A_1660 : vector<256x2048xi1>, vector<256x2048xf32>
    %sub3A_1679 = arith.subi %select_n3A_1520, %select_n3A_1414 : vector<256x2048xi32>
    %eq3A_1680 = arith.constant 0 : i32
    %eq3A_1681 = vector.broadcast %eq3A_1680 : i32 to vector<256x2048xi32>
    %eq3A_1682 = arith.cmpi eq, %sub3A_1679, %eq3A_1681 : vector<256x2048xi32>
    %sub3A_1683 = arith.subi %select_n3A_1573, %select_n3A_1467 : vector<256x2048xi32>
    %eq3A_1684 = arith.constant -1 : i32
    %eq3A_1685 = vector.broadcast %eq3A_1684 : i32 to vector<256x2048xi32>
    %eq3A_1686 = arith.cmpi eq, %sub3A_1683, %eq3A_1685 : vector<256x2048xi32>
    %and3A_1687 = arith.andi %eq3A_1682, %eq3A_1686 : vector<256x2048xi1>
    %sub3A_1688 = arith.subi %select_n3A_1604, %select_n3A_1498 : vector<256x2048xi32>
    %eq3A_1689 = arith.constant 0 : i32
    %eq3A_1690 = vector.broadcast %eq3A_1689 : i32 to vector<256x2048xi32>
    %eq3A_1691 = arith.cmpi eq, %sub3A_1688, %eq3A_1690 : vector<256x2048xi32>
    %and3A_1692 = arith.andi %and3A_1687, %eq3A_1691 : vector<256x2048xi1>
    %slice3A_1693 = vector.extract_strided_slice %sub3A_7 {offsets = [1024, 4], sizes = [256, 1], strides = [1, 1]} : vector<2048x7xf32> to vector<256x1xf32>
    %broadcast_in_dim3A_1694 = vector.shape_cast %slice3A_1693 : vector<256x1xf32> to vector<256x1xf32>
    %broadcast_in_dim3A_1695 = vector.broadcast %broadcast_in_dim3A_1694 : vector<256x1xf32> to vector<256x2048xf32>
    %select_n3A_1696 = arith.select %and3A_1692, %broadcast_in_dim3A_1695, %select_n3A_1678 : vector<256x2048xi1>, vector<256x2048xf32>
    %sub3A_1697 = arith.subi %select_n3A_1520, %select_n3A_1414 : vector<256x2048xi32>
    %eq3A_1698 = arith.constant 0 : i32
    %eq3A_1699 = vector.broadcast %eq3A_1698 : i32 to vector<256x2048xi32>
    %eq3A_1700 = arith.cmpi eq, %sub3A_1697, %eq3A_1699 : vector<256x2048xi32>
    %sub3A_1701 = arith.subi %select_n3A_1573, %select_n3A_1467 : vector<256x2048xi32>
    %eq3A_1702 = arith.constant 0 : i32
    %eq3A_1703 = vector.broadcast %eq3A_1702 : i32 to vector<256x2048xi32>
    %eq3A_1704 = arith.cmpi eq, %sub3A_1701, %eq3A_1703 : vector<256x2048xi32>
    %and3A_1705 = arith.andi %eq3A_1700, %eq3A_1704 : vector<256x2048xi1>
    %sub3A_1706 = arith.subi %select_n3A_1604, %select_n3A_1498 : vector<256x2048xi32>
    %eq3A_1707 = arith.constant 1 : i32
    %eq3A_1708 = vector.broadcast %eq3A_1707 : i32 to vector<256x2048xi32>
    %eq3A_1709 = arith.cmpi eq, %sub3A_1706, %eq3A_1708 : vector<256x2048xi32>
    %and3A_1710 = arith.andi %and3A_1705, %eq3A_1709 : vector<256x2048xi1>
    %slice3A_1711 = vector.extract_strided_slice %sub3A_7 {offsets = [1024, 5], sizes = [256, 1], strides = [1, 1]} : vector<2048x7xf32> to vector<256x1xf32>
    %broadcast_in_dim3A_1712 = vector.shape_cast %slice3A_1711 : vector<256x1xf32> to vector<256x1xf32>
    %broadcast_in_dim3A_1713 = vector.broadcast %broadcast_in_dim3A_1712 : vector<256x1xf32> to vector<256x2048xf32>
    %select_n3A_1714 = arith.select %and3A_1710, %broadcast_in_dim3A_1713, %select_n3A_1696 : vector<256x2048xi1>, vector<256x2048xf32>
    %sub3A_1715 = arith.subi %select_n3A_1520, %select_n3A_1414 : vector<256x2048xi32>
    %eq3A_1716 = arith.constant 0 : i32
    %eq3A_1717 = vector.broadcast %eq3A_1716 : i32 to vector<256x2048xi32>
    %eq3A_1718 = arith.cmpi eq, %sub3A_1715, %eq3A_1717 : vector<256x2048xi32>
    %sub3A_1719 = arith.subi %select_n3A_1573, %select_n3A_1467 : vector<256x2048xi32>
    %eq3A_1720 = arith.constant 0 : i32
    %eq3A_1721 = vector.broadcast %eq3A_1720 : i32 to vector<256x2048xi32>
    %eq3A_1722 = arith.cmpi eq, %sub3A_1719, %eq3A_1721 : vector<256x2048xi32>
    %and3A_1723 = arith.andi %eq3A_1718, %eq3A_1722 : vector<256x2048xi1>
    %sub3A_1724 = arith.subi %select_n3A_1604, %select_n3A_1498 : vector<256x2048xi32>
    %eq3A_1725 = arith.constant 2 : i32
    %eq3A_1726 = vector.broadcast %eq3A_1725 : i32 to vector<256x2048xi32>
    %eq3A_1727 = arith.cmpi eq, %sub3A_1724, %eq3A_1726 : vector<256x2048xi32>
    %and3A_1728 = arith.andi %and3A_1723, %eq3A_1727 : vector<256x2048xi1>
    %slice3A_1729 = vector.extract_strided_slice %sub3A_7 {offsets = [1024, 6], sizes = [256, 1], strides = [1, 1]} : vector<2048x7xf32> to vector<256x1xf32>
    %broadcast_in_dim3A_1730 = vector.shape_cast %slice3A_1729 : vector<256x1xf32> to vector<256x1xf32>
    %broadcast_in_dim3A_1731 = vector.broadcast %broadcast_in_dim3A_1730 : vector<256x1xf32> to vector<256x2048xf32>
    %select_n3A_1732 = arith.select %and3A_1728, %broadcast_in_dim3A_1731, %select_n3A_1714 : vector<256x2048xi1>, vector<256x2048xf32>
    %swap3A_1733 = arith.constant 1024 : index
    %swap3A_1734 = arith.constant 0 : index
    %swap3A_1735 = vector.load %arg4[%swap3A_1733, %swap3A_1734] : memref<2048x2048xf32, #tpu.memory_space<vmem>>, vector<256x2048xf32>
    tpu.vector_store %arg4[%swap3A_1733, %swap3A_1734], %select_n3A_1732 {strides = array<i32>} : memref<2048x2048xf32, #tpu.memory_space<vmem>>, vector<256x2048xf32>,
    %iota3A_1736 = tpu.iota {dimensions = array<i32: 0>} : vector<256x2048xi32>
    %add3A_1737 = arith.constant 1280 : i32
    %add3A_1738 = vector.broadcast %add3A_1737 : i32 to vector<256x2048xi32>
    %add3A_1739 = arith.addi %add3A_1738, %iota3A_1736 : vector<256x2048xi32>
    %iota3A_1740 = tpu.iota {dimensions = array<i32: 1>} : vector<256x2048xi32>
    %jit3A_1741 = arith.constant 16 : i32
    %eq3A_1742 = arith.constant 0 : i32
    %eq3A_1743 = arith.cmpi eq, %jit3A_1741, %eq3A_1742 : i32
    %jit3A_1744 = arith.constant 1 : i32
    %select_n3A_1745 = arith.select %eq3A_1743, %jit3A_1744, %jit3A_1741 : i32
    %rem3A_1746 = vector.broadcast %select_n3A_1745 : i32 to vector<256x2048xi32>
    %rem3A_1747 = arith.remsi %add3A_1739, %rem3A_1746 : vector<256x2048xi32>
    %ne3A_1748 = arith.constant 0 : i32
    %ne3A_1749 = vector.broadcast %ne3A_1748 : i32 to vector<256x2048xi32>
    %ne3A_1750 = arith.cmpi ne, %rem3A_1747, %ne3A_1749 : vector<256x2048xi32>
    %lt3A_1751 = arith.constant 0 : i32
    %lt3A_1752 = vector.broadcast %lt3A_1751 : i32 to vector<256x2048xi32>
    %lt3A_1753 = arith.cmpi slt, %rem3A_1747, %lt3A_1752 : vector<256x2048xi32>
    %lt3A_1754 = arith.constant 0 : i32
    %lt3A_1755 = arith.cmpi slt, %select_n3A_1745, %lt3A_1754 : i32
    %ne3A_1756 = vector.broadcast %lt3A_1755 : i1 to vector<256x2048xi1>
    %ne3A_1757 = vector.broadcast %ne3A_1756 : vector<256x2048xi1> to vector<256x2048xi1>
    %ne3A_1758 = arith.xori %lt3A_1753, %ne3A_1757 : vector<256x2048xi1>
    %and3A_1759 = arith.andi %ne3A_1758, %ne3A_1750 : vector<256x2048xi1>
    %add3A_1760 = vector.broadcast %select_n3A_1745 : i32 to vector<256x2048xi32>
    %add3A_1761 = arith.addi %rem3A_1747, %add3A_1760 : vector<256x2048xi32>
    %select_n3A_1762 = arith.select %and3A_1759, %add3A_1761, %rem3A_1747 : vector<256x2048xi1>, vector<256x2048xi32>
    %jit3A_1763 = arith.constant 16 : i32
    %div3A_1764 = vector.broadcast %jit3A_1763 : i32 to vector<256x2048xi32>
    %div3A_1765 = arith.divsi %add3A_1739, %div3A_1764 : vector<256x2048xi32>
    %sign3A_1766 = arith.constant 0 : i32
    %sign3A_1767 = vector.broadcast %sign3A_1766 : i32 to vector<256x2048xi32>
    %sign3A_1768 = arith.cmpi sgt, %add3A_1739, %sign3A_1767 : vector<256x2048xi32>
    %sign3A_1769 = arith.extui %sign3A_1768 : vector<256x2048xi1> to vector<256x2048xi32>
    %sign3A_1770 = arith.constant 0 : i32
    %sign3A_1771 = vector.broadcast %sign3A_1770 : i32 to vector<256x2048xi32>
    %sign3A_1772 = arith.cmpi slt, %add3A_1739, %sign3A_1771 : vector<256x2048xi32>
    %sign3A_1773 = arith.extui %sign3A_1772 : vector<256x2048xi1> to vector<256x2048xi32>
    %sign3A_1774 = arith.subi %sign3A_1769, %sign3A_1773 : vector<256x2048xi32>
    %sign3A_1775 = arith.constant 0 : i32
    %sign3A_1776 = arith.cmpi sgt, %jit3A_1763, %sign3A_1775 : i32
    %sign3A_1777 = arith.extui %sign3A_1776 : i1 to i32
    %sign3A_1778 = arith.constant 0 : i32
    %sign3A_1779 = arith.cmpi slt, %jit3A_1763, %sign3A_1778 : i32
    %sign3A_1780 = arith.extui %sign3A_1779 : i1 to i32
    %sign3A_1781 = arith.subi %sign3A_1777, %sign3A_1780 : i32
    %ne3A_1782 = vector.broadcast %sign3A_1781 : i32 to vector<256x2048xi32>
    %ne3A_1783 = arith.cmpi ne, %sign3A_1774, %ne3A_1782 : vector<256x2048xi32>
    %rem3A_1784 = vector.broadcast %jit3A_1763 : i32 to vector<256x2048xi32>
    %rem3A_1785 = arith.remsi %add3A_1739, %rem3A_1784 : vector<256x2048xi32>
    %ne3A_1786 = arith.constant 0 : i32
    %ne3A_1787 = vector.broadcast %ne3A_1786 : i32 to vector<256x2048xi32>
    %ne3A_1788 = arith.cmpi ne, %rem3A_1785, %ne3A_1787 : vector<256x2048xi32>
    %and3A_1789 = arith.andi %ne3A_1783, %ne3A_1788 : vector<256x2048xi1>
    %sub3A_1790 = arith.constant 1 : i32
    %sub3A_1791 = vector.broadcast %sub3A_1790 : i32 to vector<256x2048xi32>
    %sub3A_1792 = arith.subi %div3A_1765, %sub3A_1791 : vector<256x2048xi32>
    %select_n3A_1793 = arith.select %and3A_1789, %sub3A_1792, %div3A_1765 : vector<256x2048xi1>, vector<256x2048xi32>
    %jit3A_1794 = arith.constant 16 : i32
    %eq3A_1795 = arith.constant 0 : i32
    %eq3A_1796 = arith.cmpi eq, %jit3A_1794, %eq3A_1795 : i32
    %jit3A_1797 = arith.constant 1 : i32
    %select_n3A_1798 = arith.select %eq3A_1796, %jit3A_1797, %jit3A_1794 : i32
    %rem3A_1799 = vector.broadcast %select_n3A_1798 : i32 to vector<256x2048xi32>
    %rem3A_1800 = arith.remsi %select_n3A_1793, %rem3A_1799 : vector<256x2048xi32>
    %ne3A_1801 = arith.constant 0 : i32
    %ne3A_1802 = vector.broadcast %ne3A_1801 : i32 to vector<256x2048xi32>
    %ne3A_1803 = arith.cmpi ne, %rem3A_1800, %ne3A_1802 : vector<256x2048xi32>
    %lt3A_1804 = arith.constant 0 : i32
    %lt3A_1805 = vector.broadcast %lt3A_1804 : i32 to vector<256x2048xi32>
    %lt3A_1806 = arith.cmpi slt, %rem3A_1800, %lt3A_1805 : vector<256x2048xi32>
    %lt3A_1807 = arith.constant 0 : i32
    %lt3A_1808 = arith.cmpi slt, %select_n3A_1798, %lt3A_1807 : i32
    %ne3A_1809 = vector.broadcast %lt3A_1808 : i1 to vector<256x2048xi1>
    %ne3A_1810 = vector.broadcast %ne3A_1809 : vector<256x2048xi1> to vector<256x2048xi1>
    %ne3A_1811 = arith.xori %lt3A_1806, %ne3A_1810 : vector<256x2048xi1>
    %and3A_1812 = arith.andi %ne3A_1811, %ne3A_1803 : vector<256x2048xi1>
    %add3A_1813 = vector.broadcast %select_n3A_1798 : i32 to vector<256x2048xi32>
    %add3A_1814 = arith.addi %rem3A_1800, %add3A_1813 : vector<256x2048xi32>
    %select_n3A_1815 = arith.select %and3A_1812, %add3A_1814, %rem3A_1800 : vector<256x2048xi1>, vector<256x2048xi32>
    %jit3A_1816 = arith.constant 256 : i32
    %div3A_1817 = vector.broadcast %jit3A_1816 : i32 to vector<256x2048xi32>
    %div3A_1818 = arith.divsi %add3A_1739, %div3A_1817 : vector<256x2048xi32>
    %sign3A_1819 = arith.constant 0 : i32
    %sign3A_1820 = vector.broadcast %sign3A_1819 : i32 to vector<256x2048xi32>
    %sign3A_1821 = arith.cmpi sgt, %add3A_1739, %sign3A_1820 : vector<256x2048xi32>
    %sign3A_1822 = arith.extui %sign3A_1821 : vector<256x2048xi1> to vector<256x2048xi32>
    %sign3A_1823 = arith.constant 0 : i32
    %sign3A_1824 = vector.broadcast %sign3A_1823 : i32 to vector<256x2048xi32>
    %sign3A_1825 = arith.cmpi slt, %add3A_1739, %sign3A_1824 : vector<256x2048xi32>
    %sign3A_1826 = arith.extui %sign3A_1825 : vector<256x2048xi1> to vector<256x2048xi32>
    %sign3A_1827 = arith.subi %sign3A_1822, %sign3A_1826 : vector<256x2048xi32>
    %sign3A_1828 = arith.constant 0 : i32
    %sign3A_1829 = arith.cmpi sgt, %jit3A_1816, %sign3A_1828 : i32
    %sign3A_1830 = arith.extui %sign3A_1829 : i1 to i32
    %sign3A_1831 = arith.constant 0 : i32
    %sign3A_1832 = arith.cmpi slt, %jit3A_1816, %sign3A_1831 : i32
    %sign3A_1833 = arith.extui %sign3A_1832 : i1 to i32
    %sign3A_1834 = arith.subi %sign3A_1830, %sign3A_1833 : i32
    %ne3A_1835 = vector.broadcast %sign3A_1834 : i32 to vector<256x2048xi32>
    %ne3A_1836 = arith.cmpi ne, %sign3A_1827, %ne3A_1835 : vector<256x2048xi32>
    %rem3A_1837 = vector.broadcast %jit3A_1816 : i32 to vector<256x2048xi32>
    %rem3A_1838 = arith.remsi %add3A_1739, %rem3A_1837 : vector<256x2048xi32>
    %ne3A_1839 = arith.constant 0 : i32
    %ne3A_1840 = vector.broadcast %ne3A_1839 : i32 to vector<256x2048xi32>
    %ne3A_1841 = arith.cmpi ne, %rem3A_1838, %ne3A_1840 : vector<256x2048xi32>
    %and3A_1842 = arith.andi %ne3A_1836, %ne3A_1841 : vector<256x2048xi1>
    %sub3A_1843 = arith.constant 1 : i32
    %sub3A_1844 = vector.broadcast %sub3A_1843 : i32 to vector<256x2048xi32>
    %sub3A_1845 = arith.subi %div3A_1818, %sub3A_1844 : vector<256x2048xi32>
    %select_n3A_1846 = arith.select %and3A_1842, %sub3A_1845, %div3A_1818 : vector<256x2048xi1>, vector<256x2048xi32>
    %jit3A_1847 = arith.constant 16 : i32
    %eq3A_1848 = arith.constant 0 : i32
    %eq3A_1849 = arith.cmpi eq, %jit3A_1847, %eq3A_1848 : i32
    %jit3A_1850 = arith.constant 1 : i32
    %select_n3A_1851 = arith.select %eq3A_1849, %jit3A_1850, %jit3A_1847 : i32
    %rem3A_1852 = vector.broadcast %select_n3A_1851 : i32 to vector<256x2048xi32>
    %rem3A_1853 = arith.remsi %iota3A_1740, %rem3A_1852 : vector<256x2048xi32>
    %ne3A_1854 = arith.constant 0 : i32
    %ne3A_1855 = vector.broadcast %ne3A_1854 : i32 to vector<256x2048xi32>
    %ne3A_1856 = arith.cmpi ne, %rem3A_1853, %ne3A_1855 : vector<256x2048xi32>
    %lt3A_1857 = arith.constant 0 : i32
    %lt3A_1858 = vector.broadcast %lt3A_1857 : i32 to vector<256x2048xi32>
    %lt3A_1859 = arith.cmpi slt, %rem3A_1853, %lt3A_1858 : vector<256x2048xi32>
    %lt3A_1860 = arith.constant 0 : i32
    %lt3A_1861 = arith.cmpi slt, %select_n3A_1851, %lt3A_1860 : i32
    %ne3A_1862 = vector.broadcast %lt3A_1861 : i1 to vector<256x2048xi1>
    %ne3A_1863 = vector.broadcast %ne3A_1862 : vector<256x2048xi1> to vector<256x2048xi1>
    %ne3A_1864 = arith.xori %lt3A_1859, %ne3A_1863 : vector<256x2048xi1>
    %and3A_1865 = arith.andi %ne3A_1864, %ne3A_1856 : vector<256x2048xi1>
    %add3A_1866 = vector.broadcast %select_n3A_1851 : i32 to vector<256x2048xi32>
    %add3A_1867 = arith.addi %rem3A_1853, %add3A_1866 : vector<256x2048xi32>
    %select_n3A_1868 = arith.select %and3A_1865, %add3A_1867, %rem3A_1853 : vector<256x2048xi1>, vector<256x2048xi32>
    %jit3A_1869 = arith.constant 16 : i32
    %div3A_1870 = vector.broadcast %jit3A_1869 : i32 to vector<256x2048xi32>
    %div3A_1871 = arith.divsi %iota3A_1740, %div3A_1870 : vector<256x2048xi32>
    %sign3A_1872 = arith.constant 0 : i32
    %sign3A_1873 = vector.broadcast %sign3A_1872 : i32 to vector<256x2048xi32>
    %sign3A_1874 = arith.cmpi sgt, %iota3A_1740, %sign3A_1873 : vector<256x2048xi32>
    %sign3A_1875 = arith.extui %sign3A_1874 : vector<256x2048xi1> to vector<256x2048xi32>
    %sign3A_1876 = arith.constant 0 : i32
    %sign3A_1877 = vector.broadcast %sign3A_1876 : i32 to vector<256x2048xi32>
    %sign3A_1878 = arith.cmpi slt, %iota3A_1740, %sign3A_1877 : vector<256x2048xi32>
    %sign3A_1879 = arith.extui %sign3A_1878 : vector<256x2048xi1> to vector<256x2048xi32>
    %sign3A_1880 = arith.subi %sign3A_1875, %sign3A_1879 : vector<256x2048xi32>
    %sign3A_1881 = arith.constant 0 : i32
    %sign3A_1882 = arith.cmpi sgt, %jit3A_1869, %sign3A_1881 : i32
    %sign3A_1883 = arith.extui %sign3A_1882 : i1 to i32
    %sign3A_1884 = arith.constant 0 : i32
    %sign3A_1885 = arith.cmpi slt, %jit3A_1869, %sign3A_1884 : i32
    %sign3A_1886 = arith.extui %sign3A_1885 : i1 to i32
    %sign3A_1887 = arith.subi %sign3A_1883, %sign3A_1886 : i32
    %ne3A_1888 = vector.broadcast %sign3A_1887 : i32 to vector<256x2048xi32>
    %ne3A_1889 = arith.cmpi ne, %sign3A_1880, %ne3A_1888 : vector<256x2048xi32>
    %rem3A_1890 = vector.broadcast %jit3A_1869 : i32 to vector<256x2048xi32>
    %rem3A_1891 = arith.remsi %iota3A_1740, %rem3A_1890 : vector<256x2048xi32>
    %ne3A_1892 = arith.constant 0 : i32
    %ne3A_1893 = vector.broadcast %ne3A_1892 : i32 to vector<256x2048xi32>
    %ne3A_1894 = arith.cmpi ne, %rem3A_1891, %ne3A_1893 : vector<256x2048xi32>
    %and3A_1895 = arith.andi %ne3A_1889, %ne3A_1894 : vector<256x2048xi1>
    %sub3A_1896 = arith.constant 1 : i32
    %sub3A_1897 = vector.broadcast %sub3A_1896 : i32 to vector<256x2048xi32>
    %sub3A_1898 = arith.subi %div3A_1871, %sub3A_1897 : vector<256x2048xi32>
    %select_n3A_1899 = arith.select %and3A_1895, %sub3A_1898, %div3A_1871 : vector<256x2048xi1>, vector<256x2048xi32>
    %jit3A_1900 = arith.constant 16 : i32
    %eq3A_1901 = arith.constant 0 : i32
    %eq3A_1902 = arith.cmpi eq, %jit3A_1900, %eq3A_1901 : i32
    %jit3A_1903 = arith.constant 1 : i32
    %select_n3A_1904 = arith.select %eq3A_1902, %jit3A_1903, %jit3A_1900 : i32
    %rem3A_1905 = vector.broadcast %select_n3A_1904 : i32 to vector<256x2048xi32>
    %rem3A_1906 = arith.remsi %select_n3A_1899, %rem3A_1905 : vector<256x2048xi32>
    %ne3A_1907 = arith.constant 0 : i32
    %ne3A_1908 = vector.broadcast %ne3A_1907 : i32 to vector<256x2048xi32>
    %ne3A_1909 = arith.cmpi ne, %rem3A_1906, %ne3A_1908 : vector<256x2048xi32>
    %lt3A_1910 = arith.constant 0 : i32
    %lt3A_1911 = vector.broadcast %lt3A_1910 : i32 to vector<256x2048xi32>
    %lt3A_1912 = arith.cmpi slt, %rem3A_1906, %lt3A_1911 : vector<256x2048xi32>
    %lt3A_1913 = arith.constant 0 : i32
    %lt3A_1914 = arith.cmpi slt, %select_n3A_1904, %lt3A_1913 : i32
    %ne3A_1915 = vector.broadcast %lt3A_1914 : i1 to vector<256x2048xi1>
    %ne3A_1916 = vector.broadcast %ne3A_1915 : vector<256x2048xi1> to vector<256x2048xi1>
    %ne3A_1917 = arith.xori %lt3A_1912, %ne3A_1916 : vector<256x2048xi1>
    %and3A_1918 = arith.andi %ne3A_1917, %ne3A_1909 : vector<256x2048xi1>
    %add3A_1919 = vector.broadcast %select_n3A_1904 : i32 to vector<256x2048xi32>
    %add3A_1920 = arith.addi %rem3A_1906, %add3A_1919 : vector<256x2048xi32>
    %select_n3A_1921 = arith.select %and3A_1918, %add3A_1920, %rem3A_1906 : vector<256x2048xi1>, vector<256x2048xi32>
    %jit3A_1922 = arith.constant 256 : i32
    %div3A_1923 = vector.broadcast %jit3A_1922 : i32 to vector<256x2048xi32>
    %div3A_1924 = arith.divsi %iota3A_1740, %div3A_1923 : vector<256x2048xi32>
    %sign3A_1925 = arith.constant 0 : i32
    %sign3A_1926 = vector.broadcast %sign3A_1925 : i32 to vector<256x2048xi32>
    %sign3A_1927 = arith.cmpi sgt, %iota3A_1740, %sign3A_1926 : vector<256x2048xi32>
    %sign3A_1928 = arith.extui %sign3A_1927 : vector<256x2048xi1> to vector<256x2048xi32>
    %sign3A_1929 = arith.constant 0 : i32
    %sign3A_1930 = vector.broadcast %sign3A_1929 : i32 to vector<256x2048xi32>
    %sign3A_1931 = arith.cmpi slt, %iota3A_1740, %sign3A_1930 : vector<256x2048xi32>
    %sign3A_1932 = arith.extui %sign3A_1931 : vector<256x2048xi1> to vector<256x2048xi32>
    %sign3A_1933 = arith.subi %sign3A_1928, %sign3A_1932 : vector<256x2048xi32>
    %sign3A_1934 = arith.constant 0 : i32
    %sign3A_1935 = arith.cmpi sgt, %jit3A_1922, %sign3A_1934 : i32
    %sign3A_1936 = arith.extui %sign3A_1935 : i1 to i32
    %sign3A_1937 = arith.constant 0 : i32
    %sign3A_1938 = arith.cmpi slt, %jit3A_1922, %sign3A_1937 : i32
    %sign3A_1939 = arith.extui %sign3A_1938 : i1 to i32
    %sign3A_1940 = arith.subi %sign3A_1936, %sign3A_1939 : i32
    %ne3A_1941 = vector.broadcast %sign3A_1940 : i32 to vector<256x2048xi32>
    %ne3A_1942 = arith.cmpi ne, %sign3A_1933, %ne3A_1941 : vector<256x2048xi32>
    %rem3A_1943 = vector.broadcast %jit3A_1922 : i32 to vector<256x2048xi32>
    %rem3A_1944 = arith.remsi %iota3A_1740, %rem3A_1943 : vector<256x2048xi32>
    %ne3A_1945 = arith.constant 0 : i32
    %ne3A_1946 = vector.broadcast %ne3A_1945 : i32 to vector<256x2048xi32>
    %ne3A_1947 = arith.cmpi ne, %rem3A_1944, %ne3A_1946 : vector<256x2048xi32>
    %and3A_1948 = arith.andi %ne3A_1942, %ne3A_1947 : vector<256x2048xi1>
    %sub3A_1949 = arith.constant 1 : i32
    %sub3A_1950 = vector.broadcast %sub3A_1949 : i32 to vector<256x2048xi32>
    %sub3A_1951 = arith.subi %div3A_1924, %sub3A_1950 : vector<256x2048xi32>
    %select_n3A_1952 = arith.select %and3A_1948, %sub3A_1951, %div3A_1924 : vector<256x2048xi1>, vector<256x2048xi32>
    %broadcast_in_dim3A_1953 = arith.constant 0xFF800000 : f32
    %broadcast_in_dim3A_1954 = vector.broadcast %broadcast_in_dim3A_1953 : f32 to vector<256x2048xf32>
    %sub3A_1955 = arith.subi %select_n3A_1868, %select_n3A_1762 : vector<256x2048xi32>
    %eq3A_1956 = arith.constant 0 : i32
    %eq3A_1957 = vector.broadcast %eq3A_1956 : i32 to vector<256x2048xi32>
    %eq3A_1958 = arith.cmpi eq, %sub3A_1955, %eq3A_1957 : vector<256x2048xi32>
    %sub3A_1959 = arith.subi %select_n3A_1921, %select_n3A_1815 : vector<256x2048xi32>
    %eq3A_1960 = arith.constant 0 : i32
    %eq3A_1961 = vector.broadcast %eq3A_1960 : i32 to vector<256x2048xi32>
    %eq3A_1962 = arith.cmpi eq, %sub3A_1959, %eq3A_1961 : vector<256x2048xi32>
    %and3A_1963 = arith.andi %eq3A_1958, %eq3A_1962 : vector<256x2048xi1>
    %sub3A_1964 = arith.subi %select_n3A_1952, %select_n3A_1846 : vector<256x2048xi32>
    %eq3A_1965 = arith.constant 0 : i32
    %eq3A_1966 = vector.broadcast %eq3A_1965 : i32 to vector<256x2048xi32>
    %eq3A_1967 = arith.cmpi eq, %sub3A_1964, %eq3A_1966 : vector<256x2048xi32>
    %and3A_1968 = arith.andi %and3A_1963, %eq3A_1967 : vector<256x2048xi1>
    %slice3A_1969 = vector.extract_strided_slice %sub3A_7 {offsets = [1280, 0], sizes = [256, 1], strides = [1, 1]} : vector<2048x7xf32> to vector<256x1xf32>
    %broadcast_in_dim3A_1970 = vector.shape_cast %slice3A_1969 : vector<256x1xf32> to vector<256x1xf32>
    %broadcast_in_dim3A_1971 = vector.broadcast %broadcast_in_dim3A_1970 : vector<256x1xf32> to vector<256x2048xf32>
    %select_n3A_1972 = arith.select %and3A_1968, %broadcast_in_dim3A_1971, %broadcast_in_dim3A_1954 : vector<256x2048xi1>, vector<256x2048xf32>
    %sub3A_1973 = arith.subi %select_n3A_1868, %select_n3A_1762 : vector<256x2048xi32>
    %eq3A_1974 = arith.constant 1 : i32
    %eq3A_1975 = vector.broadcast %eq3A_1974 : i32 to vector<256x2048xi32>
    %eq3A_1976 = arith.cmpi eq, %sub3A_1973, %eq3A_1975 : vector<256x2048xi32>
    %sub3A_1977 = arith.subi %select_n3A_1921, %select_n3A_1815 : vector<256x2048xi32>
    %eq3A_1978 = arith.constant 0 : i32
    %eq3A_1979 = vector.broadcast %eq3A_1978 : i32 to vector<256x2048xi32>
    %eq3A_1980 = arith.cmpi eq, %sub3A_1977, %eq3A_1979 : vector<256x2048xi32>
    %and3A_1981 = arith.andi %eq3A_1976, %eq3A_1980 : vector<256x2048xi1>
    %sub3A_1982 = arith.subi %select_n3A_1952, %select_n3A_1846 : vector<256x2048xi32>
    %eq3A_1983 = arith.constant 0 : i32
    %eq3A_1984 = vector.broadcast %eq3A_1983 : i32 to vector<256x2048xi32>
    %eq3A_1985 = arith.cmpi eq, %sub3A_1982, %eq3A_1984 : vector<256x2048xi32>
    %and3A_1986 = arith.andi %and3A_1981, %eq3A_1985 : vector<256x2048xi1>
    %slice3A_1987 = vector.extract_strided_slice %sub3A_7 {offsets = [1280, 1], sizes = [256, 1], strides = [1, 1]} : vector<2048x7xf32> to vector<256x1xf32>
    %broadcast_in_dim3A_1988 = vector.shape_cast %slice3A_1987 : vector<256x1xf32> to vector<256x1xf32>
    %broadcast_in_dim3A_1989 = vector.broadcast %broadcast_in_dim3A_1988 : vector<256x1xf32> to vector<256x2048xf32>
    %select_n3A_1990 = arith.select %and3A_1986, %broadcast_in_dim3A_1989, %select_n3A_1972 : vector<256x2048xi1>, vector<256x2048xf32>
    %sub3A_1991 = arith.subi %select_n3A_1868, %select_n3A_1762 : vector<256x2048xi32>
    %eq3A_1992 = arith.constant -1 : i32
    %eq3A_1993 = vector.broadcast %eq3A_1992 : i32 to vector<256x2048xi32>
    %eq3A_1994 = arith.cmpi eq, %sub3A_1991, %eq3A_1993 : vector<256x2048xi32>
    %sub3A_1995 = arith.subi %select_n3A_1921, %select_n3A_1815 : vector<256x2048xi32>
    %eq3A_1996 = arith.constant 0 : i32
    %eq3A_1997 = vector.broadcast %eq3A_1996 : i32 to vector<256x2048xi32>
    %eq3A_1998 = arith.cmpi eq, %sub3A_1995, %eq3A_1997 : vector<256x2048xi32>
    %and3A_1999 = arith.andi %eq3A_1994, %eq3A_1998 : vector<256x2048xi1>
    %sub3A_2000 = arith.subi %select_n3A_1952, %select_n3A_1846 : vector<256x2048xi32>
    %eq3A_2001 = arith.constant 0 : i32
    %eq3A_2002 = vector.broadcast %eq3A_2001 : i32 to vector<256x2048xi32>
    %eq3A_2003 = arith.cmpi eq, %sub3A_2000, %eq3A_2002 : vector<256x2048xi32>
    %and3A_2004 = arith.andi %and3A_1999, %eq3A_2003 : vector<256x2048xi1>
    %slice3A_2005 = vector.extract_strided_slice %sub3A_7 {offsets = [1280, 2], sizes = [256, 1], strides = [1, 1]} : vector<2048x7xf32> to vector<256x1xf32>
    %broadcast_in_dim3A_2006 = vector.shape_cast %slice3A_2005 : vector<256x1xf32> to vector<256x1xf32>
    %broadcast_in_dim3A_2007 = vector.broadcast %broadcast_in_dim3A_2006 : vector<256x1xf32> to vector<256x2048xf32>
    %select_n3A_2008 = arith.select %and3A_2004, %broadcast_in_dim3A_2007, %select_n3A_1990 : vector<256x2048xi1>, vector<256x2048xf32>
    %sub3A_2009 = arith.subi %select_n3A_1868, %select_n3A_1762 : vector<256x2048xi32>
    %eq3A_2010 = arith.constant 0 : i32
    %eq3A_2011 = vector.broadcast %eq3A_2010 : i32 to vector<256x2048xi32>
    %eq3A_2012 = arith.cmpi eq, %sub3A_2009, %eq3A_2011 : vector<256x2048xi32>
    %sub3A_2013 = arith.subi %select_n3A_1921, %select_n3A_1815 : vector<256x2048xi32>
    %eq3A_2014 = arith.constant 1 : i32
    %eq3A_2015 = vector.broadcast %eq3A_2014 : i32 to vector<256x2048xi32>
    %eq3A_2016 = arith.cmpi eq, %sub3A_2013, %eq3A_2015 : vector<256x2048xi32>
    %and3A_2017 = arith.andi %eq3A_2012, %eq3A_2016 : vector<256x2048xi1>
    %sub3A_2018 = arith.subi %select_n3A_1952, %select_n3A_1846 : vector<256x2048xi32>
    %eq3A_2019 = arith.constant 0 : i32
    %eq3A_2020 = vector.broadcast %eq3A_2019 : i32 to vector<256x2048xi32>
    %eq3A_2021 = arith.cmpi eq, %sub3A_2018, %eq3A_2020 : vector<256x2048xi32>
    %and3A_2022 = arith.andi %and3A_2017, %eq3A_2021 : vector<256x2048xi1>
    %slice3A_2023 = vector.extract_strided_slice %sub3A_7 {offsets = [1280, 3], sizes = [256, 1], strides = [1, 1]} : vector<2048x7xf32> to vector<256x1xf32>
    %broadcast_in_dim3A_2024 = vector.shape_cast %slice3A_2023 : vector<256x1xf32> to vector<256x1xf32>
    %broadcast_in_dim3A_2025 = vector.broadcast %broadcast_in_dim3A_2024 : vector<256x1xf32> to vector<256x2048xf32>
    %select_n3A_2026 = arith.select %and3A_2022, %broadcast_in_dim3A_2025, %select_n3A_2008 : vector<256x2048xi1>, vector<256x2048xf32>
    %sub3A_2027 = arith.subi %select_n3A_1868, %select_n3A_1762 : vector<256x2048xi32>
    %eq3A_2028 = arith.constant 0 : i32
    %eq3A_2029 = vector.broadcast %eq3A_2028 : i32 to vector<256x2048xi32>
    %eq3A_2030 = arith.cmpi eq, %sub3A_2027, %eq3A_2029 : vector<256x2048xi32>
    %sub3A_2031 = arith.subi %select_n3A_1921, %select_n3A_1815 : vector<256x2048xi32>
    %eq3A_2032 = arith.constant -1 : i32
    %eq3A_2033 = vector.broadcast %eq3A_2032 : i32 to vector<256x2048xi32>
    %eq3A_2034 = arith.cmpi eq, %sub3A_2031, %eq3A_2033 : vector<256x2048xi32>
    %and3A_2035 = arith.andi %eq3A_2030, %eq3A_2034 : vector<256x2048xi1>
    %sub3A_2036 = arith.subi %select_n3A_1952, %select_n3A_1846 : vector<256x2048xi32>
    %eq3A_2037 = arith.constant 0 : i32
    %eq3A_2038 = vector.broadcast %eq3A_2037 : i32 to vector<256x2048xi32>
    %eq3A_2039 = arith.cmpi eq, %sub3A_2036, %eq3A_2038 : vector<256x2048xi32>
    %and3A_2040 = arith.andi %and3A_2035, %eq3A_2039 : vector<256x2048xi1>
    %slice3A_2041 = vector.extract_strided_slice %sub3A_7 {offsets = [1280, 4], sizes = [256, 1], strides = [1, 1]} : vector<2048x7xf32> to vector<256x1xf32>
    %broadcast_in_dim3A_2042 = vector.shape_cast %slice3A_2041 : vector<256x1xf32> to vector<256x1xf32>
    %broadcast_in_dim3A_2043 = vector.broadcast %broadcast_in_dim3A_2042 : vector<256x1xf32> to vector<256x2048xf32>
    %select_n3A_2044 = arith.select %and3A_2040, %broadcast_in_dim3A_2043, %select_n3A_2026 : vector<256x2048xi1>, vector<256x2048xf32>
    %sub3A_2045 = arith.subi %select_n3A_1868, %select_n3A_1762 : vector<256x2048xi32>
    %eq3A_2046 = arith.constant 0 : i32
    %eq3A_2047 = vector.broadcast %eq3A_2046 : i32 to vector<256x2048xi32>
    %eq3A_2048 = arith.cmpi eq, %sub3A_2045, %eq3A_2047 : vector<256x2048xi32>
    %sub3A_2049 = arith.subi %select_n3A_1921, %select_n3A_1815 : vector<256x2048xi32>
    %eq3A_2050 = arith.constant 0 : i32
    %eq3A_2051 = vector.broadcast %eq3A_2050 : i32 to vector<256x2048xi32>
    %eq3A_2052 = arith.cmpi eq, %sub3A_2049, %eq3A_2051 : vector<256x2048xi32>
    %and3A_2053 = arith.andi %eq3A_2048, %eq3A_2052 : vector<256x2048xi1>
    %sub3A_2054 = arith.subi %select_n3A_1952, %select_n3A_1846 : vector<256x2048xi32>
    %eq3A_2055 = arith.constant 1 : i32
    %eq3A_2056 = vector.broadcast %eq3A_2055 : i32 to vector<256x2048xi32>
    %eq3A_2057 = arith.cmpi eq, %sub3A_2054, %eq3A_2056 : vector<256x2048xi32>
    %and3A_2058 = arith.andi %and3A_2053, %eq3A_2057 : vector<256x2048xi1>
    %slice3A_2059 = vector.extract_strided_slice %sub3A_7 {offsets = [1280, 5], sizes = [256, 1], strides = [1, 1]} : vector<2048x7xf32> to vector<256x1xf32>
    %broadcast_in_dim3A_2060 = vector.shape_cast %slice3A_2059 : vector<256x1xf32> to vector<256x1xf32>
    %broadcast_in_dim3A_2061 = vector.broadcast %broadcast_in_dim3A_2060 : vector<256x1xf32> to vector<256x2048xf32>
    %select_n3A_2062 = arith.select %and3A_2058, %broadcast_in_dim3A_2061, %select_n3A_2044 : vector<256x2048xi1>, vector<256x2048xf32>
    %sub3A_2063 = arith.subi %select_n3A_1868, %select_n3A_1762 : vector<256x2048xi32>
    %eq3A_2064 = arith.constant 0 : i32
    %eq3A_2065 = vector.broadcast %eq3A_2064 : i32 to vector<256x2048xi32>
    %eq3A_2066 = arith.cmpi eq, %sub3A_2063, %eq3A_2065 : vector<256x2048xi32>
    %sub3A_2067 = arith.subi %select_n3A_1921, %select_n3A_1815 : vector<256x2048xi32>
    %eq3A_2068 = arith.constant 0 : i32
    %eq3A_2069 = vector.broadcast %eq3A_2068 : i32 to vector<256x2048xi32>
    %eq3A_2070 = arith.cmpi eq, %sub3A_2067, %eq3A_2069 : vector<256x2048xi32>
    %and3A_2071 = arith.andi %eq3A_2066, %eq3A_2070 : vector<256x2048xi1>
    %sub3A_2072 = arith.subi %select_n3A_1952, %select_n3A_1846 : vector<256x2048xi32>
    %eq3A_2073 = arith.constant 2 : i32
    %eq3A_2074 = vector.broadcast %eq3A_2073 : i32 to vector<256x2048xi32>
    %eq3A_2075 = arith.cmpi eq, %sub3A_2072, %eq3A_2074 : vector<256x2048xi32>
    %and3A_2076 = arith.andi %and3A_2071, %eq3A_2075 : vector<256x2048xi1>
    %slice3A_2077 = vector.extract_strided_slice %sub3A_7 {offsets = [1280, 6], sizes = [256, 1], strides = [1, 1]} : vector<2048x7xf32> to vector<256x1xf32>
    %broadcast_in_dim3A_2078 = vector.shape_cast %slice3A_2077 : vector<256x1xf32> to vector<256x1xf32>
    %broadcast_in_dim3A_2079 = vector.broadcast %broadcast_in_dim3A_2078 : vector<256x1xf32> to vector<256x2048xf32>
    %select_n3A_2080 = arith.select %and3A_2076, %broadcast_in_dim3A_2079, %select_n3A_2062 : vector<256x2048xi1>, vector<256x2048xf32>
    %swap3A_2081 = arith.constant 1280 : index
    %swap3A_2082 = arith.constant 0 : index
    %swap3A_2083 = vector.load %arg4[%swap3A_2081, %swap3A_2082] : memref<2048x2048xf32, #tpu.memory_space<vmem>>, vector<256x2048xf32>
    tpu.vector_store %arg4[%swap3A_2081, %swap3A_2082], %select_n3A_2080 {strides = array<i32>} : memref<2048x2048xf32, #tpu.memory_space<vmem>>, vector<256x2048xf32>,
    %iota3A_2084 = tpu.iota {dimensions = array<i32: 0>} : vector<256x2048xi32>
    %add3A_2085 = arith.constant 1536 : i32
    %add3A_2086 = vector.broadcast %add3A_2085 : i32 to vector<256x2048xi32>
    %add3A_2087 = arith.addi %add3A_2086, %iota3A_2084 : vector<256x2048xi32>
    %iota3A_2088 = tpu.iota {dimensions = array<i32: 1>} : vector<256x2048xi32>
    %jit3A_2089 = arith.constant 16 : i32
    %eq3A_2090 = arith.constant 0 : i32
    %eq3A_2091 = arith.cmpi eq, %jit3A_2089, %eq3A_2090 : i32
    %jit3A_2092 = arith.constant 1 : i32
    %select_n3A_2093 = arith.select %eq3A_2091, %jit3A_2092, %jit3A_2089 : i32
    %rem3A_2094 = vector.broadcast %select_n3A_2093 : i32 to vector<256x2048xi32>
    %rem3A_2095 = arith.remsi %add3A_2087, %rem3A_2094 : vector<256x2048xi32>
    %ne3A_2096 = arith.constant 0 : i32
    %ne3A_2097 = vector.broadcast %ne3A_2096 : i32 to vector<256x2048xi32>
    %ne3A_2098 = arith.cmpi ne, %rem3A_2095, %ne3A_2097 : vector<256x2048xi32>
    %lt3A_2099 = arith.constant 0 : i32
    %lt3A_2100 = vector.broadcast %lt3A_2099 : i32 to vector<256x2048xi32>
    %lt3A_2101 = arith.cmpi slt, %rem3A_2095, %lt3A_2100 : vector<256x2048xi32>
    %lt3A_2102 = arith.constant 0 : i32
    %lt3A_2103 = arith.cmpi slt, %select_n3A_2093, %lt3A_2102 : i32
    %ne3A_2104 = vector.broadcast %lt3A_2103 : i1 to vector<256x2048xi1>
    %ne3A_2105 = vector.broadcast %ne3A_2104 : vector<256x2048xi1> to vector<256x2048xi1>
    %ne3A_2106 = arith.xori %lt3A_2101, %ne3A_2105 : vector<256x2048xi1>
    %and3A_2107 = arith.andi %ne3A_2106, %ne3A_2098 : vector<256x2048xi1>
    %add3A_2108 = vector.broadcast %select_n3A_2093 : i32 to vector<256x2048xi32>
    %add3A_2109 = arith.addi %rem3A_2095, %add3A_2108 : vector<256x2048xi32>
    %select_n3A_2110 = arith.select %and3A_2107, %add3A_2109, %rem3A_2095 : vector<256x2048xi1>, vector<256x2048xi32>
    %jit3A_2111 = arith.constant 16 : i32
    %div3A_2112 = vector.broadcast %jit3A_2111 : i32 to vector<256x2048xi32>
    %div3A_2113 = arith.divsi %add3A_2087, %div3A_2112 : vector<256x2048xi32>
    %sign3A_2114 = arith.constant 0 : i32
    %sign3A_2115 = vector.broadcast %sign3A_2114 : i32 to vector<256x2048xi32>
    %sign3A_2116 = arith.cmpi sgt, %add3A_2087, %sign3A_2115 : vector<256x2048xi32>
    %sign3A_2117 = arith.extui %sign3A_2116 : vector<256x2048xi1> to vector<256x2048xi32>
    %sign3A_2118 = arith.constant 0 : i32
    %sign3A_2119 = vector.broadcast %sign3A_2118 : i32 to vector<256x2048xi32>
    %sign3A_2120 = arith.cmpi slt, %add3A_2087, %sign3A_2119 : vector<256x2048xi32>
    %sign3A_2121 = arith.extui %sign3A_2120 : vector<256x2048xi1> to vector<256x2048xi32>
    %sign3A_2122 = arith.subi %sign3A_2117, %sign3A_2121 : vector<256x2048xi32>
    %sign3A_2123 = arith.constant 0 : i32
    %sign3A_2124 = arith.cmpi sgt, %jit3A_2111, %sign3A_2123 : i32
    %sign3A_2125 = arith.extui %sign3A_2124 : i1 to i32
    %sign3A_2126 = arith.constant 0 : i32
    %sign3A_2127 = arith.cmpi slt, %jit3A_2111, %sign3A_2126 : i32
    %sign3A_2128 = arith.extui %sign3A_2127 : i1 to i32
    %sign3A_2129 = arith.subi %sign3A_2125, %sign3A_2128 : i32
    %ne3A_2130 = vector.broadcast %sign3A_2129 : i32 to vector<256x2048xi32>
    %ne3A_2131 = arith.cmpi ne, %sign3A_2122, %ne3A_2130 : vector<256x2048xi32>
    %rem3A_2132 = vector.broadcast %jit3A_2111 : i32 to vector<256x2048xi32>
    %rem3A_2133 = arith.remsi %add3A_2087, %rem3A_2132 : vector<256x2048xi32>
    %ne3A_2134 = arith.constant 0 : i32
    %ne3A_2135 = vector.broadcast %ne3A_2134 : i32 to vector<256x2048xi32>
    %ne3A_2136 = arith.cmpi ne, %rem3A_2133, %ne3A_2135 : vector<256x2048xi32>
    %and3A_2137 = arith.andi %ne3A_2131, %ne3A_2136 : vector<256x2048xi1>
    %sub3A_2138 = arith.constant 1 : i32
    %sub3A_2139 = vector.broadcast %sub3A_2138 : i32 to vector<256x2048xi32>
    %sub3A_2140 = arith.subi %div3A_2113, %sub3A_2139 : vector<256x2048xi32>
    %select_n3A_2141 = arith.select %and3A_2137, %sub3A_2140, %div3A_2113 : vector<256x2048xi1>, vector<256x2048xi32>
    %jit3A_2142 = arith.constant 16 : i32
    %eq3A_2143 = arith.constant 0 : i32
    %eq3A_2144 = arith.cmpi eq, %jit3A_2142, %eq3A_2143 : i32
    %jit3A_2145 = arith.constant 1 : i32
    %select_n3A_2146 = arith.select %eq3A_2144, %jit3A_2145, %jit3A_2142 : i32
    %rem3A_2147 = vector.broadcast %select_n3A_2146 : i32 to vector<256x2048xi32>
    %rem3A_2148 = arith.remsi %select_n3A_2141, %rem3A_2147 : vector<256x2048xi32>
    %ne3A_2149 = arith.constant 0 : i32
    %ne3A_2150 = vector.broadcast %ne3A_2149 : i32 to vector<256x2048xi32>
    %ne3A_2151 = arith.cmpi ne, %rem3A_2148, %ne3A_2150 : vector<256x2048xi32>
    %lt3A_2152 = arith.constant 0 : i32
    %lt3A_2153 = vector.broadcast %lt3A_2152 : i32 to vector<256x2048xi32>
    %lt3A_2154 = arith.cmpi slt, %rem3A_2148, %lt3A_2153 : vector<256x2048xi32>
    %lt3A_2155 = arith.constant 0 : i32
    %lt3A_2156 = arith.cmpi slt, %select_n3A_2146, %lt3A_2155 : i32
    %ne3A_2157 = vector.broadcast %lt3A_2156 : i1 to vector<256x2048xi1>
    %ne3A_2158 = vector.broadcast %ne3A_2157 : vector<256x2048xi1> to vector<256x2048xi1>
    %ne3A_2159 = arith.xori %lt3A_2154, %ne3A_2158 : vector<256x2048xi1>
    %and3A_2160 = arith.andi %ne3A_2159, %ne3A_2151 : vector<256x2048xi1>
    %add3A_2161 = vector.broadcast %select_n3A_2146 : i32 to vector<256x2048xi32>
    %add3A_2162 = arith.addi %rem3A_2148, %add3A_2161 : vector<256x2048xi32>
    %select_n3A_2163 = arith.select %and3A_2160, %add3A_2162, %rem3A_2148 : vector<256x2048xi1>, vector<256x2048xi32>
    %jit3A_2164 = arith.constant 256 : i32
    %div3A_2165 = vector.broadcast %jit3A_2164 : i32 to vector<256x2048xi32>
    %div3A_2166 = arith.divsi %add3A_2087, %div3A_2165 : vector<256x2048xi32>
    %sign3A_2167 = arith.constant 0 : i32
    %sign3A_2168 = vector.broadcast %sign3A_2167 : i32 to vector<256x2048xi32>
    %sign3A_2169 = arith.cmpi sgt, %add3A_2087, %sign3A_2168 : vector<256x2048xi32>
    %sign3A_2170 = arith.extui %sign3A_2169 : vector<256x2048xi1> to vector<256x2048xi32>
    %sign3A_2171 = arith.constant 0 : i32
    %sign3A_2172 = vector.broadcast %sign3A_2171 : i32 to vector<256x2048xi32>
    %sign3A_2173 = arith.cmpi slt, %add3A_2087, %sign3A_2172 : vector<256x2048xi32>
    %sign3A_2174 = arith.extui %sign3A_2173 : vector<256x2048xi1> to vector<256x2048xi32>
    %sign3A_2175 = arith.subi %sign3A_2170, %sign3A_2174 : vector<256x2048xi32>
    %sign3A_2176 = arith.constant 0 : i32
    %sign3A_2177 = arith.cmpi sgt, %jit3A_2164, %sign3A_2176 : i32
    %sign3A_2178 = arith.extui %sign3A_2177 : i1 to i32
    %sign3A_2179 = arith.constant 0 : i32
    %sign3A_2180 = arith.cmpi slt, %jit3A_2164, %sign3A_2179 : i32
    %sign3A_2181 = arith.extui %sign3A_2180 : i1 to i32
    %sign3A_2182 = arith.subi %sign3A_2178, %sign3A_2181 : i32
    %ne3A_2183 = vector.broadcast %sign3A_2182 : i32 to vector<256x2048xi32>
    %ne3A_2184 = arith.cmpi ne, %sign3A_2175, %ne3A_2183 : vector<256x2048xi32>
    %rem3A_2185 = vector.broadcast %jit3A_2164 : i32 to vector<256x2048xi32>
    %rem3A_2186 = arith.remsi %add3A_2087, %rem3A_2185 : vector<256x2048xi32>
    %ne3A_2187 = arith.constant 0 : i32
    %ne3A_2188 = vector.broadcast %ne3A_2187 : i32 to vector<256x2048xi32>
    %ne3A_2189 = arith.cmpi ne, %rem3A_2186, %ne3A_2188 : vector<256x2048xi32>
    %and3A_2190 = arith.andi %ne3A_2184, %ne3A_2189 : vector<256x2048xi1>
    %sub3A_2191 = arith.constant 1 : i32
    %sub3A_2192 = vector.broadcast %sub3A_2191 : i32 to vector<256x2048xi32>
    %sub3A_2193 = arith.subi %div3A_2166, %sub3A_2192 : vector<256x2048xi32>
    %select_n3A_2194 = arith.select %and3A_2190, %sub3A_2193, %div3A_2166 : vector<256x2048xi1>, vector<256x2048xi32>
    %jit3A_2195 = arith.constant 16 : i32
    %eq3A_2196 = arith.constant 0 : i32
    %eq3A_2197 = arith.cmpi eq, %jit3A_2195, %eq3A_2196 : i32
    %jit3A_2198 = arith.constant 1 : i32
    %select_n3A_2199 = arith.select %eq3A_2197, %jit3A_2198, %jit3A_2195 : i32
    %rem3A_2200 = vector.broadcast %select_n3A_2199 : i32 to vector<256x2048xi32>
    %rem3A_2201 = arith.remsi %iota3A_2088, %rem3A_2200 : vector<256x2048xi32>
    %ne3A_2202 = arith.constant 0 : i32
    %ne3A_2203 = vector.broadcast %ne3A_2202 : i32 to vector<256x2048xi32>
    %ne3A_2204 = arith.cmpi ne, %rem3A_2201, %ne3A_2203 : vector<256x2048xi32>
    %lt3A_2205 = arith.constant 0 : i32
    %lt3A_2206 = vector.broadcast %lt3A_2205 : i32 to vector<256x2048xi32>
    %lt3A_2207 = arith.cmpi slt, %rem3A_2201, %lt3A_2206 : vector<256x2048xi32>
    %lt3A_2208 = arith.constant 0 : i32
    %lt3A_2209 = arith.cmpi slt, %select_n3A_2199, %lt3A_2208 : i32
    %ne3A_2210 = vector.broadcast %lt3A_2209 : i1 to vector<256x2048xi1>
    %ne3A_2211 = vector.broadcast %ne3A_2210 : vector<256x2048xi1> to vector<256x2048xi1>
    %ne3A_2212 = arith.xori %lt3A_2207, %ne3A_2211 : vector<256x2048xi1>
    %and3A_2213 = arith.andi %ne3A_2212, %ne3A_2204 : vector<256x2048xi1>
    %add3A_2214 = vector.broadcast %select_n3A_2199 : i32 to vector<256x2048xi32>
    %add3A_2215 = arith.addi %rem3A_2201, %add3A_2214 : vector<256x2048xi32>
    %select_n3A_2216 = arith.select %and3A_2213, %add3A_2215, %rem3A_2201 : vector<256x2048xi1>, vector<256x2048xi32>
    %jit3A_2217 = arith.constant 16 : i32
    %div3A_2218 = vector.broadcast %jit3A_2217 : i32 to vector<256x2048xi32>
    %div3A_2219 = arith.divsi %iota3A_2088, %div3A_2218 : vector<256x2048xi32>
    %sign3A_2220 = arith.constant 0 : i32
    %sign3A_2221 = vector.broadcast %sign3A_2220 : i32 to vector<256x2048xi32>
    %sign3A_2222 = arith.cmpi sgt, %iota3A_2088, %sign3A_2221 : vector<256x2048xi32>
    %sign3A_2223 = arith.extui %sign3A_2222 : vector<256x2048xi1> to vector<256x2048xi32>
    %sign3A_2224 = arith.constant 0 : i32
    %sign3A_2225 = vector.broadcast %sign3A_2224 : i32 to vector<256x2048xi32>
    %sign3A_2226 = arith.cmpi slt, %iota3A_2088, %sign3A_2225 : vector<256x2048xi32>
    %sign3A_2227 = arith.extui %sign3A_2226 : vector<256x2048xi1> to vector<256x2048xi32>
    %sign3A_2228 = arith.subi %sign3A_2223, %sign3A_2227 : vector<256x2048xi32>
    %sign3A_2229 = arith.constant 0 : i32
    %sign3A_2230 = arith.cmpi sgt, %jit3A_2217, %sign3A_2229 : i32
    %sign3A_2231 = arith.extui %sign3A_2230 : i1 to i32
    %sign3A_2232 = arith.constant 0 : i32
    %sign3A_2233 = arith.cmpi slt, %jit3A_2217, %sign3A_2232 : i32
    %sign3A_2234 = arith.extui %sign3A_2233 : i1 to i32
    %sign3A_2235 = arith.subi %sign3A_2231, %sign3A_2234 : i32
    %ne3A_2236 = vector.broadcast %sign3A_2235 : i32 to vector<256x2048xi32>
    %ne3A_2237 = arith.cmpi ne, %sign3A_2228, %ne3A_2236 : vector<256x2048xi32>
    %rem3A_2238 = vector.broadcast %jit3A_2217 : i32 to vector<256x2048xi32>
    %rem3A_2239 = arith.remsi %iota3A_2088, %rem3A_2238 : vector<256x2048xi32>
    %ne3A_2240 = arith.constant 0 : i32
    %ne3A_2241 = vector.broadcast %ne3A_2240 : i32 to vector<256x2048xi32>
    %ne3A_2242 = arith.cmpi ne, %rem3A_2239, %ne3A_2241 : vector<256x2048xi32>
    %and3A_2243 = arith.andi %ne3A_2237, %ne3A_2242 : vector<256x2048xi1>
    %sub3A_2244 = arith.constant 1 : i32
    %sub3A_2245 = vector.broadcast %sub3A_2244 : i32 to vector<256x2048xi32>
    %sub3A_2246 = arith.subi %div3A_2219, %sub3A_2245 : vector<256x2048xi32>
    %select_n3A_2247 = arith.select %and3A_2243, %sub3A_2246, %div3A_2219 : vector<256x2048xi1>, vector<256x2048xi32>
    %jit3A_2248 = arith.constant 16 : i32
    %eq3A_2249 = arith.constant 0 : i32
    %eq3A_2250 = arith.cmpi eq, %jit3A_2248, %eq3A_2249 : i32
    %jit3A_2251 = arith.constant 1 : i32
    %select_n3A_2252 = arith.select %eq3A_2250, %jit3A_2251, %jit3A_2248 : i32
    %rem3A_2253 = vector.broadcast %select_n3A_2252 : i32 to vector<256x2048xi32>
    %rem3A_2254 = arith.remsi %select_n3A_2247, %rem3A_2253 : vector<256x2048xi32>
    %ne3A_2255 = arith.constant 0 : i32
    %ne3A_2256 = vector.broadcast %ne3A_2255 : i32 to vector<256x2048xi32>
    %ne3A_2257 = arith.cmpi ne, %rem3A_2254, %ne3A_2256 : vector<256x2048xi32>
    %lt3A_2258 = arith.constant 0 : i32
    %lt3A_2259 = vector.broadcast %lt3A_2258 : i32 to vector<256x2048xi32>
    %lt3A_2260 = arith.cmpi slt, %rem3A_2254, %lt3A_2259 : vector<256x2048xi32>
    %lt3A_2261 = arith.constant 0 : i32
    %lt3A_2262 = arith.cmpi slt, %select_n3A_2252, %lt3A_2261 : i32
    %ne3A_2263 = vector.broadcast %lt3A_2262 : i1 to vector<256x2048xi1>
    %ne3A_2264 = vector.broadcast %ne3A_2263 : vector<256x2048xi1> to vector<256x2048xi1>
    %ne3A_2265 = arith.xori %lt3A_2260, %ne3A_2264 : vector<256x2048xi1>
    %and3A_2266 = arith.andi %ne3A_2265, %ne3A_2257 : vector<256x2048xi1>
    %add3A_2267 = vector.broadcast %select_n3A_2252 : i32 to vector<256x2048xi32>
    %add3A_2268 = arith.addi %rem3A_2254, %add3A_2267 : vector<256x2048xi32>
    %select_n3A_2269 = arith.select %and3A_2266, %add3A_2268, %rem3A_2254 : vector<256x2048xi1>, vector<256x2048xi32>
    %jit3A_2270 = arith.constant 256 : i32
    %div3A_2271 = vector.broadcast %jit3A_2270 : i32 to vector<256x2048xi32>
    %div3A_2272 = arith.divsi %iota3A_2088, %div3A_2271 : vector<256x2048xi32>
    %sign3A_2273 = arith.constant 0 : i32
    %sign3A_2274 = vector.broadcast %sign3A_2273 : i32 to vector<256x2048xi32>
    %sign3A_2275 = arith.cmpi sgt, %iota3A_2088, %sign3A_2274 : vector<256x2048xi32>
    %sign3A_2276 = arith.extui %sign3A_2275 : vector<256x2048xi1> to vector<256x2048xi32>
    %sign3A_2277 = arith.constant 0 : i32
    %sign3A_2278 = vector.broadcast %sign3A_2277 : i32 to vector<256x2048xi32>
    %sign3A_2279 = arith.cmpi slt, %iota3A_2088, %sign3A_2278 : vector<256x2048xi32>
    %sign3A_2280 = arith.extui %sign3A_2279 : vector<256x2048xi1> to vector<256x2048xi32>
    %sign3A_2281 = arith.subi %sign3A_2276, %sign3A_2280 : vector<256x2048xi32>
    %sign3A_2282 = arith.constant 0 : i32
    %sign3A_2283 = arith.cmpi sgt, %jit3A_2270, %sign3A_2282 : i32
    %sign3A_2284 = arith.extui %sign3A_2283 : i1 to i32
    %sign3A_2285 = arith.constant 0 : i32
    %sign3A_2286 = arith.cmpi slt, %jit3A_2270, %sign3A_2285 : i32
    %sign3A_2287 = arith.extui %sign3A_2286 : i1 to i32
    %sign3A_2288 = arith.subi %sign3A_2284, %sign3A_2287 : i32
    %ne3A_2289 = vector.broadcast %sign3A_2288 : i32 to vector<256x2048xi32>
    %ne3A_2290 = arith.cmpi ne, %sign3A_2281, %ne3A_2289 : vector<256x2048xi32>
    %rem3A_2291 = vector.broadcast %jit3A_2270 : i32 to vector<256x2048xi32>
    %rem3A_2292 = arith.remsi %iota3A_2088, %rem3A_2291 : vector<256x2048xi32>
    %ne3A_2293 = arith.constant 0 : i32
    %ne3A_2294 = vector.broadcast %ne3A_2293 : i32 to vector<256x2048xi32>
    %ne3A_2295 = arith.cmpi ne, %rem3A_2292, %ne3A_2294 : vector<256x2048xi32>
    %and3A_2296 = arith.andi %ne3A_2290, %ne3A_2295 : vector<256x2048xi1>
    %sub3A_2297 = arith.constant 1 : i32
    %sub3A_2298 = vector.broadcast %sub3A_2297 : i32 to vector<256x2048xi32>
    %sub3A_2299 = arith.subi %div3A_2272, %sub3A_2298 : vector<256x2048xi32>
    %select_n3A_2300 = arith.select %and3A_2296, %sub3A_2299, %div3A_2272 : vector<256x2048xi1>, vector<256x2048xi32>
    %broadcast_in_dim3A_2301 = arith.constant 0xFF800000 : f32
    %broadcast_in_dim3A_2302 = vector.broadcast %broadcast_in_dim3A_2301 : f32 to vector<256x2048xf32>
    %sub3A_2303 = arith.subi %select_n3A_2216, %select_n3A_2110 : vector<256x2048xi32>
    %eq3A_2304 = arith.constant 0 : i32
    %eq3A_2305 = vector.broadcast %eq3A_2304 : i32 to vector<256x2048xi32>
    %eq3A_2306 = arith.cmpi eq, %sub3A_2303, %eq3A_2305 : vector<256x2048xi32>
    %sub3A_2307 = arith.subi %select_n3A_2269, %select_n3A_2163 : vector<256x2048xi32>
    %eq3A_2308 = arith.constant 0 : i32
    %eq3A_2309 = vector.broadcast %eq3A_2308 : i32 to vector<256x2048xi32>
    %eq3A_2310 = arith.cmpi eq, %sub3A_2307, %eq3A_2309 : vector<256x2048xi32>
    %and3A_2311 = arith.andi %eq3A_2306, %eq3A_2310 : vector<256x2048xi1>
    %sub3A_2312 = arith.subi %select_n3A_2300, %select_n3A_2194 : vector<256x2048xi32>
    %eq3A_2313 = arith.constant 0 : i32
    %eq3A_2314 = vector.broadcast %eq3A_2313 : i32 to vector<256x2048xi32>
    %eq3A_2315 = arith.cmpi eq, %sub3A_2312, %eq3A_2314 : vector<256x2048xi32>
    %and3A_2316 = arith.andi %and3A_2311, %eq3A_2315 : vector<256x2048xi1>
    %slice3A_2317 = vector.extract_strided_slice %sub3A_7 {offsets = [1536, 0], sizes = [256, 1], strides = [1, 1]} : vector<2048x7xf32> to vector<256x1xf32>
    %broadcast_in_dim3A_2318 = vector.shape_cast %slice3A_2317 : vector<256x1xf32> to vector<256x1xf32>
    %broadcast_in_dim3A_2319 = vector.broadcast %broadcast_in_dim3A_2318 : vector<256x1xf32> to vector<256x2048xf32>
    %select_n3A_2320 = arith.select %and3A_2316, %broadcast_in_dim3A_2319, %broadcast_in_dim3A_2302 : vector<256x2048xi1>, vector<256x2048xf32>
    %sub3A_2321 = arith.subi %select_n3A_2216, %select_n3A_2110 : vector<256x2048xi32>
    %eq3A_2322 = arith.constant 1 : i32
    %eq3A_2323 = vector.broadcast %eq3A_2322 : i32 to vector<256x2048xi32>
    %eq3A_2324 = arith.cmpi eq, %sub3A_2321, %eq3A_2323 : vector<256x2048xi32>
    %sub3A_2325 = arith.subi %select_n3A_2269, %select_n3A_2163 : vector<256x2048xi32>
    %eq3A_2326 = arith.constant 0 : i32
    %eq3A_2327 = vector.broadcast %eq3A_2326 : i32 to vector<256x2048xi32>
    %eq3A_2328 = arith.cmpi eq, %sub3A_2325, %eq3A_2327 : vector<256x2048xi32>
    %and3A_2329 = arith.andi %eq3A_2324, %eq3A_2328 : vector<256x2048xi1>
    %sub3A_2330 = arith.subi %select_n3A_2300, %select_n3A_2194 : vector<256x2048xi32>
    %eq3A_2331 = arith.constant 0 : i32
    %eq3A_2332 = vector.broadcast %eq3A_2331 : i32 to vector<256x2048xi32>
    %eq3A_2333 = arith.cmpi eq, %sub3A_2330, %eq3A_2332 : vector<256x2048xi32>
    %and3A_2334 = arith.andi %and3A_2329, %eq3A_2333 : vector<256x2048xi1>
    %slice3A_2335 = vector.extract_strided_slice %sub3A_7 {offsets = [1536, 1], sizes = [256, 1], strides = [1, 1]} : vector<2048x7xf32> to vector<256x1xf32>
    %broadcast_in_dim3A_2336 = vector.shape_cast %slice3A_2335 : vector<256x1xf32> to vector<256x1xf32>
    %broadcast_in_dim3A_2337 = vector.broadcast %broadcast_in_dim3A_2336 : vector<256x1xf32> to vector<256x2048xf32>
    %select_n3A_2338 = arith.select %and3A_2334, %broadcast_in_dim3A_2337, %select_n3A_2320 : vector<256x2048xi1>, vector<256x2048xf32>
    %sub3A_2339 = arith.subi %select_n3A_2216, %select_n3A_2110 : vector<256x2048xi32>
    %eq3A_2340 = arith.constant -1 : i32
    %eq3A_2341 = vector.broadcast %eq3A_2340 : i32 to vector<256x2048xi32>
    %eq3A_2342 = arith.cmpi eq, %sub3A_2339, %eq3A_2341 : vector<256x2048xi32>
    %sub3A_2343 = arith.subi %select_n3A_2269, %select_n3A_2163 : vector<256x2048xi32>
    %eq3A_2344 = arith.constant 0 : i32
    %eq3A_2345 = vector.broadcast %eq3A_2344 : i32 to vector<256x2048xi32>
    %eq3A_2346 = arith.cmpi eq, %sub3A_2343, %eq3A_2345 : vector<256x2048xi32>
    %and3A_2347 = arith.andi %eq3A_2342, %eq3A_2346 : vector<256x2048xi1>
    %sub3A_2348 = arith.subi %select_n3A_2300, %select_n3A_2194 : vector<256x2048xi32>
    %eq3A_2349 = arith.constant 0 : i32
    %eq3A_2350 = vector.broadcast %eq3A_2349 : i32 to vector<256x2048xi32>
    %eq3A_2351 = arith.cmpi eq, %sub3A_2348, %eq3A_2350 : vector<256x2048xi32>
    %and3A_2352 = arith.andi %and3A_2347, %eq3A_2351 : vector<256x2048xi1>
    %slice3A_2353 = vector.extract_strided_slice %sub3A_7 {offsets = [1536, 2], sizes = [256, 1], strides = [1, 1]} : vector<2048x7xf32> to vector<256x1xf32>
    %broadcast_in_dim3A_2354 = vector.shape_cast %slice3A_2353 : vector<256x1xf32> to vector<256x1xf32>
    %broadcast_in_dim3A_2355 = vector.broadcast %broadcast_in_dim3A_2354 : vector<256x1xf32> to vector<256x2048xf32>
    %select_n3A_2356 = arith.select %and3A_2352, %broadcast_in_dim3A_2355, %select_n3A_2338 : vector<256x2048xi1>, vector<256x2048xf32>
    %sub3A_2357 = arith.subi %select_n3A_2216, %select_n3A_2110 : vector<256x2048xi32>
    %eq3A_2358 = arith.constant 0 : i32
    %eq3A_2359 = vector.broadcast %eq3A_2358 : i32 to vector<256x2048xi32>
    %eq3A_2360 = arith.cmpi eq, %sub3A_2357, %eq3A_2359 : vector<256x2048xi32>
    %sub3A_2361 = arith.subi %select_n3A_2269, %select_n3A_2163 : vector<256x2048xi32>
    %eq3A_2362 = arith.constant 1 : i32
    %eq3A_2363 = vector.broadcast %eq3A_2362 : i32 to vector<256x2048xi32>
    %eq3A_2364 = arith.cmpi eq, %sub3A_2361, %eq3A_2363 : vector<256x2048xi32>
    %and3A_2365 = arith.andi %eq3A_2360, %eq3A_2364 : vector<256x2048xi1>
    %sub3A_2366 = arith.subi %select_n3A_2300, %select_n3A_2194 : vector<256x2048xi32>
    %eq3A_2367 = arith.constant 0 : i32
    %eq3A_2368 = vector.broadcast %eq3A_2367 : i32 to vector<256x2048xi32>
    %eq3A_2369 = arith.cmpi eq, %sub3A_2366, %eq3A_2368 : vector<256x2048xi32>
    %and3A_2370 = arith.andi %and3A_2365, %eq3A_2369 : vector<256x2048xi1>
    %slice3A_2371 = vector.extract_strided_slice %sub3A_7 {offsets = [1536, 3], sizes = [256, 1], strides = [1, 1]} : vector<2048x7xf32> to vector<256x1xf32>
    %broadcast_in_dim3A_2372 = vector.shape_cast %slice3A_2371 : vector<256x1xf32> to vector<256x1xf32>
    %broadcast_in_dim3A_2373 = vector.broadcast %broadcast_in_dim3A_2372 : vector<256x1xf32> to vector<256x2048xf32>
    %select_n3A_2374 = arith.select %and3A_2370, %broadcast_in_dim3A_2373, %select_n3A_2356 : vector<256x2048xi1>, vector<256x2048xf32>
    %sub3A_2375 = arith.subi %select_n3A_2216, %select_n3A_2110 : vector<256x2048xi32>
    %eq3A_2376 = arith.constant 0 : i32
    %eq3A_2377 = vector.broadcast %eq3A_2376 : i32 to vector<256x2048xi32>
    %eq3A_2378 = arith.cmpi eq, %sub3A_2375, %eq3A_2377 : vector<256x2048xi32>
    %sub3A_2379 = arith.subi %select_n3A_2269, %select_n3A_2163 : vector<256x2048xi32>
    %eq3A_2380 = arith.constant -1 : i32
    %eq3A_2381 = vector.broadcast %eq3A_2380 : i32 to vector<256x2048xi32>
    %eq3A_2382 = arith.cmpi eq, %sub3A_2379, %eq3A_2381 : vector<256x2048xi32>
    %and3A_2383 = arith.andi %eq3A_2378, %eq3A_2382 : vector<256x2048xi1>
    %sub3A_2384 = arith.subi %select_n3A_2300, %select_n3A_2194 : vector<256x2048xi32>
    %eq3A_2385 = arith.constant 0 : i32
    %eq3A_2386 = vector.broadcast %eq3A_2385 : i32 to vector<256x2048xi32>
    %eq3A_2387 = arith.cmpi eq, %sub3A_2384, %eq3A_2386 : vector<256x2048xi32>
    %and3A_2388 = arith.andi %and3A_2383, %eq3A_2387 : vector<256x2048xi1>
    %slice3A_2389 = vector.extract_strided_slice %sub3A_7 {offsets = [1536, 4], sizes = [256, 1], strides = [1, 1]} : vector<2048x7xf32> to vector<256x1xf32>
    %broadcast_in_dim3A_2390 = vector.shape_cast %slice3A_2389 : vector<256x1xf32> to vector<256x1xf32>
    %broadcast_in_dim3A_2391 = vector.broadcast %broadcast_in_dim3A_2390 : vector<256x1xf32> to vector<256x2048xf32>
    %select_n3A_2392 = arith.select %and3A_2388, %broadcast_in_dim3A_2391, %select_n3A_2374 : vector<256x2048xi1>, vector<256x2048xf32>
    %sub3A_2393 = arith.subi %select_n3A_2216, %select_n3A_2110 : vector<256x2048xi32>
    %eq3A_2394 = arith.constant 0 : i32
    %eq3A_2395 = vector.broadcast %eq3A_2394 : i32 to vector<256x2048xi32>
    %eq3A_2396 = arith.cmpi eq, %sub3A_2393, %eq3A_2395 : vector<256x2048xi32>
    %sub3A_2397 = arith.subi %select_n3A_2269, %select_n3A_2163 : vector<256x2048xi32>
    %eq3A_2398 = arith.constant 0 : i32
    %eq3A_2399 = vector.broadcast %eq3A_2398 : i32 to vector<256x2048xi32>
    %eq3A_2400 = arith.cmpi eq, %sub3A_2397, %eq3A_2399 : vector<256x2048xi32>
    %and3A_2401 = arith.andi %eq3A_2396, %eq3A_2400 : vector<256x2048xi1>
    %sub3A_2402 = arith.subi %select_n3A_2300, %select_n3A_2194 : vector<256x2048xi32>
    %eq3A_2403 = arith.constant 1 : i32
    %eq3A_2404 = vector.broadcast %eq3A_2403 : i32 to vector<256x2048xi32>
    %eq3A_2405 = arith.cmpi eq, %sub3A_2402, %eq3A_2404 : vector<256x2048xi32>
    %and3A_2406 = arith.andi %and3A_2401, %eq3A_2405 : vector<256x2048xi1>
    %slice3A_2407 = vector.extract_strided_slice %sub3A_7 {offsets = [1536, 5], sizes = [256, 1], strides = [1, 1]} : vector<2048x7xf32> to vector<256x1xf32>
    %broadcast_in_dim3A_2408 = vector.shape_cast %slice3A_2407 : vector<256x1xf32> to vector<256x1xf32>
    %broadcast_in_dim3A_2409 = vector.broadcast %broadcast_in_dim3A_2408 : vector<256x1xf32> to vector<256x2048xf32>
    %select_n3A_2410 = arith.select %and3A_2406, %broadcast_in_dim3A_2409, %select_n3A_2392 : vector<256x2048xi1>, vector<256x2048xf32>
    %sub3A_2411 = arith.subi %select_n3A_2216, %select_n3A_2110 : vector<256x2048xi32>
    %eq3A_2412 = arith.constant 0 : i32
    %eq3A_2413 = vector.broadcast %eq3A_2412 : i32 to vector<256x2048xi32>
    %eq3A_2414 = arith.cmpi eq, %sub3A_2411, %eq3A_2413 : vector<256x2048xi32>
    %sub3A_2415 = arith.subi %select_n3A_2269, %select_n3A_2163 : vector<256x2048xi32>
    %eq3A_2416 = arith.constant 0 : i32
    %eq3A_2417 = vector.broadcast %eq3A_2416 : i32 to vector<256x2048xi32>
    %eq3A_2418 = arith.cmpi eq, %sub3A_2415, %eq3A_2417 : vector<256x2048xi32>
    %and3A_2419 = arith.andi %eq3A_2414, %eq3A_2418 : vector<256x2048xi1>
    %sub3A_2420 = arith.subi %select_n3A_2300, %select_n3A_2194 : vector<256x2048xi32>
    %eq3A_2421 = arith.constant 2 : i32
    %eq3A_2422 = vector.broadcast %eq3A_2421 : i32 to vector<256x2048xi32>
    %eq3A_2423 = arith.cmpi eq, %sub3A_2420, %eq3A_2422 : vector<256x2048xi32>
    %and3A_2424 = arith.andi %and3A_2419, %eq3A_2423 : vector<256x2048xi1>
    %slice3A_2425 = vector.extract_strided_slice %sub3A_7 {offsets = [1536, 6], sizes = [256, 1], strides = [1, 1]} : vector<2048x7xf32> to vector<256x1xf32>
    %broadcast_in_dim3A_2426 = vector.shape_cast %slice3A_2425 : vector<256x1xf32> to vector<256x1xf32>
    %broadcast_in_dim3A_2427 = vector.broadcast %broadcast_in_dim3A_2426 : vector<256x1xf32> to vector<256x2048xf32>
    %select_n3A_2428 = arith.select %and3A_2424, %broadcast_in_dim3A_2427, %select_n3A_2410 : vector<256x2048xi1>, vector<256x2048xf32>
    %swap3A_2429 = arith.constant 1536 : index
    %swap3A_2430 = arith.constant 0 : index
    %swap3A_2431 = vector.load %arg4[%swap3A_2429, %swap3A_2430] : memref<2048x2048xf32, #tpu.memory_space<vmem>>, vector<256x2048xf32>
    tpu.vector_store %arg4[%swap3A_2429, %swap3A_2430], %select_n3A_2428 {strides = array<i32>} : memref<2048x2048xf32, #tpu.memory_space<vmem>>, vector<256x2048xf32>,
    %iota3A_2432 = tpu.iota {dimensions = array<i32: 0>} : vector<256x2048xi32>
    %add3A_2433 = arith.constant 1792 : i32
    %add3A_2434 = vector.broadcast %add3A_2433 : i32 to vector<256x2048xi32>
    %add3A_2435 = arith.addi %add3A_2434, %iota3A_2432 : vector<256x2048xi32>
    %iota3A_2436 = tpu.iota {dimensions = array<i32: 1>} : vector<256x2048xi32>
    %jit3A_2437 = arith.constant 16 : i32
    %eq3A_2438 = arith.constant 0 : i32
    %eq3A_2439 = arith.cmpi eq, %jit3A_2437, %eq3A_2438 : i32
    %jit3A_2440 = arith.constant 1 : i32
    %select_n3A_2441 = arith.select %eq3A_2439, %jit3A_2440, %jit3A_2437 : i32
    %rem3A_2442 = vector.broadcast %select_n3A_2441 : i32 to vector<256x2048xi32>
    %rem3A_2443 = arith.remsi %add3A_2435, %rem3A_2442 : vector<256x2048xi32>
    %ne3A_2444 = arith.constant 0 : i32
    %ne3A_2445 = vector.broadcast %ne3A_2444 : i32 to vector<256x2048xi32>
    %ne3A_2446 = arith.cmpi ne, %rem3A_2443, %ne3A_2445 : vector<256x2048xi32>
    %lt3A_2447 = arith.constant 0 : i32
    %lt3A_2448 = vector.broadcast %lt3A_2447 : i32 to vector<256x2048xi32>
    %lt3A_2449 = arith.cmpi slt, %rem3A_2443, %lt3A_2448 : vector<256x2048xi32>
    %lt3A_2450 = arith.constant 0 : i32
    %lt3A_2451 = arith.cmpi slt, %select_n3A_2441, %lt3A_2450 : i32
    %ne3A_2452 = vector.broadcast %lt3A_2451 : i1 to vector<256x2048xi1>
    %ne3A_2453 = vector.broadcast %ne3A_2452 : vector<256x2048xi1> to vector<256x2048xi1>
    %ne3A_2454 = arith.xori %lt3A_2449, %ne3A_2453 : vector<256x2048xi1>
    %and3A_2455 = arith.andi %ne3A_2454, %ne3A_2446 : vector<256x2048xi1>
    %add3A_2456 = vector.broadcast %select_n3A_2441 : i32 to vector<256x2048xi32>
    %add3A_2457 = arith.addi %rem3A_2443, %add3A_2456 : vector<256x2048xi32>
    %select_n3A_2458 = arith.select %and3A_2455, %add3A_2457, %rem3A_2443 : vector<256x2048xi1>, vector<256x2048xi32>
    %jit3A_2459 = arith.constant 16 : i32
    %div3A_2460 = vector.broadcast %jit3A_2459 : i32 to vector<256x2048xi32>
    %div3A_2461 = arith.divsi %add3A_2435, %div3A_2460 : vector<256x2048xi32>
    %sign3A_2462 = arith.constant 0 : i32
    %sign3A_2463 = vector.broadcast %sign3A_2462 : i32 to vector<256x2048xi32>
    %sign3A_2464 = arith.cmpi sgt, %add3A_2435, %sign3A_2463 : vector<256x2048xi32>
    %sign3A_2465 = arith.extui %sign3A_2464 : vector<256x2048xi1> to vector<256x2048xi32>
    %sign3A_2466 = arith.constant 0 : i32
    %sign3A_2467 = vector.broadcast %sign3A_2466 : i32 to vector<256x2048xi32>
    %sign3A_2468 = arith.cmpi slt, %add3A_2435, %sign3A_2467 : vector<256x2048xi32>
    %sign3A_2469 = arith.extui %sign3A_2468 : vector<256x2048xi1> to vector<256x2048xi32>
    %sign3A_2470 = arith.subi %sign3A_2465, %sign3A_2469 : vector<256x2048xi32>
    %sign3A_2471 = arith.constant 0 : i32
    %sign3A_2472 = arith.cmpi sgt, %jit3A_2459, %sign3A_2471 : i32
    %sign3A_2473 = arith.extui %sign3A_2472 : i1 to i32
    %sign3A_2474 = arith.constant 0 : i32
    %sign3A_2475 = arith.cmpi slt, %jit3A_2459, %sign3A_2474 : i32
    %sign3A_2476 = arith.extui %sign3A_2475 : i1 to i32
    %sign3A_2477 = arith.subi %sign3A_2473, %sign3A_2476 : i32
    %ne3A_2478 = vector.broadcast %sign3A_2477 : i32 to vector<256x2048xi32>
    %ne3A_2479 = arith.cmpi ne, %sign3A_2470, %ne3A_2478 : vector<256x2048xi32>
    %rem3A_2480 = vector.broadcast %jit3A_2459 : i32 to vector<256x2048xi32>
    %rem3A_2481 = arith.remsi %add3A_2435, %rem3A_2480 : vector<256x2048xi32>
    %ne3A_2482 = arith.constant 0 : i32
    %ne3A_2483 = vector.broadcast %ne3A_2482 : i32 to vector<256x2048xi32>
    %ne3A_2484 = arith.cmpi ne, %rem3A_2481, %ne3A_2483 : vector<256x2048xi32>
    %and3A_2485 = arith.andi %ne3A_2479, %ne3A_2484 : vector<256x2048xi1>
    %sub3A_2486 = arith.constant 1 : i32
    %sub3A_2487 = vector.broadcast %sub3A_2486 : i32 to vector<256x2048xi32>
    %sub3A_2488 = arith.subi %div3A_2461, %sub3A_2487 : vector<256x2048xi32>
    %select_n3A_2489 = arith.select %and3A_2485, %sub3A_2488, %div3A_2461 : vector<256x2048xi1>, vector<256x2048xi32>
    %jit3A_2490 = arith.constant 16 : i32
    %eq3A_2491 = arith.constant 0 : i32
    %eq3A_2492 = arith.cmpi eq, %jit3A_2490, %eq3A_2491 : i32
    %jit3A_2493 = arith.constant 1 : i32
    %select_n3A_2494 = arith.select %eq3A_2492, %jit3A_2493, %jit3A_2490 : i32
    %rem3A_2495 = vector.broadcast %select_n3A_2494 : i32 to vector<256x2048xi32>
    %rem3A_2496 = arith.remsi %select_n3A_2489, %rem3A_2495 : vector<256x2048xi32>
    %ne3A_2497 = arith.constant 0 : i32
    %ne3A_2498 = vector.broadcast %ne3A_2497 : i32 to vector<256x2048xi32>
    %ne3A_2499 = arith.cmpi ne, %rem3A_2496, %ne3A_2498 : vector<256x2048xi32>
    %lt3A_2500 = arith.constant 0 : i32
    %lt3A_2501 = vector.broadcast %lt3A_2500 : i32 to vector<256x2048xi32>
    %lt3A_2502 = arith.cmpi slt, %rem3A_2496, %lt3A_2501 : vector<256x2048xi32>
    %lt3A_2503 = arith.constant 0 : i32
    %lt3A_2504 = arith.cmpi slt, %select_n3A_2494, %lt3A_2503 : i32
    %ne3A_2505 = vector.broadcast %lt3A_2504 : i1 to vector<256x2048xi1>
    %ne3A_2506 = vector.broadcast %ne3A_2505 : vector<256x2048xi1> to vector<256x2048xi1>
    %ne3A_2507 = arith.xori %lt3A_2502, %ne3A_2506 : vector<256x2048xi1>
    %and3A_2508 = arith.andi %ne3A_2507, %ne3A_2499 : vector<256x2048xi1>
    %add3A_2509 = vector.broadcast %select_n3A_2494 : i32 to vector<256x2048xi32>
    %add3A_2510 = arith.addi %rem3A_2496, %add3A_2509 : vector<256x2048xi32>
    %select_n3A_2511 = arith.select %and3A_2508, %add3A_2510, %rem3A_2496 : vector<256x2048xi1>, vector<256x2048xi32>
    %jit3A_2512 = arith.constant 256 : i32
    %div3A_2513 = vector.broadcast %jit3A_2512 : i32 to vector<256x2048xi32>
    %div3A_2514 = arith.divsi %add3A_2435, %div3A_2513 : vector<256x2048xi32>
    %sign3A_2515 = arith.constant 0 : i32
    %sign3A_2516 = vector.broadcast %sign3A_2515 : i32 to vector<256x2048xi32>
    %sign3A_2517 = arith.cmpi sgt, %add3A_2435, %sign3A_2516 : vector<256x2048xi32>
    %sign3A_2518 = arith.extui %sign3A_2517 : vector<256x2048xi1> to vector<256x2048xi32>
    %sign3A_2519 = arith.constant 0 : i32
    %sign3A_2520 = vector.broadcast %sign3A_2519 : i32 to vector<256x2048xi32>
    %sign3A_2521 = arith.cmpi slt, %add3A_2435, %sign3A_2520 : vector<256x2048xi32>
    %sign3A_2522 = arith.extui %sign3A_2521 : vector<256x2048xi1> to vector<256x2048xi32>
    %sign3A_2523 = arith.subi %sign3A_2518, %sign3A_2522 : vector<256x2048xi32>
    %sign3A_2524 = arith.constant 0 : i32
    %sign3A_2525 = arith.cmpi sgt, %jit3A_2512, %sign3A_2524 : i32
    %sign3A_2526 = arith.extui %sign3A_2525 : i1 to i32
    %sign3A_2527 = arith.constant 0 : i32
    %sign3A_2528 = arith.cmpi slt, %jit3A_2512, %sign3A_2527 : i32
    %sign3A_2529 = arith.extui %sign3A_2528 : i1 to i32
    %sign3A_2530 = arith.subi %sign3A_2526, %sign3A_2529 : i32
    %ne3A_2531 = vector.broadcast %sign3A_2530 : i32 to vector<256x2048xi32>
    %ne3A_2532 = arith.cmpi ne, %sign3A_2523, %ne3A_2531 : vector<256x2048xi32>
    %rem3A_2533 = vector.broadcast %jit3A_2512 : i32 to vector<256x2048xi32>
    %rem3A_2534 = arith.remsi %add3A_2435, %rem3A_2533 : vector<256x2048xi32>
    %ne3A_2535 = arith.constant 0 : i32
    %ne3A_2536 = vector.broadcast %ne3A_2535 : i32 to vector<256x2048xi32>
    %ne3A_2537 = arith.cmpi ne, %rem3A_2534, %ne3A_2536 : vector<256x2048xi32>
    %and3A_2538 = arith.andi %ne3A_2532, %ne3A_2537 : vector<256x2048xi1>
    %sub3A_2539 = arith.constant 1 : i32
    %sub3A_2540 = vector.broadcast %sub3A_2539 : i32 to vector<256x2048xi32>
    %sub3A_2541 = arith.subi %div3A_2514, %sub3A_2540 : vector<256x2048xi32>
    %select_n3A_2542 = arith.select %and3A_2538, %sub3A_2541, %div3A_2514 : vector<256x2048xi1>, vector<256x2048xi32>
    %jit3A_2543 = arith.constant 16 : i32
    %eq3A_2544 = arith.constant 0 : i32
    %eq3A_2545 = arith.cmpi eq, %jit3A_2543, %eq3A_2544 : i32
    %jit3A_2546 = arith.constant 1 : i32
    %select_n3A_2547 = arith.select %eq3A_2545, %jit3A_2546, %jit3A_2543 : i32
    %rem3A_2548 = vector.broadcast %select_n3A_2547 : i32 to vector<256x2048xi32>
    %rem3A_2549 = arith.remsi %iota3A_2436, %rem3A_2548 : vector<256x2048xi32>
    %ne3A_2550 = arith.constant 0 : i32
    %ne3A_2551 = vector.broadcast %ne3A_2550 : i32 to vector<256x2048xi32>
    %ne3A_2552 = arith.cmpi ne, %rem3A_2549, %ne3A_2551 : vector<256x2048xi32>
    %lt3A_2553 = arith.constant 0 : i32
    %lt3A_2554 = vector.broadcast %lt3A_2553 : i32 to vector<256x2048xi32>
    %lt3A_2555 = arith.cmpi slt, %rem3A_2549, %lt3A_2554 : vector<256x2048xi32>
    %lt3A_2556 = arith.constant 0 : i32
    %lt3A_2557 = arith.cmpi slt, %select_n3A_2547, %lt3A_2556 : i32
    %ne3A_2558 = vector.broadcast %lt3A_2557 : i1 to vector<256x2048xi1>
    %ne3A_2559 = vector.broadcast %ne3A_2558 : vector<256x2048xi1> to vector<256x2048xi1>
    %ne3A_2560 = arith.xori %lt3A_2555, %ne3A_2559 : vector<256x2048xi1>
    %and3A_2561 = arith.andi %ne3A_2560, %ne3A_2552 : vector<256x2048xi1>
    %add3A_2562 = vector.broadcast %select_n3A_2547 : i32 to vector<256x2048xi32>
    %add3A_2563 = arith.addi %rem3A_2549, %add3A_2562 : vector<256x2048xi32>
    %select_n3A_2564 = arith.select %and3A_2561, %add3A_2563, %rem3A_2549 : vector<256x2048xi1>, vector<256x2048xi32>
    %jit3A_2565 = arith.constant 16 : i32
    %div3A_2566 = vector.broadcast %jit3A_2565 : i32 to vector<256x2048xi32>
    %div3A_2567 = arith.divsi %iota3A_2436, %div3A_2566 : vector<256x2048xi32>
    %sign3A_2568 = arith.constant 0 : i32
    %sign3A_2569 = vector.broadcast %sign3A_2568 : i32 to vector<256x2048xi32>
    %sign3A_2570 = arith.cmpi sgt, %iota3A_2436, %sign3A_2569 : vector<256x2048xi32>
    %sign3A_2571 = arith.extui %sign3A_2570 : vector<256x2048xi1> to vector<256x2048xi32>
    %sign3A_2572 = arith.constant 0 : i32
    %sign3A_2573 = vector.broadcast %sign3A_2572 : i32 to vector<256x2048xi32>
    %sign3A_2574 = arith.cmpi slt, %iota3A_2436, %sign3A_2573 : vector<256x2048xi32>
    %sign3A_2575 = arith.extui %sign3A_2574 : vector<256x2048xi1> to vector<256x2048xi32>
    %sign3A_2576 = arith.subi %sign3A_2571, %sign3A_2575 : vector<256x2048xi32>
    %sign3A_2577 = arith.constant 0 : i32
    %sign3A_2578 = arith.cmpi sgt, %jit3A_2565, %sign3A_2577 : i32
    %sign3A_2579 = arith.extui %sign3A_2578 : i1 to i32
    %sign3A_2580 = arith.constant 0 : i32
    %sign3A_2581 = arith.cmpi slt, %jit3A_2565, %sign3A_2580 : i32
    %sign3A_2582 = arith.extui %sign3A_2581 : i1 to i32
    %sign3A_2583 = arith.subi %sign3A_2579, %sign3A_2582 : i32
    %ne3A_2584 = vector.broadcast %sign3A_2583 : i32 to vector<256x2048xi32>
    %ne3A_2585 = arith.cmpi ne, %sign3A_2576, %ne3A_2584 : vector<256x2048xi32>
    %rem3A_2586 = vector.broadcast %jit3A_2565 : i32 to vector<256x2048xi32>
    %rem3A_2587 = arith.remsi %iota3A_2436, %rem3A_2586 : vector<256x2048xi32>
    %ne3A_2588 = arith.constant 0 : i32
    %ne3A_2589 = vector.broadcast %ne3A_2588 : i32 to vector<256x2048xi32>
    %ne3A_2590 = arith.cmpi ne, %rem3A_2587, %ne3A_2589 : vector<256x2048xi32>
    %and3A_2591 = arith.andi %ne3A_2585, %ne3A_2590 : vector<256x2048xi1>
    %sub3A_2592 = arith.constant 1 : i32
    %sub3A_2593 = vector.broadcast %sub3A_2592 : i32 to vector<256x2048xi32>
    %sub3A_2594 = arith.subi %div3A_2567, %sub3A_2593 : vector<256x2048xi32>
    %select_n3A_2595 = arith.select %and3A_2591, %sub3A_2594, %div3A_2567 : vector<256x2048xi1>, vector<256x2048xi32>
    %jit3A_2596 = arith.constant 16 : i32
    %eq3A_2597 = arith.constant 0 : i32
    %eq3A_2598 = arith.cmpi eq, %jit3A_2596, %eq3A_2597 : i32
    %jit3A_2599 = arith.constant 1 : i32
    %select_n3A_2600 = arith.select %eq3A_2598, %jit3A_2599, %jit3A_2596 : i32
    %rem3A_2601 = vector.broadcast %select_n3A_2600 : i32 to vector<256x2048xi32>
    %rem3A_2602 = arith.remsi %select_n3A_2595, %rem3A_2601 : vector<256x2048xi32>
    %ne3A_2603 = arith.constant 0 : i32
    %ne3A_2604 = vector.broadcast %ne3A_2603 : i32 to vector<256x2048xi32>
    %ne3A_2605 = arith.cmpi ne, %rem3A_2602, %ne3A_2604 : vector<256x2048xi32>
    %lt3A_2606 = arith.constant 0 : i32
    %lt3A_2607 = vector.broadcast %lt3A_2606 : i32 to vector<256x2048xi32>
    %lt3A_2608 = arith.cmpi slt, %rem3A_2602, %lt3A_2607 : vector<256x2048xi32>
    %lt3A_2609 = arith.constant 0 : i32
    %lt3A_2610 = arith.cmpi slt, %select_n3A_2600, %lt3A_2609 : i32
    %ne3A_2611 = vector.broadcast %lt3A_2610 : i1 to vector<256x2048xi1>
    %ne3A_2612 = vector.broadcast %ne3A_2611 : vector<256x2048xi1> to vector<256x2048xi1>
    %ne3A_2613 = arith.xori %lt3A_2608, %ne3A_2612 : vector<256x2048xi1>
    %and3A_2614 = arith.andi %ne3A_2613, %ne3A_2605 : vector<256x2048xi1>
    %add3A_2615 = vector.broadcast %select_n3A_2600 : i32 to vector<256x2048xi32>
    %add3A_2616 = arith.addi %rem3A_2602, %add3A_2615 : vector<256x2048xi32>
    %select_n3A_2617 = arith.select %and3A_2614, %add3A_2616, %rem3A_2602 : vector<256x2048xi1>, vector<256x2048xi32>
    %jit3A_2618 = arith.constant 256 : i32
    %div3A_2619 = vector.broadcast %jit3A_2618 : i32 to vector<256x2048xi32>
    %div3A_2620 = arith.divsi %iota3A_2436, %div3A_2619 : vector<256x2048xi32>
    %sign3A_2621 = arith.constant 0 : i32
    %sign3A_2622 = vector.broadcast %sign3A_2621 : i32 to vector<256x2048xi32>
    %sign3A_2623 = arith.cmpi sgt, %iota3A_2436, %sign3A_2622 : vector<256x2048xi32>
    %sign3A_2624 = arith.extui %sign3A_2623 : vector<256x2048xi1> to vector<256x2048xi32>
    %sign3A_2625 = arith.constant 0 : i32
    %sign3A_2626 = vector.broadcast %sign3A_2625 : i32 to vector<256x2048xi32>
    %sign3A_2627 = arith.cmpi slt, %iota3A_2436, %sign3A_2626 : vector<256x2048xi32>
    %sign3A_2628 = arith.extui %sign3A_2627 : vector<256x2048xi1> to vector<256x2048xi32>
    %sign3A_2629 = arith.subi %sign3A_2624, %sign3A_2628 : vector<256x2048xi32>
    %sign3A_2630 = arith.constant 0 : i32
    %sign3A_2631 = arith.cmpi sgt, %jit3A_2618, %sign3A_2630 : i32
    %sign3A_2632 = arith.extui %sign3A_2631 : i1 to i32
    %sign3A_2633 = arith.constant 0 : i32
    %sign3A_2634 = arith.cmpi slt, %jit3A_2618, %sign3A_2633 : i32
    %sign3A_2635 = arith.extui %sign3A_2634 : i1 to i32
    %sign3A_2636 = arith.subi %sign3A_2632, %sign3A_2635 : i32
    %ne3A_2637 = vector.broadcast %sign3A_2636 : i32 to vector<256x2048xi32>
    %ne3A_2638 = arith.cmpi ne, %sign3A_2629, %ne3A_2637 : vector<256x2048xi32>
    %rem3A_2639 = vector.broadcast %jit3A_2618 : i32 to vector<256x2048xi32>
    %rem3A_2640 = arith.remsi %iota3A_2436, %rem3A_2639 : vector<256x2048xi32>
    %ne3A_2641 = arith.constant 0 : i32
    %ne3A_2642 = vector.broadcast %ne3A_2641 : i32 to vector<256x2048xi32>
    %ne3A_2643 = arith.cmpi ne, %rem3A_2640, %ne3A_2642 : vector<256x2048xi32>
    %and3A_2644 = arith.andi %ne3A_2638, %ne3A_2643 : vector<256x2048xi1>
    %sub3A_2645 = arith.constant 1 : i32
    %sub3A_2646 = vector.broadcast %sub3A_2645 : i32 to vector<256x2048xi32>
    %sub3A_2647 = arith.subi %div3A_2620, %sub3A_2646 : vector<256x2048xi32>
    %select_n3A_2648 = arith.select %and3A_2644, %sub3A_2647, %div3A_2620 : vector<256x2048xi1>, vector<256x2048xi32>
    %broadcast_in_dim3A_2649 = arith.constant 0xFF800000 : f32
    %broadcast_in_dim3A_2650 = vector.broadcast %broadcast_in_dim3A_2649 : f32 to vector<256x2048xf32>
    %sub3A_2651 = arith.subi %select_n3A_2564, %select_n3A_2458 : vector<256x2048xi32>
    %eq3A_2652 = arith.constant 0 : i32
    %eq3A_2653 = vector.broadcast %eq3A_2652 : i32 to vector<256x2048xi32>
    %eq3A_2654 = arith.cmpi eq, %sub3A_2651, %eq3A_2653 : vector<256x2048xi32>
    %sub3A_2655 = arith.subi %select_n3A_2617, %select_n3A_2511 : vector<256x2048xi32>
    %eq3A_2656 = arith.constant 0 : i32
    %eq3A_2657 = vector.broadcast %eq3A_2656 : i32 to vector<256x2048xi32>
    %eq3A_2658 = arith.cmpi eq, %sub3A_2655, %eq3A_2657 : vector<256x2048xi32>
    %and3A_2659 = arith.andi %eq3A_2654, %eq3A_2658 : vector<256x2048xi1>
    %sub3A_2660 = arith.subi %select_n3A_2648, %select_n3A_2542 : vector<256x2048xi32>
    %eq3A_2661 = arith.constant 0 : i32
    %eq3A_2662 = vector.broadcast %eq3A_2661 : i32 to vector<256x2048xi32>
    %eq3A_2663 = arith.cmpi eq, %sub3A_2660, %eq3A_2662 : vector<256x2048xi32>
    %and3A_2664 = arith.andi %and3A_2659, %eq3A_2663 : vector<256x2048xi1>
    %slice3A_2665 = vector.extract_strided_slice %sub3A_7 {offsets = [1792, 0], sizes = [256, 1], strides = [1, 1]} : vector<2048x7xf32> to vector<256x1xf32>
    %broadcast_in_dim3A_2666 = vector.shape_cast %slice3A_2665 : vector<256x1xf32> to vector<256x1xf32>
    %broadcast_in_dim3A_2667 = vector.broadcast %broadcast_in_dim3A_2666 : vector<256x1xf32> to vector<256x2048xf32>
    %select_n3A_2668 = arith.select %and3A_2664, %broadcast_in_dim3A_2667, %broadcast_in_dim3A_2650 : vector<256x2048xi1>, vector<256x2048xf32>
    %sub3A_2669 = arith.subi %select_n3A_2564, %select_n3A_2458 : vector<256x2048xi32>
    %eq3A_2670 = arith.constant 1 : i32
    %eq3A_2671 = vector.broadcast %eq3A_2670 : i32 to vector<256x2048xi32>
    %eq3A_2672 = arith.cmpi eq, %sub3A_2669, %eq3A_2671 : vector<256x2048xi32>
    %sub3A_2673 = arith.subi %select_n3A_2617, %select_n3A_2511 : vector<256x2048xi32>
    %eq3A_2674 = arith.constant 0 : i32
    %eq3A_2675 = vector.broadcast %eq3A_2674 : i32 to vector<256x2048xi32>
    %eq3A_2676 = arith.cmpi eq, %sub3A_2673, %eq3A_2675 : vector<256x2048xi32>
    %and3A_2677 = arith.andi %eq3A_2672, %eq3A_2676 : vector<256x2048xi1>
    %sub3A_2678 = arith.subi %select_n3A_2648, %select_n3A_2542 : vector<256x2048xi32>
    %eq3A_2679 = arith.constant 0 : i32
    %eq3A_2680 = vector.broadcast %eq3A_2679 : i32 to vector<256x2048xi32>
    %eq3A_2681 = arith.cmpi eq, %sub3A_2678, %eq3A_2680 : vector<256x2048xi32>
    %and3A_2682 = arith.andi %and3A_2677, %eq3A_2681 : vector<256x2048xi1>
    %slice3A_2683 = vector.extract_strided_slice %sub3A_7 {offsets = [1792, 1], sizes = [256, 1], strides = [1, 1]} : vector<2048x7xf32> to vector<256x1xf32>
    %broadcast_in_dim3A_2684 = vector.shape_cast %slice3A_2683 : vector<256x1xf32> to vector<256x1xf32>
    %broadcast_in_dim3A_2685 = vector.broadcast %broadcast_in_dim3A_2684 : vector<256x1xf32> to vector<256x2048xf32>
    %select_n3A_2686 = arith.select %and3A_2682, %broadcast_in_dim3A_2685, %select_n3A_2668 : vector<256x2048xi1>, vector<256x2048xf32>
    %sub3A_2687 = arith.subi %select_n3A_2564, %select_n3A_2458 : vector<256x2048xi32>
    %eq3A_2688 = arith.constant -1 : i32
    %eq3A_2689 = vector.broadcast %eq3A_2688 : i32 to vector<256x2048xi32>
    %eq3A_2690 = arith.cmpi eq, %sub3A_2687, %eq3A_2689 : vector<256x2048xi32>
    %sub3A_2691 = arith.subi %select_n3A_2617, %select_n3A_2511 : vector<256x2048xi32>
    %eq3A_2692 = arith.constant 0 : i32
    %eq3A_2693 = vector.broadcast %eq3A_2692 : i32 to vector<256x2048xi32>
    %eq3A_2694 = arith.cmpi eq, %sub3A_2691, %eq3A_2693 : vector<256x2048xi32>
    %and3A_2695 = arith.andi %eq3A_2690, %eq3A_2694 : vector<256x2048xi1>
    %sub3A_2696 = arith.subi %select_n3A_2648, %select_n3A_2542 : vector<256x2048xi32>
    %eq3A_2697 = arith.constant 0 : i32
    %eq3A_2698 = vector.broadcast %eq3A_2697 : i32 to vector<256x2048xi32>
    %eq3A_2699 = arith.cmpi eq, %sub3A_2696, %eq3A_2698 : vector<256x2048xi32>
    %and3A_2700 = arith.andi %and3A_2695, %eq3A_2699 : vector<256x2048xi1>
    %slice3A_2701 = vector.extract_strided_slice %sub3A_7 {offsets = [1792, 2], sizes = [256, 1], strides = [1, 1]} : vector<2048x7xf32> to vector<256x1xf32>
    %broadcast_in_dim3A_2702 = vector.shape_cast %slice3A_2701 : vector<256x1xf32> to vector<256x1xf32>
    %broadcast_in_dim3A_2703 = vector.broadcast %broadcast_in_dim3A_2702 : vector<256x1xf32> to vector<256x2048xf32>
    %select_n3A_2704 = arith.select %and3A_2700, %broadcast_in_dim3A_2703, %select_n3A_2686 : vector<256x2048xi1>, vector<256x2048xf32>
    %sub3A_2705 = arith.subi %select_n3A_2564, %select_n3A_2458 : vector<256x2048xi32>
    %eq3A_2706 = arith.constant 0 : i32
    %eq3A_2707 = vector.broadcast %eq3A_2706 : i32 to vector<256x2048xi32>
    %eq3A_2708 = arith.cmpi eq, %sub3A_2705, %eq3A_2707 : vector<256x2048xi32>
    %sub3A_2709 = arith.subi %select_n3A_2617, %select_n3A_2511 : vector<256x2048xi32>
    %eq3A_2710 = arith.constant 1 : i32
    %eq3A_2711 = vector.broadcast %eq3A_2710 : i32 to vector<256x2048xi32>
    %eq3A_2712 = arith.cmpi eq, %sub3A_2709, %eq3A_2711 : vector<256x2048xi32>
    %and3A_2713 = arith.andi %eq3A_2708, %eq3A_2712 : vector<256x2048xi1>
    %sub3A_2714 = arith.subi %select_n3A_2648, %select_n3A_2542 : vector<256x2048xi32>
    %eq3A_2715 = arith.constant 0 : i32
    %eq3A_2716 = vector.broadcast %eq3A_2715 : i32 to vector<256x2048xi32>
    %eq3A_2717 = arith.cmpi eq, %sub3A_2714, %eq3A_2716 : vector<256x2048xi32>
    %and3A_2718 = arith.andi %and3A_2713, %eq3A_2717 : vector<256x2048xi1>
    %slice3A_2719 = vector.extract_strided_slice %sub3A_7 {offsets = [1792, 3], sizes = [256, 1], strides = [1, 1]} : vector<2048x7xf32> to vector<256x1xf32>
    %broadcast_in_dim3A_2720 = vector.shape_cast %slice3A_2719 : vector<256x1xf32> to vector<256x1xf32>
    %broadcast_in_dim3A_2721 = vector.broadcast %broadcast_in_dim3A_2720 : vector<256x1xf32> to vector<256x2048xf32>
    %select_n3A_2722 = arith.select %and3A_2718, %broadcast_in_dim3A_2721, %select_n3A_2704 : vector<256x2048xi1>, vector<256x2048xf32>
    %sub3A_2723 = arith.subi %select_n3A_2564, %select_n3A_2458 : vector<256x2048xi32>
    %eq3A_2724 = arith.constant 0 : i32
    %eq3A_2725 = vector.broadcast %eq3A_2724 : i32 to vector<256x2048xi32>
    %eq3A_2726 = arith.cmpi eq, %sub3A_2723, %eq3A_2725 : vector<256x2048xi32>
    %sub3A_2727 = arith.subi %select_n3A_2617, %select_n3A_2511 : vector<256x2048xi32>
    %eq3A_2728 = arith.constant -1 : i32
    %eq3A_2729 = vector.broadcast %eq3A_2728 : i32 to vector<256x2048xi32>
    %eq3A_2730 = arith.cmpi eq, %sub3A_2727, %eq3A_2729 : vector<256x2048xi32>
    %and3A_2731 = arith.andi %eq3A_2726, %eq3A_2730 : vector<256x2048xi1>
    %sub3A_2732 = arith.subi %select_n3A_2648, %select_n3A_2542 : vector<256x2048xi32>
    %eq3A_2733 = arith.constant 0 : i32
    %eq3A_2734 = vector.broadcast %eq3A_2733 : i32 to vector<256x2048xi32>
    %eq3A_2735 = arith.cmpi eq, %sub3A_2732, %eq3A_2734 : vector<256x2048xi32>
    %and3A_2736 = arith.andi %and3A_2731, %eq3A_2735 : vector<256x2048xi1>
    %slice3A_2737 = vector.extract_strided_slice %sub3A_7 {offsets = [1792, 4], sizes = [256, 1], strides = [1, 1]} : vector<2048x7xf32> to vector<256x1xf32>
    %broadcast_in_dim3A_2738 = vector.shape_cast %slice3A_2737 : vector<256x1xf32> to vector<256x1xf32>
    %broadcast_in_dim3A_2739 = vector.broadcast %broadcast_in_dim3A_2738 : vector<256x1xf32> to vector<256x2048xf32>
    %select_n3A_2740 = arith.select %and3A_2736, %broadcast_in_dim3A_2739, %select_n3A_2722 : vector<256x2048xi1>, vector<256x2048xf32>
    %sub3A_2741 = arith.subi %select_n3A_2564, %select_n3A_2458 : vector<256x2048xi32>
    %eq3A_2742 = arith.constant 0 : i32
    %eq3A_2743 = vector.broadcast %eq3A_2742 : i32 to vector<256x2048xi32>
    %eq3A_2744 = arith.cmpi eq, %sub3A_2741, %eq3A_2743 : vector<256x2048xi32>
    %sub3A_2745 = arith.subi %select_n3A_2617, %select_n3A_2511 : vector<256x2048xi32>
    %eq3A_2746 = arith.constant 0 : i32
    %eq3A_2747 = vector.broadcast %eq3A_2746 : i32 to vector<256x2048xi32>
    %eq3A_2748 = arith.cmpi eq, %sub3A_2745, %eq3A_2747 : vector<256x2048xi32>
    %and3A_2749 = arith.andi %eq3A_2744, %eq3A_2748 : vector<256x2048xi1>
    %sub3A_2750 = arith.subi %select_n3A_2648, %select_n3A_2542 : vector<256x2048xi32>
    %eq3A_2751 = arith.constant 1 : i32
    %eq3A_2752 = vector.broadcast %eq3A_2751 : i32 to vector<256x2048xi32>
    %eq3A_2753 = arith.cmpi eq, %sub3A_2750, %eq3A_2752 : vector<256x2048xi32>
    %and3A_2754 = arith.andi %and3A_2749, %eq3A_2753 : vector<256x2048xi1>
    %slice3A_2755 = vector.extract_strided_slice %sub3A_7 {offsets = [1792, 5], sizes = [256, 1], strides = [1, 1]} : vector<2048x7xf32> to vector<256x1xf32>
    %broadcast_in_dim3A_2756 = vector.shape_cast %slice3A_2755 : vector<256x1xf32> to vector<256x1xf32>
    %broadcast_in_dim3A_2757 = vector.broadcast %broadcast_in_dim3A_2756 : vector<256x1xf32> to vector<256x2048xf32>
    %select_n3A_2758 = arith.select %and3A_2754, %broadcast_in_dim3A_2757, %select_n3A_2740 : vector<256x2048xi1>, vector<256x2048xf32>
    %sub3A_2759 = arith.subi %select_n3A_2564, %select_n3A_2458 : vector<256x2048xi32>
    %eq3A_2760 = arith.constant 0 : i32
    %eq3A_2761 = vector.broadcast %eq3A_2760 : i32 to vector<256x2048xi32>
    %eq3A_2762 = arith.cmpi eq, %sub3A_2759, %eq3A_2761 : vector<256x2048xi32>
    %sub3A_2763 = arith.subi %select_n3A_2617, %select_n3A_2511 : vector<256x2048xi32>
    %eq3A_2764 = arith.constant 0 : i32
    %eq3A_2765 = vector.broadcast %eq3A_2764 : i32 to vector<256x2048xi32>
    %eq3A_2766 = arith.cmpi eq, %sub3A_2763, %eq3A_2765 : vector<256x2048xi32>
    %and3A_2767 = arith.andi %eq3A_2762, %eq3A_2766 : vector<256x2048xi1>
    %sub3A_2768 = arith.subi %select_n3A_2648, %select_n3A_2542 : vector<256x2048xi32>
    %eq3A_2769 = arith.constant 2 : i32
    %eq3A_2770 = vector.broadcast %eq3A_2769 : i32 to vector<256x2048xi32>
    %eq3A_2771 = arith.cmpi eq, %sub3A_2768, %eq3A_2770 : vector<256x2048xi32>
    %and3A_2772 = arith.andi %and3A_2767, %eq3A_2771 : vector<256x2048xi1>
    %slice3A_2773 = vector.extract_strided_slice %sub3A_7 {offsets = [1792, 6], sizes = [256, 1], strides = [1, 1]} : vector<2048x7xf32> to vector<256x1xf32>
    %broadcast_in_dim3A_2774 = vector.shape_cast %slice3A_2773 : vector<256x1xf32> to vector<256x1xf32>
    %broadcast_in_dim3A_2775 = vector.broadcast %broadcast_in_dim3A_2774 : vector<256x1xf32> to vector<256x2048xf32>
    %select_n3A_2776 = arith.select %and3A_2772, %broadcast_in_dim3A_2775, %select_n3A_2758 : vector<256x2048xi1>, vector<256x2048xf32>
    %swap3A_2777 = arith.constant 1792 : index
    %swap3A_2778 = arith.constant 0 : index
    %swap3A_2779 = vector.load %arg4[%swap3A_2777, %swap3A_2778] : memref<2048x2048xf32, #tpu.memory_space<vmem>>, vector<256x2048xf32>
    tpu.vector_store %arg4[%swap3A_2777, %swap3A_2778], %select_n3A_2776 {strides = array<i32>} : memref<2048x2048xf32, #tpu.memory_space<vmem>>, vector<256x2048xf32>,
    %get3A_2780 = arith.constant 0 : index
    %get3A_2781 = arith.constant 0 : index
    %get3A_2782 = vector.load %arg2[%get3A_2780, %get3A_2781] : memref<1x2048xf32, #tpu.memory_space<vmem>>, vector<1x2048xf32>
    %reduce_max3A_2783 = arith.constant dense<0xFF800000> : vector<1xf32>
    %reduce_max3A_2784 = vector.multi_reduction <maximumf>, %get3A_2782, %reduce_max3A_2783 [1] : vector<1x2048xf32> to vector<1xf32>
    %broadcast_in_dim3A_2785 = vector.shape_cast %reduce_max3A_2784 : vector<1xf32> to vector<1x1xf32>
    %sub3A_2786 = vector.broadcast %broadcast_in_dim3A_2785 : vector<1x1xf32> to vector<1x2048xf32>
    %sub3A_2787 = arith.subf %get3A_2782, %sub3A_2786 : vector<1x2048xf32>
    %exp3A_2788 = math.exp %sub3A_2787 : vector<1x2048xf32>
    %reduce_sum3A_2789 = arith.constant dense<0.000000e+00> : vector<1xf32>
    %reduce_sum3A_2790 = vector.multi_reduction <add>, %exp3A_2788, %reduce_sum3A_2789 [1] : vector<1x2048xf32> to vector<1xf32>
    %broadcast_in_dim3A_2791 = vector.shape_cast %reduce_sum3A_2790 : vector<1xf32> to vector<1x1xf32>
    %log3A_2792 = math.log %broadcast_in_dim3A_2791 : vector<1x1xf32>
    %add3A_2793 = arith.addf %log3A_2792, %broadcast_in_dim3A_2785 : vector<1x1xf32>
    %get3A_2794 = arith.constant 0 : index
    %get3A_2795 = arith.constant 0 : index
    %get3A_2796 = vector.load %arg0[%get3A_2794, %get3A_2795] : memref<512x2048xf32, #tpu.memory_space<vmem>>, vector<64x2048xf32>
    %sub3A_2797 = vector.broadcast %add3A_2793 : vector<1x1xf32> to vector<1x2048xf32>
    %sub3A_2798 = arith.subf %get3A_2782, %sub3A_2797 : vector<1x2048xf32>
    %add3A_2799 = vector.broadcast %sub3A_2798 : vector<1x2048xf32> to vector<64x2048xf32>
    %add3A_2800 = arith.addf %get3A_2796, %add3A_2799 : vector<64x2048xf32>
    %broadcast_in_dim3A_2801 = arith.constant 0.000000e+00 : f32
    %broadcast_in_dim3A_2802 = vector.broadcast %broadcast_in_dim3A_2801 : f32 to vector<64x2048xf32>
    %slice3A_2803 = vector.extract_strided_slice %add3A_2800 {offsets = [0, 0], sizes = [64, 256], strides = [1, 1]} : vector<64x2048xf32> to vector<64x256xf32>
    %get3A_2804 = arith.constant 0 : index
    %get3A_2805 = arith.constant 0 : index
    %get3A_2806 = vector.load %arg4[%get3A_2804, %get3A_2805] : memref<2048x2048xf32, #tpu.memory_space<vmem>>, vector<256x2048xf32>
    %dot_general3A = arith.constant dense<0.000000e+00> : vector<64x2048xf32>
    %dot_general3A_2807 = tpu.matmul %slice3A_2803, %get3A_2806, %dot_general3A {dimension_numbers = #tpu.dot_dimension_numbers<[1], [0], [0], [1], [0, 0, 1, 1], [], []>, transpose_lhs_hint = false} : vector<64x256xf32>, vector<256x2048xf32>, vector<64x2048xf32> -> vector<64x2048xf32>
    %add3A_2808 = arith.addf %broadcast_in_dim3A_2802, %dot_general3A_2807 : vector<64x2048xf32>
    %slice3A_2809 = vector.extract_strided_slice %add3A_2800 {offsets = [0, 256], sizes = [64, 256], strides = [1, 1]} : vector<64x2048xf32> to vector<64x256xf32>
    %get3A_2810 = arith.constant 256 : index
    %get3A_2811 = arith.constant 0 : index
    %get3A_2812 = vector.load %arg4[%get3A_2810, %get3A_2811] : memref<2048x2048xf32, #tpu.memory_space<vmem>>, vector<256x2048xf32>
    %dot_general3A_2813 = arith.constant dense<0.000000e+00> : vector<64x2048xf32>
    %dot_general3A_2814 = tpu.matmul %slice3A_2809, %get3A_2812, %dot_general3A_2813 {dimension_numbers = #tpu.dot_dimension_numbers<[1], [0], [0], [1], [0, 0, 1, 1], [], []>, transpose_lhs_hint = false} : vector<64x256xf32>, vector<256x2048xf32>, vector<64x2048xf32> -> vector<64x2048xf32>
    %add3A_2815 = arith.addf %add3A_2808, %dot_general3A_2814 : vector<64x2048xf32>
    %slice3A_2816 = vector.extract_strided_slice %add3A_2800 {offsets = [0, 512], sizes = [64, 256], strides = [1, 1]} : vector<64x2048xf32> to vector<64x256xf32>
    %get3A_2817 = arith.constant 512 : index
    %get3A_2818 = arith.constant 0 : index
    %get3A_2819 = vector.load %arg4[%get3A_2817, %get3A_2818] : memref<2048x2048xf32, #tpu.memory_space<vmem>>, vector<256x2048xf32>
    %dot_general3A_2820 = arith.constant dense<0.000000e+00> : vector<64x2048xf32>
    %dot_general3A_2821 = tpu.matmul %slice3A_2816, %get3A_2819, %dot_general3A_2820 {dimension_numbers = #tpu.dot_dimension_numbers<[1], [0], [0], [1], [0, 0, 1, 1], [], []>, transpose_lhs_hint = false} : vector<64x256xf32>, vector<256x2048xf32>, vector<64x2048xf32> -> vector<64x2048xf32>
    %add3A_2822 = arith.addf %add3A_2815, %dot_general3A_2821 : vector<64x2048xf32>
    %slice3A_2823 = vector.extract_strided_slice %add3A_2800 {offsets = [0, 768], sizes = [64, 256], strides = [1, 1]} : vector<64x2048xf32> to vector<64x256xf32>
    %get3A_2824 = arith.constant 768 : index
    %get3A_2825 = arith.constant 0 : index
    %get3A_2826 = vector.load %arg4[%get3A_2824, %get3A_2825] : memref<2048x2048xf32, #tpu.memory_space<vmem>>, vector<256x2048xf32>
    %dot_general3A_2827 = arith.constant dense<0.000000e+00> : vector<64x2048xf32>
    %dot_general3A_2828 = tpu.matmul %slice3A_2823, %get3A_2826, %dot_general3A_2827 {dimension_numbers = #tpu.dot_dimension_numbers<[1], [0], [0], [1], [0, 0, 1, 1], [], []>, transpose_lhs_hint = false} : vector<64x256xf32>, vector<256x2048xf32>, vector<64x2048xf32> -> vector<64x2048xf32>
    %add3A_2829 = arith.addf %add3A_2822, %dot_general3A_2828 : vector<64x2048xf32>
    %slice3A_2830 = vector.extract_strided_slice %add3A_2800 {offsets = [0, 1024], sizes = [64, 256], strides = [1, 1]} : vector<64x2048xf32> to vector<64x256xf32>
    %get3A_2831 = arith.constant 1024 : index
    %get3A_2832 = arith.constant 0 : index
    %get3A_2833 = vector.load %arg4[%get3A_2831, %get3A_2832] : memref<2048x2048xf32, #tpu.memory_space<vmem>>, vector<256x2048xf32>
    %dot_general3A_2834 = arith.constant dense<0.000000e+00> : vector<64x2048xf32>
    %dot_general3A_2835 = tpu.matmul %slice3A_2830, %get3A_2833, %dot_general3A_2834 {dimension_numbers = #tpu.dot_dimension_numbers<[1], [0], [0], [1], [0, 0, 1, 1], [], []>, transpose_lhs_hint = false} : vector<64x256xf32>, vector<256x2048xf32>, vector<64x2048xf32> -> vector<64x2048xf32>
    %add3A_2836 = arith.addf %add3A_2829, %dot_general3A_2835 : vector<64x2048xf32>
    %slice3A_2837 = vector.extract_strided_slice %add3A_2800 {offsets = [0, 1280], sizes = [64, 256], strides = [1, 1]} : vector<64x2048xf32> to vector<64x256xf32>
    %get3A_2838 = arith.constant 1280 : index
    %get3A_2839 = arith.constant 0 : index
    %get3A_2840 = vector.load %arg4[%get3A_2838, %get3A_2839] : memref<2048x2048xf32, #tpu.memory_space<vmem>>, vector<256x2048xf32>
    %dot_general3A_2841 = arith.constant dense<0.000000e+00> : vector<64x2048xf32>
    %dot_general3A_2842 = tpu.matmul %slice3A_2837, %get3A_2840, %dot_general3A_2841 {dimension_numbers = #tpu.dot_dimension_numbers<[1], [0], [0], [1], [0, 0, 1, 1], [], []>, transpose_lhs_hint = false} : vector<64x256xf32>, vector<256x2048xf32>, vector<64x2048xf32> -> vector<64x2048xf32>
    %add3A_2843 = arith.addf %add3A_2836, %dot_general3A_2842 : vector<64x2048xf32>
    %slice3A_2844 = vector.extract_strided_slice %add3A_2800 {offsets = [0, 1536], sizes = [64, 256], strides = [1, 1]} : vector<64x2048xf32> to vector<64x256xf32>
    %get3A_2845 = arith.constant 1536 : index
    %get3A_2846 = arith.constant 0 : index
    %get3A_2847 = vector.load %arg4[%get3A_2845, %get3A_2846] : memref<2048x2048xf32, #tpu.memory_space<vmem>>, vector<256x2048xf32>
    %dot_general3A_2848 = arith.constant dense<0.000000e+00> : vector<64x2048xf32>
    %dot_general3A_2849 = tpu.matmul %slice3A_2844, %get3A_2847, %dot_general3A_2848 {dimension_numbers = #tpu.dot_dimension_numbers<[1], [0], [0], [1], [0, 0, 1, 1], [], []>, transpose_lhs_hint = false} : vector<64x256xf32>, vector<256x2048xf32>, vector<64x2048xf32> -> vector<64x2048xf32>
    %add3A_2850 = arith.addf %add3A_2843, %dot_general3A_2849 : vector<64x2048xf32>
    %slice3A_2851 = vector.extract_strided_slice %add3A_2800 {offsets = [0, 1792], sizes = [64, 256], strides = [1, 1]} : vector<64x2048xf32> to vector<64x256xf32>
    %get3A_2852 = arith.constant 1792 : index
    %get3A_2853 = arith.constant 0 : index
    %get3A_2854 = vector.load %arg4[%get3A_2852, %get3A_2853] : memref<2048x2048xf32, #tpu.memory_space<vmem>>, vector<256x2048xf32>
    %dot_general3A_2855 = arith.constant dense<0.000000e+00> : vector<64x2048xf32>
    %dot_general3A_2856 = tpu.matmul %slice3A_2851, %get3A_2854, %dot_general3A_2855 {dimension_numbers = #tpu.dot_dimension_numbers<[1], [0], [0], [1], [0, 0, 1, 1], [], []>, transpose_lhs_hint = false} : vector<64x256xf32>, vector<256x2048xf32>, vector<64x2048xf32> -> vector<64x2048xf32>
    %add3A_2857 = arith.addf %add3A_2850, %dot_general3A_2856 : vector<64x2048xf32>
    %get3A_2858 = arith.constant 64 : index
    %get3A_2859 = arith.constant 0 : index
    %get3A_2860 = vector.load %arg0[%get3A_2858, %get3A_2859] : memref<512x2048xf32, #tpu.memory_space<vmem>>, vector<64x2048xf32>
    %mul3A = arith.mulf %add3A_2857, %get3A_2860 : vector<64x2048xf32>
    %broadcast_in_dim3A_2861 = arith.constant 0.000000e+00 : f32
    %broadcast_in_dim3A_2862 = vector.broadcast %broadcast_in_dim3A_2861 : f32 to vector<64x2048xf32>
    %slice3A_2863 = vector.extract_strided_slice %mul3A {offsets = [0, 0], sizes = [64, 256], strides = [1, 1]} : vector<64x2048xf32> to vector<64x256xf32>
    %get3A_2864 = arith.constant 0 : index
    %get3A_2865 = arith.constant 0 : index
    %get3A_2866 = vector.load %arg4[%get3A_2864, %get3A_2865] : memref<2048x2048xf32, #tpu.memory_space<vmem>>, vector<256x2048xf32>
    %dot_general3A_2867 = arith.constant dense<0.000000e+00> : vector<64x2048xf32>
    %dot_general3A_2868 = tpu.matmul %slice3A_2863, %get3A_2866, %dot_general3A_2867 {dimension_numbers = #tpu.dot_dimension_numbers<[1], [0], [0], [1], [0, 0, 1, 1], [], []>, transpose_lhs_hint = false} : vector<64x256xf32>, vector<256x2048xf32>, vector<64x2048xf32> -> vector<64x2048xf32>
    %add3A_2869 = arith.addf %broadcast_in_dim3A_2862, %dot_general3A_2868 : vector<64x2048xf32>
    %slice3A_2870 = vector.extract_strided_slice %mul3A {offsets = [0, 256], sizes = [64, 256], strides = [1, 1]} : vector<64x2048xf32> to vector<64x256xf32>
    %get3A_2871 = arith.constant 256 : index
    %get3A_2872 = arith.constant 0 : index
    %get3A_2873 = vector.load %arg4[%get3A_2871, %get3A_2872] : memref<2048x2048xf32, #tpu.memory_space<vmem>>, vector<256x2048xf32>
    %dot_general3A_2874 = arith.constant dense<0.000000e+00> : vector<64x2048xf32>
    %dot_general3A_2875 = tpu.matmul %slice3A_2870, %get3A_2873, %dot_general3A_2874 {dimension_numbers = #tpu.dot_dimension_numbers<[1], [0], [0], [1], [0, 0, 1, 1], [], []>, transpose_lhs_hint = false} : vector<64x256xf32>, vector<256x2048xf32>, vector<64x2048xf32> -> vector<64x2048xf32>
    %add3A_2876 = arith.addf %add3A_2869, %dot_general3A_2875 : vector<64x2048xf32>
    %slice3A_2877 = vector.extract_strided_slice %mul3A {offsets = [0, 512], sizes = [64, 256], strides = [1, 1]} : vector<64x2048xf32> to vector<64x256xf32>
    %get3A_2878 = arith.constant 512 : index
    %get3A_2879 = arith.constant 0 : index
    %get3A_2880 = vector.load %arg4[%get3A_2878, %get3A_2879] : memref<2048x2048xf32, #tpu.memory_space<vmem>>, vector<256x2048xf32>
    %dot_general3A_2881 = arith.constant dense<0.000000e+00> : vector<64x2048xf32>
    %dot_general3A_2882 = tpu.matmul %slice3A_2877, %get3A_2880, %dot_general3A_2881 {dimension_numbers = #tpu.dot_dimension_numbers<[1], [0], [0], [1], [0, 0, 1, 1], [], []>, transpose_lhs_hint = false} : vector<64x256xf32>, vector<256x2048xf32>, vector<64x2048xf32> -> vector<64x2048xf32>
    %add3A_2883 = arith.addf %add3A_2876, %dot_general3A_2882 : vector<64x2048xf32>
    %slice3A_2884 = vector.extract_strided_slice %mul3A {offsets = [0, 768], sizes = [64, 256], strides = [1, 1]} : vector<64x2048xf32> to vector<64x256xf32>
    %get3A_2885 = arith.constant 768 : index
    %get3A_2886 = arith.constant 0 : index
    %get3A_2887 = vector.load %arg4[%get3A_2885, %get3A_2886] : memref<2048x2048xf32, #tpu.memory_space<vmem>>, vector<256x2048xf32>
    %dot_general3A_2888 = arith.constant dense<0.000000e+00> : vector<64x2048xf32>
    %dot_general3A_2889 = tpu.matmul %slice3A_2884, %get3A_2887, %dot_general3A_2888 {dimension_numbers = #tpu.dot_dimension_numbers<[1], [0], [0], [1], [0, 0, 1, 1], [], []>, transpose_lhs_hint = false} : vector<64x256xf32>, vector<256x2048xf32>, vector<64x2048xf32> -> vector<64x2048xf32>
    %add3A_2890 = arith.addf %add3A_2883, %dot_general3A_2889 : vector<64x2048xf32>
    %slice3A_2891 = vector.extract_strided_slice %mul3A {offsets = [0, 1024], sizes = [64, 256], strides = [1, 1]} : vector<64x2048xf32> to vector<64x256xf32>
    %get3A_2892 = arith.constant 1024 : index
    %get3A_2893 = arith.constant 0 : index
    %get3A_2894 = vector.load %arg4[%get3A_2892, %get3A_2893] : memref<2048x2048xf32, #tpu.memory_space<vmem>>, vector<256x2048xf32>
    %dot_general3A_2895 = arith.constant dense<0.000000e+00> : vector<64x2048xf32>
    %dot_general3A_2896 = tpu.matmul %slice3A_2891, %get3A_2894, %dot_general3A_2895 {dimension_numbers = #tpu.dot_dimension_numbers<[1], [0], [0], [1], [0, 0, 1, 1], [], []>, transpose_lhs_hint = false} : vector<64x256xf32>, vector<256x2048xf32>, vector<64x2048xf32> -> vector<64x2048xf32>
    %add3A_2897 = arith.addf %add3A_2890, %dot_general3A_2896 : vector<64x2048xf32>
    %slice3A_2898 = vector.extract_strided_slice %mul3A {offsets = [0, 1280], sizes = [64, 256], strides = [1, 1]} : vector<64x2048xf32> to vector<64x256xf32>
    %get3A_2899 = arith.constant 1280 : index
    %get3A_2900 = arith.constant 0 : index
    %get3A_2901 = vector.load %arg4[%get3A_2899, %get3A_2900] : memref<2048x2048xf32, #tpu.memory_space<vmem>>, vector<256x2048xf32>
    %dot_general3A_2902 = arith.constant dense<0.000000e+00> : vector<64x2048xf32>
    %dot_general3A_2903 = tpu.matmul %slice3A_2898, %get3A_2901, %dot_general3A_2902 {dimension_numbers = #tpu.dot_dimension_numbers<[1], [0], [0], [1], [0, 0, 1, 1], [], []>, transpose_lhs_hint = false} : vector<64x256xf32>, vector<256x2048xf32>, vector<64x2048xf32> -> vector<64x2048xf32>
    %add3A_2904 = arith.addf %add3A_2897, %dot_general3A_2903 : vector<64x2048xf32>
    %slice3A_2905 = vector.extract_strided_slice %mul3A {offsets = [0, 1536], sizes = [64, 256], strides = [1, 1]} : vector<64x2048xf32> to vector<64x256xf32>
    %get3A_2906 = arith.constant 1536 : index
    %get3A_2907 = arith.constant 0 : index
    %get3A_2908 = vector.load %arg4[%get3A_2906, %get3A_2907] : memref<2048x2048xf32, #tpu.memory_space<vmem>>, vector<256x2048xf32>
    %dot_general3A_2909 = arith.constant dense<0.000000e+00> : vector<64x2048xf32>
    %dot_general3A_2910 = tpu.matmul %slice3A_2905, %get3A_2908, %dot_general3A_2909 {dimension_numbers = #tpu.dot_dimension_numbers<[1], [0], [0], [1], [0, 0, 1, 1], [], []>, transpose_lhs_hint = false} : vector<64x256xf32>, vector<256x2048xf32>, vector<64x2048xf32> -> vector<64x2048xf32>
    %add3A_2911 = arith.addf %add3A_2904, %dot_general3A_2910 : vector<64x2048xf32>
    %slice3A_2912 = vector.extract_strided_slice %mul3A {offsets = [0, 1792], sizes = [64, 256], strides = [1, 1]} : vector<64x2048xf32> to vector<64x256xf32>
    %get3A_2913 = arith.constant 1792 : index
    %get3A_2914 = arith.constant 0 : index
    %get3A_2915 = vector.load %arg4[%get3A_2913, %get3A_2914] : memref<2048x2048xf32, #tpu.memory_space<vmem>>, vector<256x2048xf32>
    %dot_general3A_2916 = arith.constant dense<0.000000e+00> : vector<64x2048xf32>
    %dot_general3A_2917 = tpu.matmul %slice3A_2912, %get3A_2915, %dot_general3A_2916 {dimension_numbers = #tpu.dot_dimension_numbers<[1], [0], [0], [1], [0, 0, 1, 1], [], []>, transpose_lhs_hint = false} : vector<64x256xf32>, vector<256x2048xf32>, vector<64x2048xf32> -> vector<64x2048xf32>
    %add3A_2918 = arith.addf %add3A_2911, %dot_general3A_2917 : vector<64x2048xf32>
    %get3A_2919 = arith.constant 128 : index
    %get3A_2920 = arith.constant 0 : index
    %get3A_2921 = vector.load %arg0[%get3A_2919, %get3A_2920] : memref<512x2048xf32, #tpu.memory_space<vmem>>, vector<64x2048xf32>
    %mul3A_2922 = arith.mulf %add3A_2918, %get3A_2921 : vector<64x2048xf32>
    %broadcast_in_dim3A_2923 = arith.constant 0.000000e+00 : f32
    %broadcast_in_dim3A_2924 = vector.broadcast %broadcast_in_dim3A_2923 : f32 to vector<64x2048xf32>
    %slice3A_2925 = vector.extract_strided_slice %mul3A_2922 {offsets = [0, 0], sizes = [64, 256], strides = [1, 1]} : vector<64x2048xf32> to vector<64x256xf32>
    %get3A_2926 = arith.constant 0 : index
    %get3A_2927 = arith.constant 0 : index
    %get3A_2928 = vector.load %arg4[%get3A_2926, %get3A_2927] : memref<2048x2048xf32, #tpu.memory_space<vmem>>, vector<256x2048xf32>
    %dot_general3A_2929 = arith.constant dense<0.000000e+00> : vector<64x2048xf32>
    %dot_general3A_2930 = tpu.matmul %slice3A_2925, %get3A_2928, %dot_general3A_2929 {dimension_numbers = #tpu.dot_dimension_numbers<[1], [0], [0], [1], [0, 0, 1, 1], [], []>, transpose_lhs_hint = false} : vector<64x256xf32>, vector<256x2048xf32>, vector<64x2048xf32> -> vector<64x2048xf32>
    %add3A_2931 = arith.addf %broadcast_in_dim3A_2924, %dot_general3A_2930 : vector<64x2048xf32>
    %slice3A_2932 = vector.extract_strided_slice %mul3A_2922 {offsets = [0, 256], sizes = [64, 256], strides = [1, 1]} : vector<64x2048xf32> to vector<64x256xf32>
    %get3A_2933 = arith.constant 256 : index
    %get3A_2934 = arith.constant 0 : index
    %get3A_2935 = vector.load %arg4[%get3A_2933, %get3A_2934] : memref<2048x2048xf32, #tpu.memory_space<vmem>>, vector<256x2048xf32>
    %dot_general3A_2936 = arith.constant dense<0.000000e+00> : vector<64x2048xf32>
    %dot_general3A_2937 = tpu.matmul %slice3A_2932, %get3A_2935, %dot_general3A_2936 {dimension_numbers = #tpu.dot_dimension_numbers<[1], [0], [0], [1], [0, 0, 1, 1], [], []>, transpose_lhs_hint = false} : vector<64x256xf32>, vector<256x2048xf32>, vector<64x2048xf32> -> vector<64x2048xf32>
    %add3A_2938 = arith.addf %add3A_2931, %dot_general3A_2937 : vector<64x2048xf32>
    %slice3A_2939 = vector.extract_strided_slice %mul3A_2922 {offsets = [0, 512], sizes = [64, 256], strides = [1, 1]} : vector<64x2048xf32> to vector<64x256xf32>
    %get3A_2940 = arith.constant 512 : index
    %get3A_2941 = arith.constant 0 : index
    %get3A_2942 = vector.load %arg4[%get3A_2940, %get3A_2941] : memref<2048x2048xf32, #tpu.memory_space<vmem>>, vector<256x2048xf32>
    %dot_general3A_2943 = arith.constant dense<0.000000e+00> : vector<64x2048xf32>
    %dot_general3A_2944 = tpu.matmul %slice3A_2939, %get3A_2942, %dot_general3A_2943 {dimension_numbers = #tpu.dot_dimension_numbers<[1], [0], [0], [1], [0, 0, 1, 1], [], []>, transpose_lhs_hint = false} : vector<64x256xf32>, vector<256x2048xf32>, vector<64x2048xf32> -> vector<64x2048xf32>
    %add3A_2945 = arith.addf %add3A_2938, %dot_general3A_2944 : vector<64x2048xf32>
    %slice3A_2946 = vector.extract_strided_slice %mul3A_2922 {offsets = [0, 768], sizes = [64, 256], strides = [1, 1]} : vector<64x2048xf32> to vector<64x256xf32>
    %get3A_2947 = arith.constant 768 : index
    %get3A_2948 = arith.constant 0 : index
    %get3A_2949 = vector.load %arg4[%get3A_2947, %get3A_2948] : memref<2048x2048xf32, #tpu.memory_space<vmem>>, vector<256x2048xf32>
    %dot_general3A_2950 = arith.constant dense<0.000000e+00> : vector<64x2048xf32>
    %dot_general3A_2951 = tpu.matmul %slice3A_2946, %get3A_2949, %dot_general3A_2950 {dimension_numbers = #tpu.dot_dimension_numbers<[1], [0], [0], [1], [0, 0, 1, 1], [], []>, transpose_lhs_hint = false} : vector<64x256xf32>, vector<256x2048xf32>, vector<64x2048xf32> -> vector<64x2048xf32>
    %add3A_2952 = arith.addf %add3A_2945, %dot_general3A_2951 : vector<64x2048xf32>
    %slice3A_2953 = vector.extract_strided_slice %mul3A_2922 {offsets = [0, 1024], sizes = [64, 256], strides = [1, 1]} : vector<64x2048xf32> to vector<64x256xf32>
    %get3A_2954 = arith.constant 1024 : index
    %get3A_2955 = arith.constant 0 : index
    %get3A_2956 = vector.load %arg4[%get3A_2954, %get3A_2955] : memref<2048x2048xf32, #tpu.memory_space<vmem>>, vector<256x2048xf32>
    %dot_general3A_2957 = arith.constant dense<0.000000e+00> : vector<64x2048xf32>
    %dot_general3A_2958 = tpu.matmul %slice3A_2953, %get3A_2956, %dot_general3A_2957 {dimension_numbers = #tpu.dot_dimension_numbers<[1], [0], [0], [1], [0, 0, 1, 1], [], []>, transpose_lhs_hint = false} : vector<64x256xf32>, vector<256x2048xf32>, vector<64x2048xf32> -> vector<64x2048xf32>
    %add3A_2959 = arith.addf %add3A_2952, %dot_general3A_2958 : vector<64x2048xf32>
    %slice3A_2960 = vector.extract_strided_slice %mul3A_2922 {offsets = [0, 1280], sizes = [64, 256], strides = [1, 1]} : vector<64x2048xf32> to vector<64x256xf32>
    %get3A_2961 = arith.constant 1280 : index
    %get3A_2962 = arith.constant 0 : index
    %get3A_2963 = vector.load %arg4[%get3A_2961, %get3A_2962] : memref<2048x2048xf32, #tpu.memory_space<vmem>>, vector<256x2048xf32>
    %dot_general3A_2964 = arith.constant dense<0.000000e+00> : vector<64x2048xf32>
    %dot_general3A_2965 = tpu.matmul %slice3A_2960, %get3A_2963, %dot_general3A_2964 {dimension_numbers = #tpu.dot_dimension_numbers<[1], [0], [0], [1], [0, 0, 1, 1], [], []>, transpose_lhs_hint = false} : vector<64x256xf32>, vector<256x2048xf32>, vector<64x2048xf32> -> vector<64x2048xf32>
    %add3A_2966 = arith.addf %add3A_2959, %dot_general3A_2965 : vector<64x2048xf32>
    %slice3A_2967 = vector.extract_strided_slice %mul3A_2922 {offsets = [0, 1536], sizes = [64, 256], strides = [1, 1]} : vector<64x2048xf32> to vector<64x256xf32>
    %get3A_2968 = arith.constant 1536 : index
    %get3A_2969 = arith.constant 0 : index
    %get3A_2970 = vector.load %arg4[%get3A_2968, %get3A_2969] : memref<2048x2048xf32, #tpu.memory_space<vmem>>, vector<256x2048xf32>
    %dot_general3A_2971 = arith.constant dense<0.000000e+00> : vector<64x2048xf32>
    %dot_general3A_2972 = tpu.matmul %slice3A_2967, %get3A_2970, %dot_general3A_2971 {dimension_numbers = #tpu.dot_dimension_numbers<[1], [0], [0], [1], [0, 0, 1, 1], [], []>, transpose_lhs_hint = false} : vector<64x256xf32>, vector<256x2048xf32>, vector<64x2048xf32> -> vector<64x2048xf32>
    %add3A_2973 = arith.addf %add3A_2966, %dot_general3A_2972 : vector<64x2048xf32>
    %slice3A_2974 = vector.extract_strided_slice %mul3A_2922 {offsets = [0, 1792], sizes = [64, 256], strides = [1, 1]} : vector<64x2048xf32> to vector<64x256xf32>
    %get3A_2975 = arith.constant 1792 : index
    %get3A_2976 = arith.constant 0 : index
    %get3A_2977 = vector.load %arg4[%get3A_2975, %get3A_2976] : memref<2048x2048xf32, #tpu.memory_space<vmem>>, vector<256x2048xf32>
    %dot_general3A_2978 = arith.constant dense<0.000000e+00> : vector<64x2048xf32>
    %dot_general3A_2979 = tpu.matmul %slice3A_2974, %get3A_2977, %dot_general3A_2978 {dimension_numbers = #tpu.dot_dimension_numbers<[1], [0], [0], [1], [0, 0, 1, 1], [], []>, transpose_lhs_hint = false} : vector<64x256xf32>, vector<256x2048xf32>, vector<64x2048xf32> -> vector<64x2048xf32>
    %add3A_2980 = arith.addf %add3A_2973, %dot_general3A_2979 : vector<64x2048xf32>
    %get3A_2981 = arith.constant 192 : index
    %get3A_2982 = arith.constant 0 : index
    %get3A_2983 = vector.load %arg0[%get3A_2981, %get3A_2982] : memref<512x2048xf32, #tpu.memory_space<vmem>>, vector<64x2048xf32>
    %mul3A_2984 = arith.mulf %add3A_2980, %get3A_2983 : vector<64x2048xf32>
    %broadcast_in_dim3A_2985 = arith.constant 0.000000e+00 : f32
    %broadcast_in_dim3A_2986 = vector.broadcast %broadcast_in_dim3A_2985 : f32 to vector<64x2048xf32>
    %slice3A_2987 = vector.extract_strided_slice %mul3A_2984 {offsets = [0, 0], sizes = [64, 256], strides = [1, 1]} : vector<64x2048xf32> to vector<64x256xf32>
    %get3A_2988 = arith.constant 0 : index
    %get3A_2989 = arith.constant 0 : index
    %get3A_2990 = vector.load %arg4[%get3A_2988, %get3A_2989] : memref<2048x2048xf32, #tpu.memory_space<vmem>>, vector<256x2048xf32>
    %dot_general3A_2991 = arith.constant dense<0.000000e+00> : vector<64x2048xf32>
    %dot_general3A_2992 = tpu.matmul %slice3A_2987, %get3A_2990, %dot_general3A_2991 {dimension_numbers = #tpu.dot_dimension_numbers<[1], [0], [0], [1], [0, 0, 1, 1], [], []>, transpose_lhs_hint = false} : vector<64x256xf32>, vector<256x2048xf32>, vector<64x2048xf32> -> vector<64x2048xf32>
    %add3A_2993 = arith.addf %broadcast_in_dim3A_2986, %dot_general3A_2992 : vector<64x2048xf32>
    %slice3A_2994 = vector.extract_strided_slice %mul3A_2984 {offsets = [0, 256], sizes = [64, 256], strides = [1, 1]} : vector<64x2048xf32> to vector<64x256xf32>
    %get3A_2995 = arith.constant 256 : index
    %get3A_2996 = arith.constant 0 : index
    %get3A_2997 = vector.load %arg4[%get3A_2995, %get3A_2996] : memref<2048x2048xf32, #tpu.memory_space<vmem>>, vector<256x2048xf32>
    %dot_general3A_2998 = arith.constant dense<0.000000e+00> : vector<64x2048xf32>
    %dot_general3A_2999 = tpu.matmul %slice3A_2994, %get3A_2997, %dot_general3A_2998 {dimension_numbers = #tpu.dot_dimension_numbers<[1], [0], [0], [1], [0, 0, 1, 1], [], []>, transpose_lhs_hint = false} : vector<64x256xf32>, vector<256x2048xf32>, vector<64x2048xf32> -> vector<64x2048xf32>
    %add3A_3000 = arith.addf %add3A_2993, %dot_general3A_2999 : vector<64x2048xf32>
    %slice3A_3001 = vector.extract_strided_slice %mul3A_2984 {offsets = [0, 512], sizes = [64, 256], strides = [1, 1]} : vector<64x2048xf32> to vector<64x256xf32>
    %get3A_3002 = arith.constant 512 : index
    %get3A_3003 = arith.constant 0 : index
    %get3A_3004 = vector.load %arg4[%get3A_3002, %get3A_3003] : memref<2048x2048xf32, #tpu.memory_space<vmem>>, vector<256x2048xf32>
    %dot_general3A_3005 = arith.constant dense<0.000000e+00> : vector<64x2048xf32>
    %dot_general3A_3006 = tpu.matmul %slice3A_3001, %get3A_3004, %dot_general3A_3005 {dimension_numbers = #tpu.dot_dimension_numbers<[1], [0], [0], [1], [0, 0, 1, 1], [], []>, transpose_lhs_hint = false} : vector<64x256xf32>, vector<256x2048xf32>, vector<64x2048xf32> -> vector<64x2048xf32>
    %add3A_3007 = arith.addf %add3A_3000, %dot_general3A_3006 : vector<64x2048xf32>
    %slice3A_3008 = vector.extract_strided_slice %mul3A_2984 {offsets = [0, 768], sizes = [64, 256], strides = [1, 1]} : vector<64x2048xf32> to vector<64x256xf32>
    %get3A_3009 = arith.constant 768 : index
    %get3A_3010 = arith.constant 0 : index
    %get3A_3011 = vector.load %arg4[%get3A_3009, %get3A_3010] : memref<2048x2048xf32, #tpu.memory_space<vmem>>, vector<256x2048xf32>
    %dot_general3A_3012 = arith.constant dense<0.000000e+00> : vector<64x2048xf32>
    %dot_general3A_3013 = tpu.matmul %slice3A_3008, %get3A_3011, %dot_general3A_3012 {dimension_numbers = #tpu.dot_dimension_numbers<[1], [0], [0], [1], [0, 0, 1, 1], [], []>, transpose_lhs_hint = false} : vector<64x256xf32>, vector<256x2048xf32>, vector<64x2048xf32> -> vector<64x2048xf32>
    %add3A_3014 = arith.addf %add3A_3007, %dot_general3A_3013 : vector<64x2048xf32>
    %slice3A_3015 = vector.extract_strided_slice %mul3A_2984 {offsets = [0, 1024], sizes = [64, 256], strides = [1, 1]} : vector<64x2048xf32> to vector<64x256xf32>
    %get3A_3016 = arith.constant 1024 : index
    %get3A_3017 = arith.constant 0 : index
    %get3A_3018 = vector.load %arg4[%get3A_3016, %get3A_3017] : memref<2048x2048xf32, #tpu.memory_space<vmem>>, vector<256x2048xf32>
    %dot_general3A_3019 = arith.constant dense<0.000000e+00> : vector<64x2048xf32>
    %dot_general3A_3020 = tpu.matmul %slice3A_3015, %get3A_3018, %dot_general3A_3019 {dimension_numbers = #tpu.dot_dimension_numbers<[1], [0], [0], [1], [0, 0, 1, 1], [], []>, transpose_lhs_hint = false} : vector<64x256xf32>, vector<256x2048xf32>, vector<64x2048xf32> -> vector<64x2048xf32>
    %add3A_3021 = arith.addf %add3A_3014, %dot_general3A_3020 : vector<64x2048xf32>
    %slice3A_3022 = vector.extract_strided_slice %mul3A_2984 {offsets = [0, 1280], sizes = [64, 256], strides = [1, 1]} : vector<64x2048xf32> to vector<64x256xf32>
    %get3A_3023 = arith.constant 1280 : index
    %get3A_3024 = arith.constant 0 : index
    %get3A_3025 = vector.load %arg4[%get3A_3023, %get3A_3024] : memref<2048x2048xf32, #tpu.memory_space<vmem>>, vector<256x2048xf32>
    %dot_general3A_3026 = arith.constant dense<0.000000e+00> : vector<64x2048xf32>
    %dot_general3A_3027 = tpu.matmul %slice3A_3022, %get3A_3025, %dot_general3A_3026 {dimension_numbers = #tpu.dot_dimension_numbers<[1], [0], [0], [1], [0, 0, 1, 1], [], []>, transpose_lhs_hint = false} : vector<64x256xf32>, vector<256x2048xf32>, vector<64x2048xf32> -> vector<64x2048xf32>
    %add3A_3028 = arith.addf %add3A_3021, %dot_general3A_3027 : vector<64x2048xf32>
    %slice3A_3029 = vector.extract_strided_slice %mul3A_2984 {offsets = [0, 1536], sizes = [64, 256], strides = [1, 1]} : vector<64x2048xf32> to vector<64x256xf32>
    %get3A_3030 = arith.constant 1536 : index
    %get3A_3031 = arith.constant 0 : index
    %get3A_3032 = vector.load %arg4[%get3A_3030, %get3A_3031] : memref<2048x2048xf32, #tpu.memory_space<vmem>>, vector<256x2048xf32>
    %dot_general3A_3033 = arith.constant dense<0.000000e+00> : vector<64x2048xf32>
    %dot_general3A_3034 = tpu.matmul %slice3A_3029, %get3A_3032, %dot_general3A_3033 {dimension_numbers = #tpu.dot_dimension_numbers<[1], [0], [0], [1], [0, 0, 1, 1], [], []>, transpose_lhs_hint = false} : vector<64x256xf32>, vector<256x2048xf32>, vector<64x2048xf32> -> vector<64x2048xf32>
    %add3A_3035 = arith.addf %add3A_3028, %dot_general3A_3034 : vector<64x2048xf32>
    %slice3A_3036 = vector.extract_strided_slice %mul3A_2984 {offsets = [0, 1792], sizes = [64, 256], strides = [1, 1]} : vector<64x2048xf32> to vector<64x256xf32>
    %get3A_3037 = arith.constant 1792 : index
    %get3A_3038 = arith.constant 0 : index
    %get3A_3039 = vector.load %arg4[%get3A_3037, %get3A_3038] : memref<2048x2048xf32, #tpu.memory_space<vmem>>, vector<256x2048xf32>
    %dot_general3A_3040 = arith.constant dense<0.000000e+00> : vector<64x2048xf32>
    %dot_general3A_3041 = tpu.matmul %slice3A_3036, %get3A_3039, %dot_general3A_3040 {dimension_numbers = #tpu.dot_dimension_numbers<[1], [0], [0], [1], [0, 0, 1, 1], [], []>, transpose_lhs_hint = false} : vector<64x256xf32>, vector<256x2048xf32>, vector<64x2048xf32> -> vector<64x2048xf32>
    %add3A_3042 = arith.addf %add3A_3035, %dot_general3A_3041 : vector<64x2048xf32>
    %get3A_3043 = arith.constant 256 : index
    %get3A_3044 = arith.constant 0 : index
    %get3A_3045 = vector.load %arg0[%get3A_3043, %get3A_3044] : memref<512x2048xf32, #tpu.memory_space<vmem>>, vector<64x2048xf32>
    %mul3A_3046 = arith.mulf %add3A_3042, %get3A_3045 : vector<64x2048xf32>
    %broadcast_in_dim3A_3047 = arith.constant 0.000000e+00 : f32
    %broadcast_in_dim3A_3048 = vector.broadcast %broadcast_in_dim3A_3047 : f32 to vector<64x2048xf32>
    %slice3A_3049 = vector.extract_strided_slice %mul3A_3046 {offsets = [0, 0], sizes = [64, 256], strides = [1, 1]} : vector<64x2048xf32> to vector<64x256xf32>
    %get3A_3050 = arith.constant 0 : index
    %get3A_3051 = arith.constant 0 : index
    %get3A_3052 = vector.load %arg4[%get3A_3050, %get3A_3051] : memref<2048x2048xf32, #tpu.memory_space<vmem>>, vector<256x2048xf32>
    %dot_general3A_3053 = arith.constant dense<0.000000e+00> : vector<64x2048xf32>
    %dot_general3A_3054 = tpu.matmul %slice3A_3049, %get3A_3052, %dot_general3A_3053 {dimension_numbers = #tpu.dot_dimension_numbers<[1], [0], [0], [1], [0, 0, 1, 1], [], []>, transpose_lhs_hint = false} : vector<64x256xf32>, vector<256x2048xf32>, vector<64x2048xf32> -> vector<64x2048xf32>
    %add3A_3055 = arith.addf %broadcast_in_dim3A_3048, %dot_general3A_3054 : vector<64x2048xf32>
    %slice3A_3056 = vector.extract_strided_slice %mul3A_3046 {offsets = [0, 256], sizes = [64, 256], strides = [1, 1]} : vector<64x2048xf32> to vector<64x256xf32>
    %get3A_3057 = arith.constant 256 : index
    %get3A_3058 = arith.constant 0 : index
    %get3A_3059 = vector.load %arg4[%get3A_3057, %get3A_3058] : memref<2048x2048xf32, #tpu.memory_space<vmem>>, vector<256x2048xf32>
    %dot_general3A_3060 = arith.constant dense<0.000000e+00> : vector<64x2048xf32>
    %dot_general3A_3061 = tpu.matmul %slice3A_3056, %get3A_3059, %dot_general3A_3060 {dimension_numbers = #tpu.dot_dimension_numbers<[1], [0], [0], [1], [0, 0, 1, 1], [], []>, transpose_lhs_hint = false} : vector<64x256xf32>, vector<256x2048xf32>, vector<64x2048xf32> -> vector<64x2048xf32>
    %add3A_3062 = arith.addf %add3A_3055, %dot_general3A_3061 : vector<64x2048xf32>
    %slice3A_3063 = vector.extract_strided_slice %mul3A_3046 {offsets = [0, 512], sizes = [64, 256], strides = [1, 1]} : vector<64x2048xf32> to vector<64x256xf32>
    %get3A_3064 = arith.constant 512 : index
    %get3A_3065 = arith.constant 0 : index
    %get3A_3066 = vector.load %arg4[%get3A_3064, %get3A_3065] : memref<2048x2048xf32, #tpu.memory_space<vmem>>, vector<256x2048xf32>
    %dot_general3A_3067 = arith.constant dense<0.000000e+00> : vector<64x2048xf32>
    %dot_general3A_3068 = tpu.matmul %slice3A_3063, %get3A_3066, %dot_general3A_3067 {dimension_numbers = #tpu.dot_dimension_numbers<[1], [0], [0], [1], [0, 0, 1, 1], [], []>, transpose_lhs_hint = false} : vector<64x256xf32>, vector<256x2048xf32>, vector<64x2048xf32> -> vector<64x2048xf32>
    %add3A_3069 = arith.addf %add3A_3062, %dot_general3A_3068 : vector<64x2048xf32>
    %slice3A_3070 = vector.extract_strided_slice %mul3A_3046 {offsets = [0, 768], sizes = [64, 256], strides = [1, 1]} : vector<64x2048xf32> to vector<64x256xf32>
    %get3A_3071 = arith.constant 768 : index
    %get3A_3072 = arith.constant 0 : index
    %get3A_3073 = vector.load %arg4[%get3A_3071, %get3A_3072] : memref<2048x2048xf32, #tpu.memory_space<vmem>>, vector<256x2048xf32>
    %dot_general3A_3074 = arith.constant dense<0.000000e+00> : vector<64x2048xf32>
    %dot_general3A_3075 = tpu.matmul %slice3A_3070, %get3A_3073, %dot_general3A_3074 {dimension_numbers = #tpu.dot_dimension_numbers<[1], [0], [0], [1], [0, 0, 1, 1], [], []>, transpose_lhs_hint = false} : vector<64x256xf32>, vector<256x2048xf32>, vector<64x2048xf32> -> vector<64x2048xf32>
    %add3A_3076 = arith.addf %add3A_3069, %dot_general3A_3075 : vector<64x2048xf32>
    %slice3A_3077 = vector.extract_strided_slice %mul3A_3046 {offsets = [0, 1024], sizes = [64, 256], strides = [1, 1]} : vector<64x2048xf32> to vector<64x256xf32>
    %get3A_3078 = arith.constant 1024 : index
    %get3A_3079 = arith.constant 0 : index
    %get3A_3080 = vector.load %arg4[%get3A_3078, %get3A_3079] : memref<2048x2048xf32, #tpu.memory_space<vmem>>, vector<256x2048xf32>
    %dot_general3A_3081 = arith.constant dense<0.000000e+00> : vector<64x2048xf32>
    %dot_general3A_3082 = tpu.matmul %slice3A_3077, %get3A_3080, %dot_general3A_3081 {dimension_numbers = #tpu.dot_dimension_numbers<[1], [0], [0], [1], [0, 0, 1, 1], [], []>, transpose_lhs_hint = false} : vector<64x256xf32>, vector<256x2048xf32>, vector<64x2048xf32> -> vector<64x2048xf32>
    %add3A_3083 = arith.addf %add3A_3076, %dot_general3A_3082 : vector<64x2048xf32>
    %slice3A_3084 = vector.extract_strided_slice %mul3A_3046 {offsets = [0, 1280], sizes = [64, 256], strides = [1, 1]} : vector<64x2048xf32> to vector<64x256xf32>
    %get3A_3085 = arith.constant 1280 : index
    %get3A_3086 = arith.constant 0 : index
    %get3A_3087 = vector.load %arg4[%get3A_3085, %get3A_3086] : memref<2048x2048xf32, #tpu.memory_space<vmem>>, vector<256x2048xf32>
    %dot_general3A_3088 = arith.constant dense<0.000000e+00> : vector<64x2048xf32>
    %dot_general3A_3089 = tpu.matmul %slice3A_3084, %get3A_3087, %dot_general3A_3088 {dimension_numbers = #tpu.dot_dimension_numbers<[1], [0], [0], [1], [0, 0, 1, 1], [], []>, transpose_lhs_hint = false} : vector<64x256xf32>, vector<256x2048xf32>, vector<64x2048xf32> -> vector<64x2048xf32>
    %add3A_3090 = arith.addf %add3A_3083, %dot_general3A_3089 : vector<64x2048xf32>
    %slice3A_3091 = vector.extract_strided_slice %mul3A_3046 {offsets = [0, 1536], sizes = [64, 256], strides = [1, 1]} : vector<64x2048xf32> to vector<64x256xf32>
    %get3A_3092 = arith.constant 1536 : index
    %get3A_3093 = arith.constant 0 : index
    %get3A_3094 = vector.load %arg4[%get3A_3092, %get3A_3093] : memref<2048x2048xf32, #tpu.memory_space<vmem>>, vector<256x2048xf32>
    %dot_general3A_3095 = arith.constant dense<0.000000e+00> : vector<64x2048xf32>
    %dot_general3A_3096 = tpu.matmul %slice3A_3091, %get3A_3094, %dot_general3A_3095 {dimension_numbers = #tpu.dot_dimension_numbers<[1], [0], [0], [1], [0, 0, 1, 1], [], []>, transpose_lhs_hint = false} : vector<64x256xf32>, vector<256x2048xf32>, vector<64x2048xf32> -> vector<64x2048xf32>
    %add3A_3097 = arith.addf %add3A_3090, %dot_general3A_3096 : vector<64x2048xf32>
    %slice3A_3098 = vector.extract_strided_slice %mul3A_3046 {offsets = [0, 1792], sizes = [64, 256], strides = [1, 1]} : vector<64x2048xf32> to vector<64x256xf32>
    %get3A_3099 = arith.constant 1792 : index
    %get3A_3100 = arith.constant 0 : index
    %get3A_3101 = vector.load %arg4[%get3A_3099, %get3A_3100] : memref<2048x2048xf32, #tpu.memory_space<vmem>>, vector<256x2048xf32>
    %dot_general3A_3102 = arith.constant dense<0.000000e+00> : vector<64x2048xf32>
    %dot_general3A_3103 = tpu.matmul %slice3A_3098, %get3A_3101, %dot_general3A_3102 {dimension_numbers = #tpu.dot_dimension_numbers<[1], [0], [0], [1], [0, 0, 1, 1], [], []>, transpose_lhs_hint = false} : vector<64x256xf32>, vector<256x2048xf32>, vector<64x2048xf32> -> vector<64x2048xf32>
    %add3A_3104 = arith.addf %add3A_3097, %dot_general3A_3103 : vector<64x2048xf32>
    %get3A_3105 = arith.constant 320 : index
    %get3A_3106 = arith.constant 0 : index
    %get3A_3107 = vector.load %arg0[%get3A_3105, %get3A_3106] : memref<512x2048xf32, #tpu.memory_space<vmem>>, vector<64x2048xf32>
    %mul3A_3108 = arith.mulf %add3A_3104, %get3A_3107 : vector<64x2048xf32>
    %broadcast_in_dim3A_3109 = arith.constant 0.000000e+00 : f32
    %broadcast_in_dim3A_3110 = vector.broadcast %broadcast_in_dim3A_3109 : f32 to vector<64x2048xf32>
    %slice3A_3111 = vector.extract_strided_slice %mul3A_3108 {offsets = [0, 0], sizes = [64, 256], strides = [1, 1]} : vector<64x2048xf32> to vector<64x256xf32>
    %get3A_3112 = arith.constant 0 : index
    %get3A_3113 = arith.constant 0 : index
    %get3A_3114 = vector.load %arg4[%get3A_3112, %get3A_3113] : memref<2048x2048xf32, #tpu.memory_space<vmem>>, vector<256x2048xf32>
    %dot_general3A_3115 = arith.constant dense<0.000000e+00> : vector<64x2048xf32>
    %dot_general3A_3116 = tpu.matmul %slice3A_3111, %get3A_3114, %dot_general3A_3115 {dimension_numbers = #tpu.dot_dimension_numbers<[1], [0], [0], [1], [0, 0, 1, 1], [], []>, transpose_lhs_hint = false} : vector<64x256xf32>, vector<256x2048xf32>, vector<64x2048xf32> -> vector<64x2048xf32>
    %add3A_3117 = arith.addf %broadcast_in_dim3A_3110, %dot_general3A_3116 : vector<64x2048xf32>
    %slice3A_3118 = vector.extract_strided_slice %mul3A_3108 {offsets = [0, 256], sizes = [64, 256], strides = [1, 1]} : vector<64x2048xf32> to vector<64x256xf32>
    %get3A_3119 = arith.constant 256 : index
    %get3A_3120 = arith.constant 0 : index
    %get3A_3121 = vector.load %arg4[%get3A_3119, %get3A_3120] : memref<2048x2048xf32, #tpu.memory_space<vmem>>, vector<256x2048xf32>
    %dot_general3A_3122 = arith.constant dense<0.000000e+00> : vector<64x2048xf32>
    %dot_general3A_3123 = tpu.matmul %slice3A_3118, %get3A_3121, %dot_general3A_3122 {dimension_numbers = #tpu.dot_dimension_numbers<[1], [0], [0], [1], [0, 0, 1, 1], [], []>, transpose_lhs_hint = false} : vector<64x256xf32>, vector<256x2048xf32>, vector<64x2048xf32> -> vector<64x2048xf32>
    %add3A_3124 = arith.addf %add3A_3117, %dot_general3A_3123 : vector<64x2048xf32>
    %slice3A_3125 = vector.extract_strided_slice %mul3A_3108 {offsets = [0, 512], sizes = [64, 256], strides = [1, 1]} : vector<64x2048xf32> to vector<64x256xf32>
    %get3A_3126 = arith.constant 512 : index
    %get3A_3127 = arith.constant 0 : index
    %get3A_3128 = vector.load %arg4[%get3A_3126, %get3A_3127] : memref<2048x2048xf32, #tpu.memory_space<vmem>>, vector<256x2048xf32>
    %dot_general3A_3129 = arith.constant dense<0.000000e+00> : vector<64x2048xf32>
    %dot_general3A_3130 = tpu.matmul %slice3A_3125, %get3A_3128, %dot_general3A_3129 {dimension_numbers = #tpu.dot_dimension_numbers<[1], [0], [0], [1], [0, 0, 1, 1], [], []>, transpose_lhs_hint = false} : vector<64x256xf32>, vector<256x2048xf32>, vector<64x2048xf32> -> vector<64x2048xf32>
    %add3A_3131 = arith.addf %add3A_3124, %dot_general3A_3130 : vector<64x2048xf32>
    %slice3A_3132 = vector.extract_strided_slice %mul3A_3108 {offsets = [0, 768], sizes = [64, 256], strides = [1, 1]} : vector<64x2048xf32> to vector<64x256xf32>
    %get3A_3133 = arith.constant 768 : index
    %get3A_3134 = arith.constant 0 : index
    %get3A_3135 = vector.load %arg4[%get3A_3133, %get3A_3134] : memref<2048x2048xf32, #tpu.memory_space<vmem>>, vector<256x2048xf32>
    %dot_general3A_3136 = arith.constant dense<0.000000e+00> : vector<64x2048xf32>
    %dot_general3A_3137 = tpu.matmul %slice3A_3132, %get3A_3135, %dot_general3A_3136 {dimension_numbers = #tpu.dot_dimension_numbers<[1], [0], [0], [1], [0, 0, 1, 1], [], []>, transpose_lhs_hint = false} : vector<64x256xf32>, vector<256x2048xf32>, vector<64x2048xf32> -> vector<64x2048xf32>
    %add3A_3138 = arith.addf %add3A_3131, %dot_general3A_3137 : vector<64x2048xf32>
    %slice3A_3139 = vector.extract_strided_slice %mul3A_3108 {offsets = [0, 1024], sizes = [64, 256], strides = [1, 1]} : vector<64x2048xf32> to vector<64x256xf32>
    %get3A_3140 = arith.constant 1024 : index
    %get3A_3141 = arith.constant 0 : index
    %get3A_3142 = vector.load %arg4[%get3A_3140, %get3A_3141] : memref<2048x2048xf32, #tpu.memory_space<vmem>>, vector<256x2048xf32>
    %dot_general3A_3143 = arith.constant dense<0.000000e+00> : vector<64x2048xf32>
    %dot_general3A_3144 = tpu.matmul %slice3A_3139, %get3A_3142, %dot_general3A_3143 {dimension_numbers = #tpu.dot_dimension_numbers<[1], [0], [0], [1], [0, 0, 1, 1], [], []>, transpose_lhs_hint = false} : vector<64x256xf32>, vector<256x2048xf32>, vector<64x2048xf32> -> vector<64x2048xf32>
    %add3A_3145 = arith.addf %add3A_3138, %dot_general3A_3144 : vector<64x2048xf32>
    %slice3A_3146 = vector.extract_strided_slice %mul3A_3108 {offsets = [0, 1280], sizes = [64, 256], strides = [1, 1]} : vector<64x2048xf32> to vector<64x256xf32>
    %get3A_3147 = arith.constant 1280 : index
    %get3A_3148 = arith.constant 0 : index
    %get3A_3149 = vector.load %arg4[%get3A_3147, %get3A_3148] : memref<2048x2048xf32, #tpu.memory_space<vmem>>, vector<256x2048xf32>
    %dot_general3A_3150 = arith.constant dense<0.000000e+00> : vector<64x2048xf32>
    %dot_general3A_3151 = tpu.matmul %slice3A_3146, %get3A_3149, %dot_general3A_3150 {dimension_numbers = #tpu.dot_dimension_numbers<[1], [0], [0], [1], [0, 0, 1, 1], [], []>, transpose_lhs_hint = false} : vector<64x256xf32>, vector<256x2048xf32>, vector<64x2048xf32> -> vector<64x2048xf32>
    %add3A_3152 = arith.addf %add3A_3145, %dot_general3A_3151 : vector<64x2048xf32>
    %slice3A_3153 = vector.extract_strided_slice %mul3A_3108 {offsets = [0, 1536], sizes = [64, 256], strides = [1, 1]} : vector<64x2048xf32> to vector<64x256xf32>
    %get3A_3154 = arith.constant 1536 : index
    %get3A_3155 = arith.constant 0 : index
    %get3A_3156 = vector.load %arg4[%get3A_3154, %get3A_3155] : memref<2048x2048xf32, #tpu.memory_space<vmem>>, vector<256x2048xf32>
    %dot_general3A_3157 = arith.constant dense<0.000000e+00> : vector<64x2048xf32>
    %dot_general3A_3158 = tpu.matmul %slice3A_3153, %get3A_3156, %dot_general3A_3157 {dimension_numbers = #tpu.dot_dimension_numbers<[1], [0], [0], [1], [0, 0, 1, 1], [], []>, transpose_lhs_hint = false} : vector<64x256xf32>, vector<256x2048xf32>, vector<64x2048xf32> -> vector<64x2048xf32>
    %add3A_3159 = arith.addf %add3A_3152, %dot_general3A_3158 : vector<64x2048xf32>
    %slice3A_3160 = vector.extract_strided_slice %mul3A_3108 {offsets = [0, 1792], sizes = [64, 256], strides = [1, 1]} : vector<64x2048xf32> to vector<64x256xf32>
    %get3A_3161 = arith.constant 1792 : index
    %get3A_3162 = arith.constant 0 : index
    %get3A_3163 = vector.load %arg4[%get3A_3161, %get3A_3162] : memref<2048x2048xf32, #tpu.memory_space<vmem>>, vector<256x2048xf32>
    %dot_general3A_3164 = arith.constant dense<0.000000e+00> : vector<64x2048xf32>
    %dot_general3A_3165 = tpu.matmul %slice3A_3160, %get3A_3163, %dot_general3A_3164 {dimension_numbers = #tpu.dot_dimension_numbers<[1], [0], [0], [1], [0, 0, 1, 1], [], []>, transpose_lhs_hint = false} : vector<64x256xf32>, vector<256x2048xf32>, vector<64x2048xf32> -> vector<64x2048xf32>
    %add3A_3166 = arith.addf %add3A_3159, %dot_general3A_3165 : vector<64x2048xf32>
    %get3A_3167 = arith.constant 384 : index
    %get3A_3168 = arith.constant 0 : index
    %get3A_3169 = vector.load %arg0[%get3A_3167, %get3A_3168] : memref<512x2048xf32, #tpu.memory_space<vmem>>, vector<64x2048xf32>
    %mul3A_3170 = arith.mulf %add3A_3166, %get3A_3169 : vector<64x2048xf32>
    %broadcast_in_dim3A_3171 = arith.constant 0.000000e+00 : f32
    %broadcast_in_dim3A_3172 = vector.broadcast %broadcast_in_dim3A_3171 : f32 to vector<64x2048xf32>
    %slice3A_3173 = vector.extract_strided_slice %mul3A_3170 {offsets = [0, 0], sizes = [64, 256], strides = [1, 1]} : vector<64x2048xf32> to vector<64x256xf32>
    %get3A_3174 = arith.constant 0 : index
    %get3A_3175 = arith.constant 0 : index
    %get3A_3176 = vector.load %arg4[%get3A_3174, %get3A_3175] : memref<2048x2048xf32, #tpu.memory_space<vmem>>, vector<256x2048xf32>
    %dot_general3A_3177 = arith.constant dense<0.000000e+00> : vector<64x2048xf32>
    %dot_general3A_3178 = tpu.matmul %slice3A_3173, %get3A_3176, %dot_general3A_3177 {dimension_numbers = #tpu.dot_dimension_numbers<[1], [0], [0], [1], [0, 0, 1, 1], [], []>, transpose_lhs_hint = false} : vector<64x256xf32>, vector<256x2048xf32>, vector<64x2048xf32> -> vector<64x2048xf32>
    %add3A_3179 = arith.addf %broadcast_in_dim3A_3172, %dot_general3A_3178 : vector<64x2048xf32>
    %slice3A_3180 = vector.extract_strided_slice %mul3A_3170 {offsets = [0, 256], sizes = [64, 256], strides = [1, 1]} : vector<64x2048xf32> to vector<64x256xf32>
    %get3A_3181 = arith.constant 256 : index
    %get3A_3182 = arith.constant 0 : index
    %get3A_3183 = vector.load %arg4[%get3A_3181, %get3A_3182] : memref<2048x2048xf32, #tpu.memory_space<vmem>>, vector<256x2048xf32>
    %dot_general3A_3184 = arith.constant dense<0.000000e+00> : vector<64x2048xf32>
    %dot_general3A_3185 = tpu.matmul %slice3A_3180, %get3A_3183, %dot_general3A_3184 {dimension_numbers = #tpu.dot_dimension_numbers<[1], [0], [0], [1], [0, 0, 1, 1], [], []>, transpose_lhs_hint = false} : vector<64x256xf32>, vector<256x2048xf32>, vector<64x2048xf32> -> vector<64x2048xf32>
    %add3A_3186 = arith.addf %add3A_3179, %dot_general3A_3185 : vector<64x2048xf32>
    %slice3A_3187 = vector.extract_strided_slice %mul3A_3170 {offsets = [0, 512], sizes = [64, 256], strides = [1, 1]} : vector<64x2048xf32> to vector<64x256xf32>
    %get3A_3188 = arith.constant 512 : index
    %get3A_3189 = arith.constant 0 : index
    %get3A_3190 = vector.load %arg4[%get3A_3188, %get3A_3189] : memref<2048x2048xf32, #tpu.memory_space<vmem>>, vector<256x2048xf32>
    %dot_general3A_3191 = arith.constant dense<0.000000e+00> : vector<64x2048xf32>
    %dot_general3A_3192 = tpu.matmul %slice3A_3187, %get3A_3190, %dot_general3A_3191 {dimension_numbers = #tpu.dot_dimension_numbers<[1], [0], [0], [1], [0, 0, 1, 1], [], []>, transpose_lhs_hint = false} : vector<64x256xf32>, vector<256x2048xf32>, vector<64x2048xf32> -> vector<64x2048xf32>
    %add3A_3193 = arith.addf %add3A_3186, %dot_general3A_3192 : vector<64x2048xf32>
    %slice3A_3194 = vector.extract_strided_slice %mul3A_3170 {offsets = [0, 768], sizes = [64, 256], strides = [1, 1]} : vector<64x2048xf32> to vector<64x256xf32>
    %get3A_3195 = arith.constant 768 : index
    %get3A_3196 = arith.constant 0 : index
    %get3A_3197 = vector.load %arg4[%get3A_3195, %get3A_3196] : memref<2048x2048xf32, #tpu.memory_space<vmem>>, vector<256x2048xf32>
    %dot_general3A_3198 = arith.constant dense<0.000000e+00> : vector<64x2048xf32>
    %dot_general3A_3199 = tpu.matmul %slice3A_3194, %get3A_3197, %dot_general3A_3198 {dimension_numbers = #tpu.dot_dimension_numbers<[1], [0], [0], [1], [0, 0, 1, 1], [], []>, transpose_lhs_hint = false} : vector<64x256xf32>, vector<256x2048xf32>, vector<64x2048xf32> -> vector<64x2048xf32>
    %add3A_3200 = arith.addf %add3A_3193, %dot_general3A_3199 : vector<64x2048xf32>
    %slice3A_3201 = vector.extract_strided_slice %mul3A_3170 {offsets = [0, 1024], sizes = [64, 256], strides = [1, 1]} : vector<64x2048xf32> to vector<64x256xf32>
    %get3A_3202 = arith.constant 1024 : index
    %get3A_3203 = arith.constant 0 : index
    %get3A_3204 = vector.load %arg4[%get3A_3202, %get3A_3203] : memref<2048x2048xf32, #tpu.memory_space<vmem>>, vector<256x2048xf32>
    %dot_general3A_3205 = arith.constant dense<0.000000e+00> : vector<64x2048xf32>
    %dot_general3A_3206 = tpu.matmul %slice3A_3201, %get3A_3204, %dot_general3A_3205 {dimension_numbers = #tpu.dot_dimension_numbers<[1], [0], [0], [1], [0, 0, 1, 1], [], []>, transpose_lhs_hint = false} : vector<64x256xf32>, vector<256x2048xf32>, vector<64x2048xf32> -> vector<64x2048xf32>
    %add3A_3207 = arith.addf %add3A_3200, %dot_general3A_3206 : vector<64x2048xf32>
    %slice3A_3208 = vector.extract_strided_slice %mul3A_3170 {offsets = [0, 1280], sizes = [64, 256], strides = [1, 1]} : vector<64x2048xf32> to vector<64x256xf32>
    %get3A_3209 = arith.constant 1280 : index
    %get3A_3210 = arith.constant 0 : index
    %get3A_3211 = vector.load %arg4[%get3A_3209, %get3A_3210] : memref<2048x2048xf32, #tpu.memory_space<vmem>>, vector<256x2048xf32>
    %dot_general3A_3212 = arith.constant dense<0.000000e+00> : vector<64x2048xf32>
    %dot_general3A_3213 = tpu.matmul %slice3A_3208, %get3A_3211, %dot_general3A_3212 {dimension_numbers = #tpu.dot_dimension_numbers<[1], [0], [0], [1], [0, 0, 1, 1], [], []>, transpose_lhs_hint = false} : vector<64x256xf32>, vector<256x2048xf32>, vector<64x2048xf32> -> vector<64x2048xf32>
    %add3A_3214 = arith.addf %add3A_3207, %dot_general3A_3213 : vector<64x2048xf32>
    %slice3A_3215 = vector.extract_strided_slice %mul3A_3170 {offsets = [0, 1536], sizes = [64, 256], strides = [1, 1]} : vector<64x2048xf32> to vector<64x256xf32>
    %get3A_3216 = arith.constant 1536 : index
    %get3A_3217 = arith.constant 0 : index
    %get3A_3218 = vector.load %arg4[%get3A_3216, %get3A_3217] : memref<2048x2048xf32, #tpu.memory_space<vmem>>, vector<256x2048xf32>
    %dot_general3A_3219 = arith.constant dense<0.000000e+00> : vector<64x2048xf32>
    %dot_general3A_3220 = tpu.matmul %slice3A_3215, %get3A_3218, %dot_general3A_3219 {dimension_numbers = #tpu.dot_dimension_numbers<[1], [0], [0], [1], [0, 0, 1, 1], [], []>, transpose_lhs_hint = false} : vector<64x256xf32>, vector<256x2048xf32>, vector<64x2048xf32> -> vector<64x2048xf32>
    %add3A_3221 = arith.addf %add3A_3214, %dot_general3A_3220 : vector<64x2048xf32>
    %slice3A_3222 = vector.extract_strided_slice %mul3A_3170 {offsets = [0, 1792], sizes = [64, 256], strides = [1, 1]} : vector<64x2048xf32> to vector<64x256xf32>
    %get3A_3223 = arith.constant 1792 : index
    %get3A_3224 = arith.constant 0 : index
    %get3A_3225 = vector.load %arg4[%get3A_3223, %get3A_3224] : memref<2048x2048xf32, #tpu.memory_space<vmem>>, vector<256x2048xf32>
    %dot_general3A_3226 = arith.constant dense<0.000000e+00> : vector<64x2048xf32>
    %dot_general3A_3227 = tpu.matmul %slice3A_3222, %get3A_3225, %dot_general3A_3226 {dimension_numbers = #tpu.dot_dimension_numbers<[1], [0], [0], [1], [0, 0, 1, 1], [], []>, transpose_lhs_hint = false} : vector<64x256xf32>, vector<256x2048xf32>, vector<64x2048xf32> -> vector<64x2048xf32>
    %add3A_3228 = arith.addf %add3A_3221, %dot_general3A_3227 : vector<64x2048xf32>
    %get3A_3229 = arith.constant 448 : index
    %get3A_3230 = arith.constant 0 : index
    %get3A_3231 = vector.load %arg0[%get3A_3229, %get3A_3230] : memref<512x2048xf32, #tpu.memory_space<vmem>>, vector<64x2048xf32>
    %mul3A_3232 = arith.mulf %add3A_3228, %get3A_3231 : vector<64x2048xf32>
    %swap3A_3233 = arith.constant 0 : index
    %swap3A_3234 = arith.constant 0 : index
    %swap3A_3235 = vector.load %arg3[%swap3A_3233, %swap3A_3234] : memref<64x2048xf32, #tpu.memory_space<vmem>>, vector<64x2048xf32>
    tpu.vector_store %arg3[%swap3A_3233, %swap3A_3234], %mul3A_3232 {strides = array<i32>} : memref<64x2048xf32, #tpu.memory_space<vmem>>, vector<64x2048xf32>,
    return
  }
}

</mosaic_0001>

<sc_bundles>
// kernel: scatter_offload_async_start
scs
__scs_entry_jumppad:
0x0: {  	(pc) =	sbr.rel $0x88, $3  }
0x1: {  	(tag) =	ssettag $0x0;
	lr =	simm.s32 $0x1  }
0x2: {  	[smem:$0x3F9D] =	sst lr;
	_ =	strace $0xD0000000  }
0x3: {  	_ = 	snop  }
0x4: {  	_ = 	snop  }
0x5: {  	_ = 	snop  }
0x6: {  	_ = 	snop  }
0x7: {  	_ = 	snop  }
__scs_overlays_trampoline_lowered:
0x8: {  	[smem:$0x3FAC] =	sst s0  }
0x9: {  	[smem:$0x3FAD] =	sst s1  }
0xa: {  	[smem:$0x3FAE] =	sst s2  }
0xb: {  	[smem:$0x3FAF] =	sst s3  }
0xc: {  	[smem:$0x3FB0] =	sst s4  }
0xd: {  	[smem:$0x3FB1] =	sst s5  }
0xe: {  	[smem:$0x3FB2] =	sst s6  }
0xf: {  	[smem:$0x3FB3] =	sst s7  }
0x10: {  	[smem:$0x3FB4] =	sst s8  }
0x11: {  	[smem:$0x3FB5] =	sst s9;
	s0 =	simm.s32 @!p0 $0x0  }
0x12: {  	s1 =	sld [smem:$0x3F9B];
	s0 =	simm.s32 @p0 $0x1  }
0x13: {  	[smem:$0x3FB6] =	sst s0;
	s0 =	simm.s32 @!p1 $0x0  }
0x14: {  	s2 =	sld [smem:$0x3F9A];
	s0 =	simm.s32 @p1 $0x1  }
0x15: {  	[smem:$0x3FB7] =	sst s0;
	s0 =	simm.s32 @!p2 $0x0  }
0x16: {  	s3 =	sld [smem:$0x3FDB];
	s0 =	simm.s32 @p2 $0x1  }
0x17: {  	s4 =	simm.s32 $0x1BF5;
	[smem:$0x3FB9] =	sst s0  }
0x18: {  	s0 =	sld [smem:$0x3F9C];
	_ =	swait.ge [sflag:s4], $0x0  }
0x19: {  	s7 =	sld [smem:$0x3F9D]  }
0x1a: {  	s8 =	sadd.s32 $0xFFFFE003, lr  }
0x1b: {  	s9 =	sadd.s32 $0xFFFFFEF7, lr;
	s5 =	simm.s32 $0xFFFFFFFF;
	p2 =	slt.u32 s8, $0xFFFFF086  }
0x1c: {  	p1 =	slt.u32 s9, $0xF7A;
	s5 =	simm.s32 @!p2 $0x0  }
0x1d: {  	s5 =	simm.s32 @p1 $0x1;
	p0 =	seq.s32 s7, s2  }
0x1e: {  	s7 =	smul.u32 @!p0 $0xF7A, s2;
	p2 =	seq.s32 @!p0 s5, $0x0  }
0x1f: {  	s9 =	smul.u32 $0xF7A, s1;
	s8 =	simm.s32 @!p0 $0x1BF5;
	p2 =	por !p2, p0  }
0x20: {  	[sflag:s8] =	ssyncset.s32 @!p0 $0xFFFFF086;
	s6 =	sadd.s32 @!p0 s3, s7;
	s7 =	simm.s32 @!p0 $0x108  }
0x21: {  	s3 =	sadd.s32 s3, s9;
	s6 =	sadd.s32 @!p0 $0x88, s6;
	s7 =	simm.s32 @p2 $0x1082  }
0x22: {  	[simem:s7], [sflag:s8] =	dma.local @!p0 [hbm:s6], $0xF7A  }
0x23: {  	s9 =	sor.u32 $0xD0000000, s2;
	s6 =	simm.s32 $0x108;
	_ =	swait.ge @!p0 [sflag:s8], $0x0  }
0x24: {  	s3 =	sadd.s32 $0x88, s3;
	s6 =	simm.s32 @!p1 $0x1082;
	[sflag:s4] =	ssyncset.s32 $0xFFFFF086  }
0x25: {  	[simem:s6], [sflag:s4] =	dma.local [hbm:s3], $0xF7A  }
0x26: {  	[smem:$0x3F9D] =	sst s1;
	(tag) =	ssettag s2;
	_ =	strace s9  }
0x27: {  	s1 =	sld [smem:$0x3FAD]  }
0x28: {  	s2 =	sld [smem:$0x3FAE]  }
0x29: {  	s4 =	sld [smem:$0x3FB0]  }
0x2a: {  	p0 =	seq.s32 s5, $0x0;
	s5 =	sld [smem:$0x3FB1]  }
0x2b: {  	s6 =	sld [smem:$0x3FB2]  }
0x2c: {  	s7 =	sld [smem:$0x3FB3]  }
0x2d: {  	s3 =	simm.s32 $0x108;
	s8 =	sld [smem:$0x3FB4]  }
0x2e: {  	s3 =	simm.s32 @!p0 $0x1082;
	s9 =	sld [smem:$0x3FB5]  }
0x2f: {  	lr =	sadd.s32 s0, s3;
	s0 =	sld [smem:$0x3FAC]  }
0x30: {  	s3 =	sld [smem:$0x3FAF]  }
0x31: {  	[smem:$0x3FB8] =	sst s10  }
0x32: {  	s10 =	sld [smem:$0x3FB6];
	_ =	sdelay $0x3  }
0x33: {  	p0 =	seq.s32 s10, $0x1;
	s10 =	sld [smem:$0x3FB8];
	_ =	sdelay $0x3  }
0x34: {  	[smem:$0x3FB8] =	sst s10  }
0x35: {  	s10 =	sld [smem:$0x3FB7];
	_ =	sdelay $0x3  }
0x36: {  	p1 =	seq.s32 s10, $0x1;
	s10 =	sld [smem:$0x3FB8];
	_ =	sdelay $0x3  }
0x37: {  	[smem:$0x3FB8] =	sst s10  }
0x38: {  	s10 =	sld [smem:$0x3FB9]  }
0x39: {  	_ = 	snop;
	(pc) =	sbr.ind lr, $3  }
0x3a: {  	_ = 	snop  }
0x3b: {  	_ = 	snop  }
0x3c: {  	p2 =	seq.s32 s10, $0x1;
	s10 =	sld [smem:$0x3FB8]  }
0x3d: {  	_ =	shalt  }
0x3e: {  	_ =	shalt  }
0x3f: {  	_ =	shalt  }
0x40: {  	_ =	shalt  }
0x41: {  	_ =	shalt  }
0x42: {  	_ =	shalt  }
0x43: {  	_ =	shalt  }
0x44: {  	_ =	shalt  }
0x45: {  	_ =	shalt  }
0x46: {  	_ =	shalt  }
0x47: {  	_ =	shalt  }
0x48: {  	_ =	shalt  }
0x49: {  	_ =	shalt  }
0x4a: {  	_ =	shalt  }
0x4b: {  	_ =	shalt  }
0x4c: {  	_ =	shalt  }
0x4d: {  	_ =	shalt  }
0x4e: {  	_ =	shalt  }
0x4f: {  	_ =	shalt  }
0x50: {  	_ =	shalt  }
0x51: {  	_ =	shalt  }
0x52: {  	_ =	shalt  }
0x53: {  	_ =	shalt  }
0x54: {  	_ =	shalt  }
0x55: {  	_ =	shalt  }
0x56: {  	_ =	shalt  }
0x57: {  	_ =	shalt  }
0x58: {  	_ =	shalt  }
0x59: {  	_ =	shalt  }
0x5a: {  	_ =	shalt  }
0x5b: {  	_ =	shalt  }
0x5c: {  	_ =	shalt  }
0x5d: {  	_ =	shalt  }
0x5e: {  	_ =	shalt  }
0x5f: {  	_ =	shalt  }
0x60: {  	_ =	shalt  }
0x61: {  	_ =	shalt  }
0x62: {  	_ =	shalt  }
0x63: {  	_ =	shalt  }
0x64: {  	_ =	shalt  }
0x65: {  	_ =	shalt  }
0x66: {  	_ =	shalt  }
0x67: {  	_ =	shalt  }
0x68: {  	_ =	shalt  }
0x69: {  	_ =	shalt  }
0x6a: {  	_ =	shalt  }
0x6b: {  	_ =	shalt  }
0x6c: {  	_ =	shalt  }
0x6d: {  	_ =	shalt  }
0x6e: {  	_ =	shalt  }
0x6f: {  	_ =	shalt  }
0x70: {  	_ =	shalt  }
0x71: {  	_ =	shalt  }
0x72: {  	_ =	shalt  }
0x73: {  	_ =	shalt  }
0x74: {  	_ =	shalt  }
0x75: {  	_ =	shalt  }
0x76: {  	_ =	shalt  }
0x77: {  	_ =	shalt  }
0x78: {  	_ =	shalt  }
0x79: {  	_ =	shalt  }
0x7a: {  	_ =	shalt  }
0x7b: {  	_ =	shalt  }
0x7c: {  	_ =	shalt  }
0x7d: {  	_ =	shalt  }
0x7e: {  	_ =	shalt  }
0x7f: {  	_ =	shalt  }
0x80: {  	_ =	shalt  }
0x81: {  	_ =	shalt  }
0x82: {  	_ =	shalt  }
0x83: {  	_ =	shalt  }
0x84: {  	_ =	shalt  }
0x85: {  	_ =	shalt  }
0x86: {  	_ =	shalt  }
0x87: {  	_ =	shalt  }
.Lfunc_end0:
.L_simem_size_0:
called_computation_lowered:
.L_overlay_start_0:
0x88: {  	s0 =	sld [smem:$0x3FD9]  }
0x89: {  	s1 =	sld [smem:$0x3FFE];
	_ =	sdelay $0x3  }
0x8a: {  	s0 =	sadd.s32 s1, s0  }
0x8b: {  	[smem:$0x3FC4] =	sst s0  }
0x8c: {  	_ = 	snop  }
0x8d: {  	s0 =	sld [smem:$0x3FD0];
	(tm) =	ssettm $0x1  }
0x8e: {  	s16 =	sld [smem:$0x3FFB];
	_ =	sdelay $0x3  }
0x8f: {  	_ =	strace s16  }
0x90: {  	s1 =	sld [smem:$0x3FFC];
	_ =	sdelay $0x3  }
0x91: {  	_ =	strace s1  }
0x92: {  	s1 =	sld [smem:$0x3FFD];
	_ =	sdelay $0x3  }
0x93: {  	_ =	strace s1  }
0x94: {  	_ =	strace $0x8FFFFFFF  }
0x95: {  	s17 =	sld [smem:$0x3FDB];
	_ =	sdelay $0x1  }
0x96: {  	s2 =	simm.s32 $_scs_section_size  }
0x97: {  	s3 =	simm.s32 $_size__tile_overlayer_lowered;
	s4 =	simm.s32 $_tile_overlayer_lowered  }
0x98: {  	s20 =	simm.s32 $0x1BFF;
	s19 =	sshll.u32 s4, $0x1;
	s1 =	sadd.s32 s2, s17  }
0x99: {  	s5 =	simm.s32 $0x0;
	s18 =	sshll.u32 s3, $0x1;
	s3 =	sadd.s32 s19, s1  }
0x9a: {  	[timem:s5], [sflag:s20] =	dma.local [hbm:s3], s18  }
0x9b: {  	_ =	swait.ge [sflag:s20], s18  }
0x9c: {  	s2 =	ssub.s32 $0x0, s18;
	[sflag:s20] =	ssyncset.done $0x0  }
0x9d: {  	[sflag:s20] =	ssyncadd.s32 s2;
	_ =	sdelay $0x1  }
0x9e: {  	s21 =	simm.s32 $0x1B8B  }
0x9f: {  	_ =	swait.ge [sflag:s21], $0x1  }
0xa0: {  	[sflag:s21] =	ssyncset.done $0x0  }
0xa1: {  	s23 =	simm.s32 $0x1B8E;
	s22 =	sld [smem:$0x3FFE];
	[sflag:s21] =	ssyncadd.s32 $0xFFFFFFFF  }
0xa2: {  	s24 =	simm.s32 $execute0_lowered;
	[smem:$0x3FD2] =	sst s23  }
0xa3: {  	s3 =	sshll.u32 s24, $0x1;
	_ =	strace $0x80000046;
	[dreg:$0x1] =	wrdreg $0xFFFFFFFF  }
0xa4: {  	s25 =	simm.s32 $_size_execute0_lowered;
	s1 =	sadd.s32 s1, s3;
	[dreg:$0x0] =	wrdreg $0x0  }
0xa5: {  	s3 =	sshll.u32 s25, $0x1;
	[dreg:$0x2] =	wrdreg s1  }
0xa6: {  	[dreg:$0x3] =	wrdreg s3  }
0xa7: {  	[dreg:$0x4] =	wrdreg $0xC0  }
0xa8: {  	_ =	task [dreg:s5], $0x5FFFF  }
0xa9: {  	[dreg:$0x1] =	wrdreg $0xFFFFFFFF  }
0xaa: {  	[dreg:$0x0] =	wrdreg $0x60  }
0xab: {  	[dreg:$0x2] =	wrdreg s22  }
0xac: {  	[dreg:$0x3] =	wrdreg s0  }
0xad: {  	[dreg:$0x4] =	wrdreg $0x9  }
0xae: {  	_ =	task.clear_ibuf [dreg:s5], $0x5FFFF;
	_ =	strace $0x90000046  }
0xaf: {  	s26 =	simm.s32 $0x9;
	_ =	strace $0x80000048  }
0xb0: {  	_ =	swait.ge [sflag:s26], $0x1  }
0xb1: {  	[sflag:s26] =	ssyncadd.s32 $0xFFFFFFFF  }
0xb2: {  	_ =	strace $0x90000048  }
0xb3: {  	_ =	sfence  }
0xb4: {  	s28 =	sld [smem:$0x0];
	_ =	sdelay $0x1  }
0xb5: {  	s29 =	srdreg.scid  }
0xb6: {  	s30 =	sshll.u32 s29, $0xD;
	s31 =	sshrl.u32 s29, $0x2  }
0xb7: {  	s2 =	sand.u32 $0x4000, s30;
	s1 =	sand.u32 $0x1, s29;
	s0 =	sadd.s32 s31, s28  }
0xb8: {  	s1 =	sor.u32 s2, s1;
	s0 =	sshll.u32 s0, $0x11  }
0xb9: {  	s0 =	sor.u32 s0, s1  }
0xba: {  	s0 =	sadd.s32 $0x8F2B, s0  }
0xbb: {  	[sflag:s0] =	ssyncadd.remote.s32 $0x1  }
0xbc: {  	_ =	sfence.sel $0xFFFF  }
0xbd: {  	[dreg:$0x0] =	wrdreg $0xFFFFFFFF;
	(pc) =	sbr.abs _section_cstart, $3  }
0xbe: {  	[dreg:$0x1] =	wrdreg $0xFFFFFFFF  }
0xbf: {  	_ =	task.clear_ibuf [dreg:s5], $0x2FFFF;
	_ =	strace $0x9FFFFFFF  }
0xc0: {  	(tm) =	ssettm $0x7FFFFFFF  }
0xc1: {  	_ =	shalt  }
tec
execute0_lowered:
.L_overlay_start_1:
0x0: {  	(tag) =	ssettag $0x1  }
0x1: {  	s0 =	rddreg [dreg:$0x0];
	_ =	strace $0x80000047;
	s4 =	simm.s32 $0x1  }
0x2: {  	v1 =	vimm.s32 $0xFFFFFFFF;
	[sflag:s4] =	ssyncpa.u1 $0x0  }
0x3: {  	[tilespmem:$0x10] =	vst v1  }
0x4: {  	v0 =	vimm.f32 $0.0e+00;
	[tilespmem:$0x20] =	vst v1  }
0x5: {  	[tilespmem:$0x30] =	vst v0  }
0x6: {  	s2 =	simm.s32 $0x2;
	s6 =	simm.s32 $0x7;
	s26 =	stileid.u32;
	[tilespmem:$0x40] =	vst v0  }
0x7: {  	s7 =	simm.s32 $0x8;
	s31 =	simm.s32 $0x9;
	s14 =	simm.s32 $0x0;
	[tilespmem:$0x50] =	vst v0  }
0x8: {  	s15 =	simm.s32 $0x100;
	s17 =	simm.s32 $0x2FF;
	s18 =	simm.s32 $0x10;
	[tilespmem:$0x60] =	vst v1  }
0x9: {  	s19 =	simm.s32 $0x1300;
	s20 =	simm.s32 $0xF;
	s21 =	simm.s32 $0x50;
	[tilespmem:$0x70] =	vst v1  }
0xa: {  	s22 =	simm.s32 $0x8FF;
	s23 =	simm.s32 $0x20;
	s24 =	simm.s32 $0x30;
	[tilespmem:$0x80] =	vst v1  }
0xb: {  	s25 =	simm.s32 $0x10FF;
	s30 =	simm.s32 $0x0;
	s29 =	simm.s32 $0x0;
	v1 =	vimm.s32 $0x0;
	[tilespmem:$0xB0] =	vst v0  }
.Ltmp0:
0xc: {  	s1 =	sadd.s32 $0x278400, s0;
	s5 =	sadd.s32 $0x278000, s0;
	[tilespmem:$0x90] =	vst v1;
	(pc) =	sbr.rel .LBB2_1-.Ltmp0, $4  }
0xd: {  	s8 =	sshll.u32 s26, $0x9;
	s10 =	sshll.u32 s26, $0x1;
	[tilespmem:$0xA0] =	vst v1;
	[sflag:s2] =	ssyncpa.u1 $0x0  }
0xe: {  	s12 =	sshllo.u32 s26, $0x1;
	s26 =	simm.s32 $0x80;
	[sflag:s6] =	ssyncpa.u1 $0x0  }
0xf: {  	vm0 =	vmmov $0xffff;
	v2 =	vlaneseq.u32;
	s9 =	sadd.s32 $0x200, s8;
	s11 =	sor.u32 $0x81, s10;
	[sflag:s7] =	ssyncpa.u1 $0x0  }
0x10: {  	vm1 =	vmxor vm1, vm1;
	vm2 =	vmmov $0x1;
	vm3 =	vcmask $0x3F3C;
	s13 =	sor.u32 $0x80, s10;
	s28 =	smov.u32 s8;
	[sflag:s31] =	ssyncpa.u1 $0x0  }
.LBB2_3:
0x11: {  	s0 =	sshrl.u32 s28, $0x3;
	s2 =	rddreg [dreg:$0x1]  }
0x12: {  	s31 =	sand.u32 $0x7, s28;
	s0 =	sadd.s32 s2, s0  }
0x13: {  	[tilespmem:s15], [sflag:$0x7] =	stream.linear.gather [hbm4b:s0+s31], $0x200, $0x38;
	[tilespmem:$0x1320] =	vst v63  }
.LBB2_4:
0x14: {  	s0 =	sadd.s32 $0x200, s28  }
0x15: {  	s2 =	smov.u32 s8;
	s29 =	sadd.s32 $0x1, s29;
	p0 =	slt.s32 s0, s9  }
0x16: {  	s2 =	smov.u32 @p0 s0;
	p0 =	sne.s32 s29, $0x4  }
.Ltmp1:
0x17: {  	_ = 	snop;
	(pc) =	sbr.rel @!p0 .LBB2_13-.Ltmp1, $2  }
0x18: {  	_ =	sdelay $0x2  }
0x19: {  	s30 =	smov.u32 s28;
	s28 =	smov.u32 s2  }
.LBB2_1:
0x1a: {  	p0 =	sgt.s32 s29, $0x1  }
.Ltmp2:
0x1b: {  	_ = 	snop;
	(pc) =	sbr.rel @p0 .LBB2_11-.Ltmp2, $1  }
0x1c: {  	_ =	sdelay $0x3  }
0x1d: {  	p0 =	seq.s32 s29, $0x0  }
.Ltmp3:
0x1e: {  	_ = 	snop;
	(pc) =	sbr.rel @p0 .LBB2_3-.Ltmp3, $1  }
0x1f: {  	_ =	sdelay $0x3  }
0x20: {  	_ =	swait.ge [sflag:s6], $0x200  }
0x21: {  	[sflag:s6] =	ssyncset.done $0x0  }
0x22: {  	[sflag:s6] =	ssyncadd.s32 $0xFFFFFE00;
	(ifvalue) =	ssetifvalue $0xFFFFFFFF;
	v3 =	vld.msk [tilespmem:s15+$0x0 ss:$0x1], $0xffff;
	_ =	sdelay $0x4  }
0x23: {  	v4 =	vperm.xlane v3, v1  }
0x24: {  	vm4 =	vlt.u32 v3, $0x4E2000  }
0x25: {  	v3 =	vnsel vm4, $0xFFFFFFFE, v3;
	vm4 =	vlt.u32 v4, $0x4E2000  }
0x26: {  	[tilespmem:$0x70] =	vst v3;
	v3 =	vnsel vm4, $0xFFFFFFFE, v4  }
0x27: {  	s16 =	simm.s32 $0x2F0;
	[tilespmem:$0x80] =	vst v3  }
0x28: {  	v3 =	vld.msk [tilespmem:s16+$0x0 ss:$0x1], $0xffff;
	_ =	sdelay $0x4  }
0x29: {  	(xrf1) =	vunique.msk.u32 $0xffff, v3;
	_ =	sdelay $0xd  }
0x2a: {  	v4 =	vimm.s32 $0xFFFFFFFF;
	v5, _, _ =	vpop (xrf1)  }
0x2b: {  	vm5 =	vne.s32 v3, v4;
	vm4 =	veq.s32 v5, v2  }
0x2c: {  	vm6 =	vlt.u32 v3, $0x4E2000;
	vm4 =	vmand vm5, vm4  }
0x2d: {  	vm4 =	vmand vm6, vm4  }
0x2e: {  	v4 =	vnsel vm4, $0xFFFFFFFF, v3;
	_ =	sdelay $0x3  }
0x2f: {  	s0 =	simm.s32 $0x8F0;
	(ifvalue) =	ssetifvalue $0xFFFFFFFF  }
0x30: {  	v3 =	vperm.xlane v3, v1;
	[tilespmem:s0], [sflag:$0x8] =	stream.indirect_vreg.gather [hbm4b:s1+s14], $0x1, v4, vm0, $0x4038;
	v4 =	vnsel vm6, $0xFFFFFFFE, v4;
	[tilespmem:$0x1320] =	vst v63  }
0x31: {  	s2 =	simm.s32 $0x0;
	s3 =	simm.s32 $0x2E0;
	[tilespmem:s16+$0x0] =	vst v4  }
.LBB2_6:
0x32: {  	v4 =	vld.msk [tilespmem:s3+$0x0 ss:$0x1], $0xffff;
	s2 =	sadd.s32 $0x10, s2;
	v5 =	vmov v3;
	s16 =	smov.u32 s3  }
0x33: {  	p0 =	slt.u32 s2, $0x1F0;
	_ =	sdelay $0x4  }
0x34: {  	v3 =	vperm.xlane v4, v1;
	(xrf1) =	vunique.msk.u32 $0xffff, v4;
	_ =	sdelay $0xd  }
0x35: {  	v6, _, _ =	vpop (xrf1)  }
0x36: {  	vm5 =	vne.s32 v4, v5;
	vm4 =	veq.s32 v6, v2  }
0x37: {  	vm6 =	vlt.u32 v4, $0x4E2000;
	vm4 =	vmand vm5, vm4  }
0x38: {  	vm4 =	vmand vm6, vm4  }
0x39: {  	v4 =	vnsel vm4, $0xFFFFFFFF, v4  }
.Ltmp4:
0x3a: {  	v5 =	vnsel vm6, $0xFFFFFFFE, v4;
	(pc) =	sbr.rel @p0 .LBB2_6-.Ltmp4, $3  }
0x3b: {  	_ =	sdelay $0x1  }
0x3c: {  	s3 =	sadd.s32 $0xFFFFFFF0, s3;
	s0 =	sadd.s32 $0xFFFFFFF0, s0;
	(ifvalue) =	ssetifvalue $0xFFFFFFFF  }
0x3d: {  	[tilespmem:s0], [sflag:$0x8] =	stream.indirect_vreg.gather [hbm4b:s1+s14], $0x1, v4, vm0, $0x4038;
	[tilespmem:s16+$0x0] =	vst v5  }
.Ltmp5:
0x3e: {  	(pc) =	sbr.rel .LBB2_4-.Ltmp5, $4  }
0x3f: {  	_ = 	snop  }
0x40: {  	s0 =	sshrl.u32 s30, $0x3  }
0x41: {  	s2 =	simm.s32 $0xB00;
	s0 =	sadd.s32 s5, s0  }
0x42: {  	[tilespmem:s2], [sflag:$0x8] =	stream.linear.gather [hbm:s0], $0x200, $0x38;
	[tilespmem:$0x1320] =	vst v63  }
.LBB2_11:
0x43: {  	p0 =	seq.s32 s29, $0x2  }
.Ltmp6:
0x44: {  	_ = 	snop;
	(pc) =	sbr.rel @!p0 .LBB2_12-.Ltmp6, $1  }
0x45: {  	_ =	sdelay $0x3  }
0x46: {  	_ =	swait.ge [sflag:s7], $0x400  }
0x47: {  	[sflag:s7] =	ssyncset.done $0x0  }
0x48: {  	[sflag:s7] =	ssyncadd.s32 $0xFFFFFC00  }
0x49: {  	[spmem:s11] =	stream.linear.scatter [tilespmem:s17], [sflag:$0x1], $0x1, $0x38;
	[tilespmem:$0x1320] =	vst v63  }
0x4a: {  	_ =	swait.ge [sflag:s4], $0x1  }
0x4b: {  	[sflag:s4] =	ssyncset.done $0x0  }
0x4c: {  	[sflag:s4] =	ssyncadd.s32 $0xFFFFFFFF  }
0x4d: {  	v4 =	vld [tilespmem:$0x10]  }
0x4e: {  	v5 =	vld [tilespmem:$0x70]  }
0x4f: {  	v3 =	vld [tilespmem:$0x80];
	_ =	sdelay $0x2  }
0x50: {  	(v2sf) =	vpush v4, $0x0  }
0x51: {  	(v2sf) =	vpush v5, $0x0  }
0x52: {  	(v2sf) =	vpush v3, $0x0;
	_ =	sdelay $0xc  }
0x53: {  	s0 =	spop (v2sf)  }
0x54: {  	s2 =	spop (v2sf)  }
0x55: {  	s30 =	spop (v2sf)  }
0x56: {  	p0 =	seq.s32 s0, s2;
	p1 =	seq.s32 s30, s0  }
0x57: {  	p1 =	por p0, p1  }
0x58: {  	v4 =	vpsel p1, $0xFFFFFFFF, v4  }
0x59: {  	[tilespmem:s18+$0x0] =	vst.msk $0x1, v4  }
0x5a: {  	v4 =	vld [tilespmem:$0x30]  }
0x5b: {  	v5 =	vld [tilespmem:$0xB00]  }
0x5c: {  	v6 =	vld [tilespmem:$0x40];
	_ =	sdelay $0x3  }
0x5d: {  	vm4 =	vmmov vm1;
	v5 =	vadd.f32 v5, v4  }
0x5e: {  	vm5 =	vmmov vm2;
	s31 =	simm.s32 $0xB00;
	vm4 =	vmmov @p0 vm2;
	v4 =	vadd.f32 v6, v4  }
0x5f: {  	vm5 =	vmmov @p1 vm1;
	[tilespmem:s31+$0x0] =	vst.msk vm4, v5  }
0x60: {  	[tilespmem:s19+$0x0] =	vst.msk vm5, v4  }
0x61: {  	v4 =	vld [tilespmem:$0x8F0];
	_ =	sdelay $0x3  }
0x62: {  	v5 =	vimm.f32 $0.0e+00  }
0x63: {  	v4 =	vshift.insert v4, v5, s20;
	_ =	sdelay $0x1  }
0x64: {  	[tilespmem:s21+$0x0] =	vst.msk $0x1, v4  }
0x65: {  	[tilespmem:s22+$0x0] =	vst.msk $0x1, v5  }
0x66: {  	v4 =	vld [tilespmem:$0x2F0];
	_ =	sdelay $0x4  }
0x67: {  	v4 =	vshift.insert v4, v1, s20;
	_ =	sdelay $0x1  }
0x68: {  	[tilespmem:s23+$0x0] =	vst.msk $0x1, v4  }
0x69: {  	s16 =	simm.s32 $0x100;
	v6 =	vld [tilespmem:s31+$0x0]  }
0x6a: {  	v7 =	vld [tilespmem:s16+$0x0];
	_ =	sdelay $0x3  }
0x6b: {  	v5 =	vadd.f32 v6, v5  }
0x6c: {  	vm4 =	vne.s32 v7, $0xFFFFFFFF  }
0x6d: {  	(xrf2) =	vadd.seg.scan.f32 vm4, v5;
	_ =	sdelay $0x3  }
0x6e: {  	s0 =	simm.s32 $0x700;
	v5 =	vperm.xlane v4, v1  }
0x6f: {  	v6 =	vld [tilespmem:s0+$0x0]  }
0x70: {  	vm5 =	veq.s32 v7, v3;
	vm6 =	veq.s32 v7, v5  }
0x71: {  	vm7 =	vgt.u32 v7, $0xFFFFFFFD;
	vm6 =	vmor vm6, vm5  }
0x72: {  	vm6 =	vmor vm6, vm7  }
0x73: {  	v9 =	vld [tilespmem:$0xA0];
	v7 =	vsel vm6, $0xFFFFFFFF, v7  }
0x74: {  	v10 =	vld [tilespmem:$0x90];
	v6 =	vsel vm5, $0x0, v6;
	v8, _, _ =	vpop (xrf2)  }
0x75: {  	v6 =	vadd.f32 v8, v6  }
0x76: {  	s2 =	simm.s32 $0xF00  }
0x77: {  	vm4 =	vmand vm4, vm3;
	[tilespmem:s2+$0x0] =	vst v6;
	(ifvalue) =	ssetifvalue $0xFFFFFFFF  }
0x78: {  	vm6 =	veq.s32 v9, $0x1;
	[hbm4b:s1+s14] =	stream.indirect_vreg.scatter [tilespmem:s2], [sflag:$0x2], $0x1, v7, vm0, $0x4038;
	v7 =	vsel vm4, $0x0, v8;
	[tilespmem:$0x1320] =	vst v63  }
0x79: {  	s3 =	simm.s32 $0x0;
	s16 =	simm.s32 $0x110;
	vm4 =	vmor vm6, vm5;
	v6 =	vsel vm5, v8, v10;
	v7 =	vshift.insert v7, v0, s20  }
.LBB2_9:
0x7a: {  	v8 =	vld [tilespmem:s16+$0x0];
	s31 =	sadd.s32 $0x10, s31  }
0x7b: {  	s0 =	sadd.s32 $0x10, s0;
	v9 =	vld [tilespmem:s31+$0x0]  }
0x7c: {  	s3 =	sadd.s32 $0x10, s3;
	v10 =	vld [tilespmem:s0+$0x0]  }
0x7d: {  	p0 =	slt.u32 s3, $0x1F0;
	_ =	sdelay $0x2  }
0x7e: {  	v7 =	vadd.f32 v9, v7  }
0x7f: {  	vm5 =	vne.s32 v8, $0xFFFFFFFF  }
0x80: {  	vm6 =	vmand vm5, vm3;
	(xrf2) =	vadd.seg.scan.f32 vm5, v7;
	_ =	sdelay $0x5  }
0x81: {  	vm7 =	veq.s32 v8, v5;
	vm5 =	veq.s32 v8, v3  }
0x82: {  	vm8 =	vgt.u32 v8, $0xFFFFFFFD;
	vm4 =	vmor vm4, vm5;
	vm7 =	vmor vm7, vm5  }
0x83: {  	vm7 =	vmor vm7, vm8  }
0x84: {  	v8 =	vsel vm7, $0xFFFFFFFF, v8  }
.Ltmp7:
0x85: {  	v7 =	vsel vm5, $0x0, v10;
	v9, _, _ =	vpop (xrf2);
	(pc) =	sbr.rel @p0 .LBB2_9-.Ltmp7, $4  }
0x86: {  	v6 =	vsel vm5, v9, v6;
	v10 =	vadd.f32 v9, v7;
	v7 =	vsel vm6, $0x0, v9  }
0x87: {  	s2 =	sadd.s32 $0x10, s2;
	v7 =	vshift.insert v7, v0, s20  }
0x88: {  	s16 =	sadd.s32 $0x10, s16;
	[tilespmem:s2+$0x0] =	vst v10;
	(ifvalue) =	ssetifvalue $0xFFFFFFFF  }
0x89: {  	[hbm4b:s1+s14] =	stream.indirect_vreg.scatter [tilespmem:s2], [sflag:$0x2], $0x1, v8, vm0, $0x4038;
	[tilespmem:$0x1320] =	vst v63  }
0x8a: {  	v3 =	vld [tilespmem:$0x10F0];
	_ =	sdelay $0x4  }
0x8b: {  	v3 =	vshift.insert v3, v0, s20;
	_ =	sdelay $0x1  }
0x8c: {  	[tilespmem:s24+$0x0] =	vst.msk $0x1, v3  }
0x8d: {  	v3 =	vsel vm4, $0x1, v1;
	[tilespmem:$0x90] =	vst v6  }
0x8e: {  	[tilespmem:$0xA0] =	vst v3  }
0x8f: {  	[spmem:s12] =	stream.linear.scatter [tilespmem:s25], [sflag:$0x1], $0x1, $0x38;
	[tilespmem:$0x1320] =	vst v63  }
0x90: {  	v3 =	vmctz.xlane vm4;
	_ =	swait.ge [sflag:s4], $0x1  }
0x91: {  	(v2sf) =	vpush v4, $0x0  }
0x92: {  	(v2sf) =	vpush v3, $0x0;
	_ =	sdelay $0xd  }
0x93: {  	s0 =	spop (v2sf)  }
0x94: {  	s2 =	spop (v2sf)  }
0x95: {  	[sflag:s4] =	ssyncset.done $0x0;
	p0 =	sne.s32 s30, s0;
	p1 =	slt.s32 s2, $0xF  }
0x96: {  	[sflag:s4] =	ssyncadd.s32 $0xFFFFFFFF;
	v3 =	vimm.s32 @!p0 $0xFFFFFFFF;
	s2 =	simm.s32 @!p1 $0xF  }
0x97: {  	[tilespmem:$0x80] =	vst @!p0 v3;
	s31 =	sadd.s32 $0x90, s2  }
0x98: {  	[spmem:s10] =	stream.linear.scatter [tilespmem:s31], [sflag:$0x1], $0x1, $0x38;
	[tilespmem:$0x1320] =	vst v63  }
0x99: {  	_ =	swait.ge [sflag:s4], $0x1  }
0x9a: {  	[sflag:s4] =	ssyncset.done $0x0  }
0x9b: {  	[sflag:s4] =	ssyncadd.s32 $0xFFFFFFFF  }
0x9c: {  	[spmem:s13] =	stream.linear.scatter [tilespmem:s26], [sflag:$0x1], $0x1, $0x38;
	[tilespmem:$0x1320] =	vst v63  }
0x9d: {  	_ =	swait.ge [sflag:s4], $0x1  }
0x9e: {  	[sflag:s4] =	ssyncset.done $0x0  }
0x9f: {  	[sflag:s4] =	ssyncadd.s32 $0xFFFFFFFF;
	(ifvalue) =	ssetifvalue $0xFFFFFFFF;
	v3 =	vld [tilespmem:$0x10];
	_ =	sdelay $0x3  }
.Ltmp8:
0xa0: {  	_ = 	snop;
	(pc) =	sbr.rel .LBB2_4-.Ltmp8, $3  }
0xa1: {  	_ =	sdelay $0x1  }
0xa2: {  	(ifvalue) =	ssetifvalue $0xFFFFFFFF  }
0xa3: {  	[hbm4b:s1+s14] =	stream.indirect_vreg.scatter [tilespmem:s19], [sflag:$0x9], $0x1, v3, vm0, $0x4038;
	[tilespmem:$0x1320] =	vst v63  }
.LBB2_12:
0xa4: {  	s0 =	simm.s32 $0x2  }
0xa5: {  	_ =	swait.ge [sflag:s0], $0x200  }
0xa6: {  	[sflag:s0] =	ssyncset.done $0x0  }
0xa7: {  	s31 =	simm.s32 $0x9;
	[sflag:s0] =	ssyncadd.s32 $0xFFFFFE00  }
0xa8: {  	_ =	swait.ge [sflag:s31], $0x10  }
0xa9: {  	[sflag:s31] =	ssyncset.done $0x0  }
0xaa: {  	[sflag:s31] =	ssyncadd.s32 $0xFFFFFFF0  }
.LBB2_13:
0xab: {  	_ =	sfence.sel $0x180000  }
0xac: {  	s0 =	simm.s32 $0x7;
	[bflag:$0x0] =	sbarrier.arrive $0xFFFF  }
0xad: {  	s26 =	simm.s32 $0x8;
	[sflag:s0] =	ssyncpa.u1 $0x1  }
0xae: {  	s28 =	simm.s32 $0x9;
	[sflag:s26] =	ssyncpa.u1 $0x1  }
0xaf: {  	[sflag:s28] =	ssyncpa.u1 $0x1  }
0xb0: {  	_ =	sfence.stream.spmem  }
0xb1: {  	s29 =	simm.s32 $0x3;
	[bflag:$0x0] =	sbarrier.arrive $0xFFFF  }
0xb2: {  	s30 =	simm.s32 $0x4;
	[sflag:s29] =	ssyncpa.u1 $0x1  }
0xb3: {  	s31 =	simm.s32 $0x3C;
	s2 =	stileid.u32;
	[sflag:s30] =	ssyncpa.u1 $0x1  }
0xb4: {  	p0 =	sne.s32 s2, $0x0;
	[sflag:s31] =	ssyncpa.u1 $0x1  }
0xb5: {  	s0 =	simm.s32 @p0 $0x1;
	_ =	sfence @p0  }
0xb6: {  	[sflag:s0] =	ssyncpa.u1 @p0 $0x1;
	s0 =	simm.s32 @p0 $0x2  }
0xb7: {  	[sflag:s0] =	ssyncpa.u1 @p0 $0x1  }
0xb8: {  	_ =	strace @p0 $0x90000047  }
0xb9: {  	[bflag:$0x2] =	sbarrier.arrive @p0 $0xFFFF  }
0xba: {  	_ =	shalt @p0  }
.LBB2_14:
0xbb: {  	_ =	sfence.stream.spmem;
	s0 =	simm.s32 $0x5  }
0xbc: {  	s2 =	simm.s32 $0x80;
	s3 =	simm.s32 $0xC0;
	[sflag:s0] =	ssyncpa.u1 $0x0  }
0xbd: {  	[tilespmem:s3], [sflag:$0x5] =	stream.linear.gather [spmem:s2], $0x20, $0x38;
	[tilespmem:$0x1320] =	vst v63  }
0xbe: {  	s2 =	simm.s32 $0x0;
	s3 =	simm.s32 $0xE0  }
0xbf: {  	[tilespmem:s3], [sflag:$0x5] =	stream.linear.gather [spmem:s2], $0x20, $0x38;
	[tilespmem:$0x1320] =	vst v63  }
.Ltmp9:
0xc0: {  	_ = 	snop;
	(pc) =	sbr.rel .LBB2_15-.Ltmp9, $4  }
0xc1: {  	_ =	swait.ge [sflag:s0], $0x40  }
0xc2: {  	[sflag:s0] =	ssyncset.done $0x0  }
0xc3: {  	s31 =	simm.s32 $0x6;
	[sflag:s0] =	ssyncadd.s32 $0xFFFFFFC0  }
0xc4: {  	s4 =	simm.s32 $0x0;
	[sflag:s31] =	ssyncpa.u1 $0x0  }
.LBB2_20:
0xc5: {  	p0 =	sgt.u32 s0, $0x4E1FFF  }
0xc6: {  	s5 =	sshrl.u32 @!p0 s0, $0x3  }
0xc7: {  	s0 =	sand.u32 @!p0 $0x7, s0;
	s6 =	simm.s32 @!p0 $0xB0;
	s5 =	sadd.s32 @!p0 s1, s5  }
0xc8: {  	[tilespmem:s6], [sflag:$0x6] =	stream.linear.gather @!p0 [hbm4b:s5+s0], $0x1, $0x38;
	[tilespmem:$0x1320] =	vst v63  }
0xc9: {  	s0 =	simm.s32 @!p0 $0x6  }
0xca: {  	_ =	swait.ge @!p0 [sflag:s0], $0x1  }
0xcb: {  	[sflag:s0] =	ssyncset.done @!p0 $0x0  }
0xcc: {  	[sflag:s0] =	ssyncadd.s32 @!p0 $0xFFFFFFFF  }
0xcd: {  	v2 =	vmov @!p0 s4;
	v1 =	vld.msk @!p0 [tilespmem:$0xB0], $0x1;
	_ =	sdelay $0x3  }
0xce: {  	s0 =	simm.s32 @!p0 $0xE0  }
0xcf: {  	[tilespmem:v2+s0+$0x0], v1 =	vst.idx.ret.add.f32.msk @!p0 $0x1, v1  }
0xd0: {  	[tilespmem:s2+$0xC0] =	vst.msk $0x1, v0  }
0xd1: {  	v0 =	vld.msk [tilespmem:s4+$0xE0], $0x1;
	_ =	sdelay $0x4  }
0xd2: {  	[tilespmem:s2+$0xE0] =	vst.msk $0x1, v0;
	s2 =	sadd.s32 $0x1, s2  }
.LBB2_22:
0xd3: {  	s4 =	sadd.s32 $0x1, s4  }
0xd4: {  	p0 =	sne.s32 s4, $0x20  }
.Ltmp10:
0xd5: {  	_ = 	snop;
	(pc) =	sbr.rel @!p0 .LBB2_23-.Ltmp10, $1  }
0xd6: {  	_ =	sdelay $0x3  }
.LBB2_15:
0xd7: {  	v0 =	vld.msk [tilespmem:s4+$0xC0], $0x1;
	_ =	sdelay $0x4  }
0xd8: {  	(v2sf) =	vpush v0, $0x0;
	_ =	sdelay $0xe  }
0xd9: {  	s0 =	spop (v2sf)  }
0xda: {  	p0 =	seq.s32 s0, $0xFFFFFFFF  }
.Ltmp11:
0xdb: {  	_ = 	snop;
	(pc) =	sbr.rel @p0 .LBB2_22-.Ltmp11, $1  }
0xdc: {  	_ =	sdelay $0x3  }
0xdd: {  	p0 =	slt.s32 s2, $0x1  }
.Ltmp12:
0xde: {  	_ = 	snop;
	(pc) =	sbr.rel @p0 .LBB2_20-.Ltmp12, $1  }
0xdf: {  	_ =	sdelay $0x3  }
0xe0: {  	s5 =	simm.s32 $0xC0;
	p0 =	por $0x0, $0x0  }
0xe1: {  	v1 =	vld.msk @!p0 [tilespmem:s5+$0x0], $0x1;
	_ =	sdelay $0x4  }
0xe2: {  	(v2sf) =	vpush @!p0 v1, $0x0;
	_ =	sdelay $0xd  }
0xe3: {  	p2 =	sne.s32 s2, $0x1  }
.Ltmp13:
0xe4: {  	s6 =	spop @!p0 (v2sf);
	(pc) =	sbr.rel @!p2 .LBB2_19-.Ltmp13, $4  }
0xe5: {  	p1 =	seq.s32 @!p0 s0, s6  }
0xe6: {  	s6 =	simm.s32 $0x0;
	p1 =	por !p1, p0  }
0xe7: {  	s8 =	simm.s32 $0xFFFFFFFF;
	s6 =	simm.s32 @p1 $0xFFFFFFFF  }
0xe8: {  	s7 =	simm.s32 $0x1;
	s6 =	smov.u32 @p0 s8  }
.LBB2_18:
0xe9: {  	s8 =	smov.u32 s6;
	p0 =	sne.s32 s6, $0xFFFFFFFF  }
0xea: {  	s5 =	sadd.s32 $0x1, s5;
	s6 =	smov.u32 s7;
	s7 =	sadd.s32 $0x1, s7  }
0xeb: {  	p1 =	sne.s32 s2, s7;
	v1 =	vld.msk @!p0 [tilespmem:s5+$0x0], $0x1;
	_ =	sdelay $0x4  }
0xec: {  	(v2sf) =	vpush @!p0 v1, $0x0;
	_ =	sdelay $0xe  }
.Ltmp14:
0xed: {  	s9 =	spop @!p0 (v2sf);
	(pc) =	sbr.rel @p1 .LBB2_18-.Ltmp14, $4  }
0xee: {  	p2 =	seq.s32 @!p0 s0, s9  }
0xef: {  	p2 =	por !p2, p0  }
0xf0: {  	s6 =	simm.s32 @p2 $0xFFFFFFFF  }
0xf1: {  	s6 =	smov.u32 @p0 s8  }
.LBB2_19:
0xf2: {  	p0 =	sne.s32 s6, $0xFFFFFFFF  }
.Ltmp15:
0xf3: {  	_ = 	snop;
	(pc) =	sbr.rel @!p0 .LBB2_20-.Ltmp15, $1  }
0xf4: {  	_ =	sdelay $0x3  }
0xf5: {  	v0 =	vld.msk [tilespmem:s4+$0xE0], $0x1;
	v1 =	vmov s6  }
.Ltmp16:
0xf6: {  	_ = 	snop;
	(pc) =	sbr.rel .LBB2_22-.Ltmp16, $2  }
0xf7: {  	_ =	sdelay $0x2  }
0xf8: {  	[tilespmem:v1+s3+$0x0], v0 =	vst.idx.ret.add.f32.msk $0x1, v0  }
.LBB2_23:
0xf9: {  	p0 =	slt.s32 s2, $0x1  }
.Ltmp17:
0xfa: {  	_ = 	snop;
	(pc) =	sbr.rel @p0 .LBB2_27-.Ltmp17, $3  }
0xfb: {  	_ =	sdelay $0x1  }
0xfc: {  	s0 =	simm.s32 $0x6  }
0xfd: {  	[sflag:s0] =	ssyncpa.u1 $0x1;
	s0 =	simm.s32 $0x0  }
0xfe: {  	s3 =	simm.s32 $0xC0  }
0xff: {  	v0 =	vld.msk [tilespmem:s3+$0x0], $0x1;
	_ =	sdelay $0x4  }
0x100: {  	(v2sf) =	vpush v0, $0x0;
	_ =	sdelay $0xe  }
0x101: {  	s2 =	sadd.s32 $0xFFFFFFFF, s2;
	s4 =	spop (v2sf)  }
0x102: {  	p1 =	sne.s32 s2, $0x0;
	p0 =	sgt.u32 s4, $0x4E1FFF  }
.Ltmp18:
0x103: {  	s5 =	sshrl.u32 @!p0 s4, $0x3;
	(pc) =	sbr.rel @!p1 .LBB2_26-.Ltmp18, $4  }
0x104: {  	s3 =	simm.s32 $0xE0;
	s4 =	sand.u32 @!p0 $0x7, s4;
	s5 =	sadd.s32 @!p0 s1, s5  }
0x105: {  	[hbm4b:s5+s4] =	stream.linear.scatter @!p0 [tilespmem:s3], [sflag:$0x5], $0x1, $0x38;
	[tilespmem:$0x1320] =	vst v63  }
0x106: {  	s5 =	simm.s32 $0x0  }
0x107: {  	s4 =	simm.s32 $0xC1;
	s5 =	simm.s32 @!p0 $0x4  }
.LBB2_25:
0x108: {  	v0 =	vld.msk [tilespmem:s4+$0x0], $0x1;
	s2 =	sadd.s32 $0xFFFFFFFF, s2;
	s0 =	sadd.s32 s0, s5  }
0x109: {  	p0 =	sne.s32 s2, $0x0;
	_ =	sdelay $0x3  }
0x10a: {  	(v2sf) =	vpush v0, $0x0;
	_ =	sdelay $0xe  }
.Ltmp19:
0x10b: {  	s6 =	spop (v2sf);
	(pc) =	sbr.rel @p0 .LBB2_25-.Ltmp19, $4  }
0x10c: {  	s5 =	simm.s32 $0x0;
	p1 =	sgt.u32 s6, $0x4E1FFF  }
0x10d: {  	s3 =	sadd.s32 $0x1, s3;
	s5 =	simm.s32 @!p1 $0x4;
	s7 =	sshrl.u32 @!p1 s6, $0x3  }
0x10e: {  	s4 =	sadd.s32 $0x1, s4;
	s6 =	sand.u32 @!p1 $0x7, s6;
	s7 =	sadd.s32 @!p1 s1, s7  }
0x10f: {  	[hbm4b:s7+s6] =	stream.linear.scatter @!p1 [tilespmem:s3], [sflag:$0x5], $0x1, $0x38;
	[tilespmem:$0x1320] =	vst v63  }
.LBB2_26:
0x110: {  	s0 =	sadd.s32 s0, s5  }
0x111: {  	s0 =	sshrl.u32 s0, $0x2  }
.LBB2_27:
0x112: {  	s1 =	simm.s32 $0x5  }
0x113: {  	_ =	swait.ge [sflag:s1], s0  }
0x114: {  	s28 =	ssub.s32 $0x0, s0;
	[sflag:s1] =	ssyncset.done $0x0  }
0x115: {  	[sflag:s1] =	ssyncadd.s32 s28  }
0x116: {  	[sflag:s1] =	ssyncpa.u1 $0x1  }
0x117: {  	s29 =	simm.s32 $0x1;
	_ =	sfence  }
0x118: {  	s30 =	simm.s32 $0x2;
	[sflag:s29] =	ssyncpa.u1 $0x1  }
0x119: {  	[sflag:s30] =	ssyncpa.u1 $0x1  }
0x11a: {  	_ =	strace $0x90000047  }
0x11b: {  	[bflag:$0x2] =	sbarrier.arrive $0xFFFF  }
0x11c: {  	s31 =	rddreg [dreg:$0x2]  }
0x11d: {  	s0 =	sadd.s32 $0x100000, s31  }
0x11e: {  	[sflag:s0] =	ssyncadd.tile.s32 $0x1;
	_ =	shalt  }
.Lfunc_end2:
_tile_overlayer_lowered:
.L_overlay_start_2:
0x11f: {  	(tag) =	ssettag $0x2  }
0x120: {  	s0 =	rddreg [dreg:$0x0];
	s2 =	stileid.u32  }
0x121: {  	s1 =	rddreg [dreg:$0x1];
	p0 =	sne.s32 s2, $0x0  }
0x122: {  	s3 =	rddreg [dreg:$0x2];
	[bflag:$0x3] =	sbarrier.arrive $0xFFFF;
	s2 =	simm.s32 @!p0 $0x1C01  }
0x123: {  	[timem:s3], [sflag:s2] =	dma.local @!p0 [hbm:s0], s1  }
0x124: {  	s0 =	simm.s32 @!p0 $0x1  }
0x125: {  	_ =	swait.ge @!p0 [sflag:s0], s1  }
0x126: {  	s1 =	ssub.s32 @!p0 $0x0, s1;
	[sflag:s0] =	ssyncset.done @!p0 $0x0  }
0x127: {  	[sflag:s0] =	ssyncadd.s32 @!p0 s1  }
0x128: {  	[bflag:$0x3] =	sbarrier.arrive $0xFFFF  }
0x129: {  	_ =	shalt  }

</sc_bundles>
